<compile_context>
chip_gen: v7x
topology: tpu7x:2x2x1
jax: 0.10.2.dev20260603
libtpu: 0.0.44.dev20260713+nightly
codegen_flags: <defaults>
</compile_context>

<pallas_src>
import functools

import jax
import jax.numpy as jnp
from jax import lax
from jax.experimental import pallas as pl
from jax.experimental.pallas import tpu as pltpu
from jax.experimental.pallas import tpu_sc as plsc

N = 10000
NP = 10240
D = 128
E = 320000
NC = 2
NS = 16
NW = NC * NS
EPW = E // NW
CHA = 80
CHB = 40
GRP = 2 * CHA + CHB
NGROUP = EPW // GRP
CH = 80
NCHUNK = EPW // CH
RPT = NP // NS
CNTW = 16


def _sc_agg_body(ei_hbm, h_hbm, out_hbm,
                 sidx, didx, rowsa, rowsb, rowsc, acc_sh,
                 sema, semb, semc):
    c = lax.axis_index("c")
    s = lax.axis_index("s")
    wid = s * NC + c

    zeros16 = jnp.zeros((16,), jnp.float32)

    def zrow(i, carry):
        for k in range(D // 16):
            rowsa[i, pl.ds(k * 16, 16)] = zeros16
        return carry

    lax.fori_loop(0, CHA, zrow, 0)
    zh = [pltpu.async_copy(rowsa, acc_sh.at[pl.ds(s * RPT + k * CHA, CHA)],
                           sema)
          for k in range(RPT // CHA)]
    ih = [pltpu.async_copy(ei_hbm.at[0, pl.ds(wid * EPW, EPW)], sidx, semb),
          pltpu.async_copy(ei_hbm.at[1, pl.ds(wid * EPW, EPW)], didx, semc)]
    for hcopy in zh + ih:
        hcopy.wait()

    plsc.subcore_barrier()

    def gat(off, ln, buf, sem):
        return pltpu.make_async_copy(
            h_hbm.at[sidx.at[pl.ds(off, ln)]], buf, sem)

    def fire(off, ln, buf, sem):
        pltpu.async_copy(h_hbm.at[sidx.at[pl.ds(off, ln)]], buf, sem)

    def scat(off, ln, buf):
        pltpu.sync_copy(buf, acc_sh.at[didx.at[pl.ds(off, ln)]], add=True)

    fire(0, CHA, rowsa, sema)
    fire(CHA, CHA, rowsb, semb)

    def group(g, carry):
        off = g * GRP
        gat(off, CHA, rowsa, sema).wait()
        fire(off + 2 * CHA, CHB, rowsc, semc)
        scat(off, CHA, rowsa)

        gat(off + CHA, CHA, rowsb, semb).wait()
        pl.when(g < NGROUP - 1)(
            lambda: fire(off + GRP, CHA, rowsa, sema))
        scat(off + CHA, CHA, rowsb)

        gat(off + 2 * CHA, CHB, rowsc, semc).wait()
        pl.when(g < NGROUP - 1)(
            lambda: fire(off + GRP + CHA, CHA, rowsb, semb))
        scat(off + 2 * CHA, CHB, rowsc)
        return carry

    lax.fori_loop(0, NGROUP, group, 0)

    plsc.subcore_barrier()

    pltpu.sync_copy(acc_sh.at[pl.ds(s * RPT, RPT)],
                    out_hbm.at[c, pl.ds(s * RPT, RPT)])


@functools.cache
def _make_sc_agg():
    mesh = plsc.VectorSubcoreMesh(core_axis_name="c", subcore_axis_name="s",
                                  num_cores=NC, num_subcores=NS)
    scratch = (
        [pltpu.VMEM((EPW,), jnp.int32)] * 2 +
        [pltpu.VMEM((CHA, D), jnp.float32)] * 2 +
        [pltpu.VMEM((CHB, D), jnp.float32)] +
        [pltpu.VMEM_SHARED((NP, D), jnp.float32),
         pltpu.SemaphoreType.DMA, pltpu.SemaphoreType.DMA,
         pltpu.SemaphoreType.DMA]
    )
    return pl.kernel(
        _sc_agg_body,
        out_type=jax.ShapeDtypeStruct((NC, NP, D), jnp.float32),
        mesh=mesh,
        scratch_types=scratch,
        compiler_params=pltpu.CompilerParams(use_tc_tiling_on_sc=False),
    )


def _sc_count_body(ei_hbm, cnt_hbm, didx, cbuf, cnt_sh, sem0):
    c = lax.axis_index("c")
    s = lax.axis_index("s")
    wid = s * NC + c

    zeros16 = jnp.zeros((16,), jnp.float32)

    def zrow(i, carry):
        cbuf[i, pl.ds(0, CNTW)] = zeros16
        return carry

    lax.fori_loop(0, CH, zrow, 0)
    zh = [pltpu.async_copy(cbuf, cnt_sh.at[pl.ds(s * RPT + k * CH, CH)],
                           sem0)
          for k in range(RPT // CH)]
    pltpu.sync_copy(ei_hbm.at[1, pl.ds(wid * EPW, EPW)], didx)
    for hcopy in zh:
        hcopy.wait()

    ones16 = jnp.ones((16,), jnp.float32)

    def orow(i, carry):
        cbuf[i, pl.ds(0, CNTW)] = ones16
        return carry

    lax.fori_loop(0, CH, orow, 0)

    plsc.subcore_barrier()

    def fire(j, carry):
        pltpu.async_copy(cbuf, cnt_sh.at[didx.at[pl.ds(j * CH, CH)]], sem0,
                         add=True)
        return carry

    lax.fori_loop(0, NCHUNK, fire, 0)

    def drain(j, carry):
        pltpu.make_async_copy(
            cbuf, cnt_sh.at[didx.at[pl.ds(0, CH)]], sem0).wait()
        return carry

    lax.fori_loop(0, NCHUNK, drain, 0)

    plsc.subcore_barrier()
    pltpu.sync_copy(cnt_sh.at[pl.ds(s * RPT, RPT)],
                    cnt_hbm.at[c, pl.ds(s * RPT, RPT)])


@functools.cache
def _make_sc_count():
    mesh = plsc.VectorSubcoreMesh(core_axis_name="c", subcore_axis_name="s",
                                  num_cores=NC, num_subcores=NS)
    scratch = [
        pltpu.VMEM((EPW,), jnp.int32),
        pltpu.VMEM((CH, CNTW), jnp.float32),
        pltpu.VMEM_SHARED((NP, CNTW), jnp.float32),
        pltpu.SemaphoreType.DMA,
    ]
    return pl.kernel(
        _sc_count_body,
        out_type=jax.ShapeDtypeStruct((NC, NP, CNTW), jnp.float32),
        mesh=mesh,
        scratch_types=scratch,
        compiler_params=pltpu.CompilerParams(use_tc_tiling_on_sc=False),
    )


def _dense_body(h_ref, a_ref, c_ref, wl_ref, bl_ref,
                wr_ref, o_ref):
    summed = a_ref[0] + a_ref[1]
    cnt = c_ref[0][:, :1] + c_ref[1][:, :1]
    mean = summed / jnp.maximum(cnt, 1.0)
    out = jnp.dot(mean, wl_ref[...], preferred_element_type=jnp.float32)
    out = out + jnp.dot(h_ref[...], wr_ref[...],
                        preferred_element_type=jnp.float32)
    o_ref[...] = jnp.maximum(out + bl_ref[...], 0.0)


_BN = 2000


def _dense_layer(h, agg, cnt, wlT, bl, wrT):
    grid = (N // _BN,)
    return pl.pallas_call(
        _dense_body,
        grid=grid,
        in_specs=[
            pl.BlockSpec((_BN, D), lambda i: (i, 0)),
            pl.BlockSpec((NC, _BN, D), lambda i: (0, i, 0)),
            pl.BlockSpec((NC, _BN, CNTW), lambda i: (0, i, 0)),
            pl.BlockSpec((D, D), lambda i: (0, 0)),
            pl.BlockSpec((1, D), lambda i: (0, 0)),
            pl.BlockSpec((D, D), lambda i: (0, 0)),
        ],
        out_specs=pl.BlockSpec((_BN, D), lambda i: (i, 0)),
        out_shape=jax.ShapeDtypeStruct((N, D), jnp.float32),
    )(h, agg, cnt, wlT, bl, wrT)


def _dense_mlp_body(h1_ref, a_ref, c_ref, wl_ref, bl_ref, wr_ref,
                    h0_ref, w2a_ref, w2b_ref, w2c_ref, b2_ref,
                    w3_ref, b3_ref, o_ref):
    summed = a_ref[0] + a_ref[1]
    cnt = c_ref[0][:, :1] + c_ref[1][:, :1]
    mean = summed / jnp.maximum(cnt, 1.0)
    out = jnp.dot(mean, wl_ref[...], preferred_element_type=jnp.float32)
    out = out + jnp.dot(h1_ref[...], wr_ref[...],
                        preferred_element_type=jnp.float32)
    h2 = jnp.maximum(out + bl_ref[...], 0.0)
    p = jnp.dot(h0_ref[...], w2a_ref[...], preferred_element_type=jnp.float32)
    p = p + jnp.dot(h1_ref[...], w2b_ref[...],
                    preferred_element_type=jnp.float32)
    p = p + jnp.dot(h2, w2c_ref[...], preferred_element_type=jnp.float32)
    p = jnp.maximum(p + b2_ref[...], 0.0)
    o_ref[...] = jnp.dot(p, w3_ref[...],
                         preferred_element_type=jnp.float32) + b3_ref[...]


def _dense_mlp(h1, agg, cnt, wlT, bl, wrT, h0, w2a, w2b, w2c, b2, w3T, b3):
    D2 = 2 * D
    grid = (N // _BN,)
    return pl.pallas_call(
        _dense_mlp_body,
        grid=grid,
        in_specs=[
            pl.BlockSpec((_BN, D), lambda i: (i, 0)),
            pl.BlockSpec((NC, _BN, D), lambda i: (0, i, 0)),
            pl.BlockSpec((NC, _BN, CNTW), lambda i: (0, i, 0)),
            pl.BlockSpec((D, D), lambda i: (0, 0)),
            pl.BlockSpec((1, D), lambda i: (0, 0)),
            pl.BlockSpec((D, D), lambda i: (0, 0)),
            pl.BlockSpec((_BN, D), lambda i: (i, 0)),
            pl.BlockSpec((D, D2), lambda i: (0, 0)),
            pl.BlockSpec((D, D2), lambda i: (0, 0)),
            pl.BlockSpec((D, D2), lambda i: (0, 0)),
            pl.BlockSpec((1, D2), lambda i: (0, 0)),
            pl.BlockSpec((D2, D), lambda i: (0, 0)),
            pl.BlockSpec((1, D), lambda i: (0, 0)),
        ],
        out_specs=pl.BlockSpec((_BN, D), lambda i: (i, 0)),
        out_shape=jax.ShapeDtypeStruct((N, D), jnp.float32),
    )(h1, agg, cnt, wlT, bl, wrT, h0, w2a, w2b, w2c, b2, w3T, b3)


def kernel(x, edge_index, Wl0, bl0, Wr0, Wl1, bl1, Wr1, Wl2, bl2, Wr2,
           W2, b2, W3, b3):
    ei = edge_index.astype(jnp.int32)

    wlT = [Wl0.T, Wl1.T, Wl2.T]
    wrT = [Wr0.T, Wr1.T, Wr2.T]
    bl = [bl0.reshape(1, D), bl1.reshape(1, D), bl2.reshape(1, D)]

    cnt = _make_sc_count()(ei)
    h0 = _dense_layer(x, _make_sc_agg()(ei, x), cnt, wlT[0], bl[0], wrT[0])
    h1 = _dense_layer(h0, _make_sc_agg()(ei, h0), cnt, wlT[1], bl[1], wrT[1])
    agg2 = _make_sc_agg()(ei, h1)
    w2T = W2.T
    out = _dense_mlp(h1, agg2, cnt, wlT[2], bl[2], wrT[2], h0,
                     w2T[0:D], w2T[D:2 * D], w2T[2 * D:3 * D],
                     b2.reshape(1, 2 * D), W3.T, b3.reshape(1, D))
    return out

# --- scband reference (transcript-rebuilt; emitter-appended) ---
"""Pipeline reference for scband-encoder-16484084483579 (READ-ONLY COPY).

The authoritative reference and input builder live on the scoring server;
editing this copy changes nothing except your own understanding.
"""

import jax, jax.numpy as jnp
import numpy as np

N_NODES = 10000
N_EDGES = 320000
D = 128          # in_channels == inter_channels (fc1 is None)
D_OUT = 128      # out_channels
K = 3            # number of SAGEConv layers


def setup_inputs(seed: int = 0) -> dict:
    key = jax.random.key(seed)
    ks = jax.random.split(key, 20)
    inp = {}
    inp['x'] = jax.random.normal(ks[0], (N_NODES, D), dtype=jnp.float32)
    inp['edge_index'] = jax.random.randint(ks[1], (2, N_EDGES), 0, N_NODES, dtype=jnp.int64)
    s = 1.0 / np.sqrt(D)
    # 3 SAGEConv layers: lin_l (with bias) applied to aggregated neighbors, lin_r (no bias) to self
    for i in range(K):
        inp[f'Wl{i}'] = jax.random.uniform(ks[2 + 3 * i], (D, D), minval=-s, maxval=s, dtype=jnp.float32)
        inp[f'bl{i}'] = jax.random.uniform(ks[3 + 3 * i], (D,), minval=-s, maxval=s, dtype=jnp.float32)
        inp[f'Wr{i}'] = jax.random.uniform(ks[4 + 3 * i], (D, D), minval=-s, maxval=s, dtype=jnp.float32)
    s2 = 1.0 / np.sqrt(K * D)
    inp['W2'] = jax.random.uniform(ks[11], (2 * D_OUT, K * D), minval=-s2, maxval=s2, dtype=jnp.float32)
    inp['b2'] = jax.random.uniform(ks[12], (2 * D_OUT,), minval=-s2, maxval=s2, dtype=jnp.float32)
    s3 = 1.0 / np.sqrt(2 * D_OUT)
    inp['W3'] = jax.random.uniform(ks[13], (D_OUT, 2 * D_OUT), minval=-s3, maxval=s3, dtype=jnp.float32)
    inp['b3'] = jax.random.uniform(ks[14], (D_OUT,), minval=-s3, maxval=s3, dtype=jnp.float32)
    return inp


def _sage_conv(x, edge_index, Wl, bl, Wr):
    # PyG SAGEConv with aggr='mean': out = lin_l(mean_{j in N(i)} x_j) + lin_r(x_i)
    src = edge_index[0]
    dst = edge_index[1]
    msgs = jnp.take(x, src, axis=0)                                   # gather [E, D]
    summed = jax.ops.segment_sum(msgs, dst, num_segments=N_NODES)     # scatter-add
    cnt = jax.ops.segment_sum(jnp.ones((msgs.shape[0], 1), dtype=x.dtype), dst, num_segments=N_NODES)
    mean = summed / jnp.maximum(cnt, 1.0)
    return mean @ Wl.T + bl + x @ Wr.T


def reference(x, edge_index, Wl0, bl0, Wr0, Wl1, bl1, Wr1, Wl2, bl2, Wr2, W2, b2, W3, b3):
    # fc1 is None since inter_channels == in_channels
    Wls = [Wl0, Wl1, Wl2]
    bls = [bl0, bl1, bl2]
    Wrs = [Wr0, Wr1, Wr2]
    h = x
    zs = []
    for i in range(K):
        h = _sage_conv(h, edge_index, Wls[i], bls[i], Wrs[i])
        h = jax.nn.relu(h)
        # dropout: eval mode / identity
        zs.append(h)
    z = jnp.concatenate(zs, axis=1)  # structure='Pre' -> [N, K*D]
    # projection: fc3(relu(fc2(z)))
    p = jax.nn.relu(z @ W2.T + b2)
    out = p @ W3.T + b3
    return out

if __name__ == "__main__":
    import jax
    _d = setup_inputs()
    print(jax.jit(kernel)(*tuple(_d.values())))

</pallas_src>

<mosaic_0001>
#map = affine_map<(d0, d1) -> (0, 0)>
#map1 = affine_map<(d0, d1) -> (0, 0, 0)>
module attributes {stable_mosaic.version = 14 : i64} {
  func.func @_sc_agg_body(%arg0: i32, %arg1: i32, %arg2: memref<2x320000xi32, #tpu.memory_space<hbm>>, %arg3: memref<10000x128xf32, #tpu.memory_space<hbm>>, %arg4: memref<2x10240x128xf32, #tpu.memory_space<hbm>>, %arg5: memref<10000xi32, #tpu.memory_space<vmem>>, %arg6: memref<10000xi32, #tpu.memory_space<vmem>>, %arg7: memref<80x128xf32, #tpu.memory_space<vmem>>, %arg8: memref<80x128xf32, #tpu.memory_space<vmem>>, %arg9: memref<40x128xf32, #tpu.memory_space<vmem>>, %arg10: memref<10240x128xf32, #tpu.memory_space<vmem_shared>>, %arg11: memref<!tpu.dma_semaphore, #tpu.memory_space<semaphore_mem>>, %arg12: memref<!tpu.dma_semaphore, #tpu.memory_space<semaphore_mem>>, %arg13: memref<!tpu.dma_semaphore, #tpu.memory_space<semaphore_mem>>) attributes {dimension_semantics = [#tpu.dimension_semantics<core_parallel>, #tpu.dimension_semantics<subcore_parallel>], iteration_bounds = array<i64: 2, 16>, scalar_prefetch = 0 : i64, scratch_operands = 9 : i64, tpu.core_type = #tpu.core_type<sc_vector_subcore>, window_params = [{transform_indices = #map}, {transform_indices = #map}, {transform_indices = #map1}]} {
    %mul3A = arith.constant 2 : i32
    %mul3A_0 = arith.muli %arg1, %mul3A : i32
    %add3A = arith.addi %mul3A_0, %arg0 : i32
    %broadcast_in_dim3A = arith.constant 0.000000e+00 : f32
    %broadcast_in_dim3A_1 = vector.broadcast %broadcast_in_dim3A : f32 to vector<16xf32>
    %scan3A = arith.constant 0 : i32
    %scan3A_2 = arith.constant 0 : i32
    %scan3A_3 = arith.constant 80 : i32
    %scan3A_4 = arith.addi %scan3A_2, %scan3A_3 : i32
    %scan3A_5 = arith.constant 1 : i32
    scf.for %scan3A_146 = %scan3A_2 to %scan3A_4 step %scan3A_5  : i32 {
      %swap3A = arith.index_cast %scan3A_146 : i32 to index
      %swap3A_147 = arith.constant 0 : index
      %swap3A_148 = tpu.vector_load %arg7[%swap3A, %swap3A_147] {strides = array<i32>} : memref<80x128xf32, #tpu.memory_space<vmem>>, vector<1x16xf32>,
      %swap3A_149 = vector.shape_cast %swap3A_148 : vector<1x16xf32> to vector<16xf32>
      %swap3A_150 = vector.shape_cast %broadcast_in_dim3A_1 : vector<16xf32> to vector<1x16xf32>
      tpu.vector_store %arg7[%swap3A, %swap3A_147], %swap3A_150 {strides = array<i32>} : memref<80x128xf32, #tpu.memory_space<vmem>>, vector<1x16xf32>,
      %swap3A_151 = arith.index_cast %scan3A_146 : i32 to index
      %swap3A_152 = arith.constant 16 : index
      %swap3A_153 = tpu.vector_load %arg7[%swap3A_151, %swap3A_152] {strides = array<i32>} : memref<80x128xf32, #tpu.memory_space<vmem>>, vector<1x16xf32>,
      %swap3A_154 = vector.shape_cast %swap3A_153 : vector<1x16xf32> to vector<16xf32>
      %swap3A_155 = vector.shape_cast %broadcast_in_dim3A_1 : vector<16xf32> to vector<1x16xf32>
      tpu.vector_store %arg7[%swap3A_151, %swap3A_152], %swap3A_155 {strides = array<i32>} : memref<80x128xf32, #tpu.memory_space<vmem>>, vector<1x16xf32>,
      %swap3A_156 = arith.index_cast %scan3A_146 : i32 to index
      %swap3A_157 = arith.constant 32 : index
      %swap3A_158 = tpu.vector_load %arg7[%swap3A_156, %swap3A_157] {strides = array<i32>} : memref<80x128xf32, #tpu.memory_space<vmem>>, vector<1x16xf32>,
      %swap3A_159 = vector.shape_cast %swap3A_158 : vector<1x16xf32> to vector<16xf32>
      %swap3A_160 = vector.shape_cast %broadcast_in_dim3A_1 : vector<16xf32> to vector<1x16xf32>
      tpu.vector_store %arg7[%swap3A_156, %swap3A_157], %swap3A_160 {strides = array<i32>} : memref<80x128xf32, #tpu.memory_space<vmem>>, vector<1x16xf32>,
      %swap3A_161 = arith.index_cast %scan3A_146 : i32 to index
      %swap3A_162 = arith.constant 48 : index
      %swap3A_163 = tpu.vector_load %arg7[%swap3A_161, %swap3A_162] {strides = array<i32>} : memref<80x128xf32, #tpu.memory_space<vmem>>, vector<1x16xf32>,
      %swap3A_164 = vector.shape_cast %swap3A_163 : vector<1x16xf32> to vector<16xf32>
      %swap3A_165 = vector.shape_cast %broadcast_in_dim3A_1 : vector<16xf32> to vector<1x16xf32>
      tpu.vector_store %arg7[%swap3A_161, %swap3A_162], %swap3A_165 {strides = array<i32>} : memref<80x128xf32, #tpu.memory_space<vmem>>, vector<1x16xf32>,
      %swap3A_166 = arith.index_cast %scan3A_146 : i32 to index
      %swap3A_167 = arith.constant 64 : index
      %swap3A_168 = tpu.vector_load %arg7[%swap3A_166, %swap3A_167] {strides = array<i32>} : memref<80x128xf32, #tpu.memory_space<vmem>>, vector<1x16xf32>,
      %swap3A_169 = vector.shape_cast %swap3A_168 : vector<1x16xf32> to vector<16xf32>
      %swap3A_170 = vector.shape_cast %broadcast_in_dim3A_1 : vector<16xf32> to vector<1x16xf32>
      tpu.vector_store %arg7[%swap3A_166, %swap3A_167], %swap3A_170 {strides = array<i32>} : memref<80x128xf32, #tpu.memory_space<vmem>>, vector<1x16xf32>,
      %swap3A_171 = arith.index_cast %scan3A_146 : i32 to index
      %swap3A_172 = arith.constant 80 : index
      %swap3A_173 = tpu.vector_load %arg7[%swap3A_171, %swap3A_172] {strides = array<i32>} : memref<80x128xf32, #tpu.memory_space<vmem>>, vector<1x16xf32>,
      %swap3A_174 = vector.shape_cast %swap3A_173 : vector<1x16xf32> to vector<16xf32>
      %swap3A_175 = vector.shape_cast %broadcast_in_dim3A_1 : vector<16xf32> to vector<1x16xf32>
      tpu.vector_store %arg7[%swap3A_171, %swap3A_172], %swap3A_175 {strides = array<i32>} : memref<80x128xf32, #tpu.memory_space<vmem>>, vector<1x16xf32>,
      %swap3A_176 = arith.index_cast %scan3A_146 : i32 to index
      %swap3A_177 = arith.constant 96 : index
      %swap3A_178 = tpu.vector_load %arg7[%swap3A_176, %swap3A_177] {strides = array<i32>} : memref<80x128xf32, #tpu.memory_space<vmem>>, vector<1x16xf32>,
      %swap3A_179 = vector.shape_cast %swap3A_178 : vector<1x16xf32> to vector<16xf32>
      %swap3A_180 = vector.shape_cast %broadcast_in_dim3A_1 : vector<16xf32> to vector<1x16xf32>
      tpu.vector_store %arg7[%swap3A_176, %swap3A_177], %swap3A_180 {strides = array<i32>} : memref<80x128xf32, #tpu.memory_space<vmem>>, vector<1x16xf32>,
      %swap3A_181 = arith.index_cast %scan3A_146 : i32 to index
      %swap3A_182 = arith.constant 112 : index
      %swap3A_183 = tpu.vector_load %arg7[%swap3A_181, %swap3A_182] {strides = array<i32>} : memref<80x128xf32, #tpu.memory_space<vmem>>, vector<1x16xf32>,
      %swap3A_184 = vector.shape_cast %swap3A_183 : vector<1x16xf32> to vector<16xf32>
      %swap3A_185 = vector.shape_cast %broadcast_in_dim3A_1 : vector<16xf32> to vector<1x16xf32>
      tpu.vector_store %arg7[%swap3A_181, %swap3A_182], %swap3A_185 {strides = array<i32>} : memref<80x128xf32, #tpu.memory_space<vmem>>, vector<1x16xf32>,
    }
    %scan3A_6 = arith.constant 80 : i32
    %mul3A_7 = arith.constant 640 : i32
    %mul3A_8 = arith.muli %arg1, %mul3A_7 : i32
    %add3A_9 = arith.constant 0 : i32
    %add3A_10 = arith.addi %mul3A_8, %add3A_9 : i32
    %dma_start3A = arith.constant 0 : i32
    %dma_start3A_11 = tpu.memref_slice %arg10[%add3A_10, %dma_start3A] : memref<10240x128xf32, #tpu.memory_space<vmem_shared>> -> memref<80x128xf32, #tpu.memory_space<vmem_shared>>
    %dma_start3A_12 = arith.constant 0 : i32
    %dma_start3A_13 = tpu.memref_slice %arg10[%add3A_10, %dma_start3A_12] : memref<10240x128xf32, #tpu.memory_space<vmem_shared>> -> memref<80x128xf32, #tpu.memory_space<vmem_shared>>
    tpu.enqueue_dma source(%arg7 : memref<80x128xf32, #tpu.memory_space<vmem>>) target(%dma_start3A_13 : memref<80x128xf32, #tpu.memory_space<vmem_shared>>) target_semaphore(%arg11 : memref<!tpu.dma_semaphore, #tpu.memory_space<semaphore_mem>>)
    %mul3A_14 = arith.constant 640 : i32
    %mul3A_15 = arith.muli %arg1, %mul3A_14 : i32
    %add3A_16 = arith.constant 80 : i32
    %add3A_17 = arith.addi %mul3A_15, %add3A_16 : i32
    %dma_start3A_18 = arith.constant 0 : i32
    %dma_start3A_19 = tpu.memref_slice %arg10[%add3A_17, %dma_start3A_18] : memref<10240x128xf32, #tpu.memory_space<vmem_shared>> -> memref<80x128xf32, #tpu.memory_space<vmem_shared>>
    %dma_start3A_20 = arith.constant 0 : i32
    %dma_start3A_21 = tpu.memref_slice %arg10[%add3A_17, %dma_start3A_20] : memref<10240x128xf32, #tpu.memory_space<vmem_shared>> -> memref<80x128xf32, #tpu.memory_space<vmem_shared>>
    tpu.enqueue_dma source(%arg7 : memref<80x128xf32, #tpu.memory_space<vmem>>) target(%dma_start3A_21 : memref<80x128xf32, #tpu.memory_space<vmem_shared>>) target_semaphore(%arg11 : memref<!tpu.dma_semaphore, #tpu.memory_space<semaphore_mem>>)
    %mul3A_22 = arith.constant 640 : i32
    %mul3A_23 = arith.muli %arg1, %mul3A_22 : i32
    %add3A_24 = arith.constant 160 : i32
    %add3A_25 = arith.addi %mul3A_23, %add3A_24 : i32
    %dma_start3A_26 = arith.constant 0 : i32
    %dma_start3A_27 = tpu.memref_slice %arg10[%add3A_25, %dma_start3A_26] : memref<10240x128xf32, #tpu.memory_space<vmem_shared>> -> memref<80x128xf32, #tpu.memory_space<vmem_shared>>
    %dma_start3A_28 = arith.constant 0 : i32
    %dma_start3A_29 = tpu.memref_slice %arg10[%add3A_25, %dma_start3A_28] : memref<10240x128xf32, #tpu.memory_space<vmem_shared>> -> memref<80x128xf32, #tpu.memory_space<vmem_shared>>
    tpu.enqueue_dma source(%arg7 : memref<80x128xf32, #tpu.memory_space<vmem>>) target(%dma_start3A_29 : memref<80x128xf32, #tpu.memory_space<vmem_shared>>) target_semaphore(%arg11 : memref<!tpu.dma_semaphore, #tpu.memory_space<semaphore_mem>>)
    %mul3A_30 = arith.constant 640 : i32
    %mul3A_31 = arith.muli %arg1, %mul3A_30 : i32
    %add3A_32 = arith.constant 240 : i32
    %add3A_33 = arith.addi %mul3A_31, %add3A_32 : i32
    %dma_start3A_34 = arith.constant 0 : i32
    %dma_start3A_35 = tpu.memref_slice %arg10[%add3A_33, %dma_start3A_34] : memref<10240x128xf32, #tpu.memory_space<vmem_shared>> -> memref<80x128xf32, #tpu.memory_space<vmem_shared>>
    %dma_start3A_36 = arith.constant 0 : i32
    %dma_start3A_37 = tpu.memref_slice %arg10[%add3A_33, %dma_start3A_36] : memref<10240x128xf32, #tpu.memory_space<vmem_shared>> -> memref<80x128xf32, #tpu.memory_space<vmem_shared>>
    tpu.enqueue_dma source(%arg7 : memref<80x128xf32, #tpu.memory_space<vmem>>) target(%dma_start3A_37 : memref<80x128xf32, #tpu.memory_space<vmem_shared>>) target_semaphore(%arg11 : memref<!tpu.dma_semaphore, #tpu.memory_space<semaphore_mem>>)
    %mul3A_38 = arith.constant 640 : i32
    %mul3A_39 = arith.muli %arg1, %mul3A_38 : i32
    %add3A_40 = arith.constant 320 : i32
    %add3A_41 = arith.addi %mul3A_39, %add3A_40 : i32
    %dma_start3A_42 = arith.constant 0 : i32
    %dma_start3A_43 = tpu.memref_slice %arg10[%add3A_41, %dma_start3A_42] : memref<10240x128xf32, #tpu.memory_space<vmem_shared>> -> memref<80x128xf32, #tpu.memory_space<vmem_shared>>
    %dma_start3A_44 = arith.constant 0 : i32
    %dma_start3A_45 = tpu.memref_slice %arg10[%add3A_41, %dma_start3A_44] : memref<10240x128xf32, #tpu.memory_space<vmem_shared>> -> memref<80x128xf32, #tpu.memory_space<vmem_shared>>
    tpu.enqueue_dma source(%arg7 : memref<80x128xf32, #tpu.memory_space<vmem>>) target(%dma_start3A_45 : memref<80x128xf32, #tpu.memory_space<vmem_shared>>) target_semaphore(%arg11 : memref<!tpu.dma_semaphore, #tpu.memory_space<semaphore_mem>>)
    %mul3A_46 = arith.constant 640 : i32
    %mul3A_47 = arith.muli %arg1, %mul3A_46 : i32
    %add3A_48 = arith.constant 400 : i32
    %add3A_49 = arith.addi %mul3A_47, %add3A_48 : i32
    %dma_start3A_50 = arith.constant 0 : i32
    %dma_start3A_51 = tpu.memref_slice %arg10[%add3A_49, %dma_start3A_50] : memref<10240x128xf32, #tpu.memory_space<vmem_shared>> -> memref<80x128xf32, #tpu.memory_space<vmem_shared>>
    %dma_start3A_52 = arith.constant 0 : i32
    %dma_start3A_53 = tpu.memref_slice %arg10[%add3A_49, %dma_start3A_52] : memref<10240x128xf32, #tpu.memory_space<vmem_shared>> -> memref<80x128xf32, #tpu.memory_space<vmem_shared>>
    tpu.enqueue_dma source(%arg7 : memref<80x128xf32, #tpu.memory_space<vmem>>) target(%dma_start3A_53 : memref<80x128xf32, #tpu.memory_space<vmem_shared>>) target_semaphore(%arg11 : memref<!tpu.dma_semaphore, #tpu.memory_space<semaphore_mem>>)
    %mul3A_54 = arith.constant 640 : i32
    %mul3A_55 = arith.muli %arg1, %mul3A_54 : i32
    %add3A_56 = arith.constant 480 : i32
    %add3A_57 = arith.addi %mul3A_55, %add3A_56 : i32
    %dma_start3A_58 = arith.constant 0 : i32
    %dma_start3A_59 = tpu.memref_slice %arg10[%add3A_57, %dma_start3A_58] : memref<10240x128xf32, #tpu.memory_space<vmem_shared>> -> memref<80x128xf32, #tpu.memory_space<vmem_shared>>
    %dma_start3A_60 = arith.constant 0 : i32
    %dma_start3A_61 = tpu.memref_slice %arg10[%add3A_57, %dma_start3A_60] : memref<10240x128xf32, #tpu.memory_space<vmem_shared>> -> memref<80x128xf32, #tpu.memory_space<vmem_shared>>
    tpu.enqueue_dma source(%arg7 : memref<80x128xf32, #tpu.memory_space<vmem>>) target(%dma_start3A_61 : memref<80x128xf32, #tpu.memory_space<vmem_shared>>) target_semaphore(%arg11 : memref<!tpu.dma_semaphore, #tpu.memory_space<semaphore_mem>>)
    %mul3A_62 = arith.constant 640 : i32
    %mul3A_63 = arith.muli %arg1, %mul3A_62 : i32
    %add3A_64 = arith.constant 560 : i32
    %add3A_65 = arith.addi %mul3A_63, %add3A_64 : i32
    %dma_start3A_66 = arith.constant 0 : i32
    %dma_start3A_67 = tpu.memref_slice %arg10[%add3A_65, %dma_start3A_66] : memref<10240x128xf32, #tpu.memory_space<vmem_shared>> -> memref<80x128xf32, #tpu.memory_space<vmem_shared>>
    %dma_start3A_68 = arith.constant 0 : i32
    %dma_start3A_69 = tpu.memref_slice %arg10[%add3A_65, %dma_start3A_68] : memref<10240x128xf32, #tpu.memory_space<vmem_shared>> -> memref<80x128xf32, #tpu.memory_space<vmem_shared>>
    tpu.enqueue_dma source(%arg7 : memref<80x128xf32, #tpu.memory_space<vmem>>) target(%dma_start3A_69 : memref<80x128xf32, #tpu.memory_space<vmem_shared>>) target_semaphore(%arg11 : memref<!tpu.dma_semaphore, #tpu.memory_space<semaphore_mem>>)
    %mul3A_70 = arith.constant 10000 : i32
    %mul3A_71 = arith.muli %add3A, %mul3A_70 : i32
    %dma_start3A_72 = arith.constant 0 : i32
    %dma_start3A_73 = tpu.memref_slice %arg2[%dma_start3A_72, %mul3A_71] : memref<2x320000xi32, #tpu.memory_space<hbm>> -> memref<1x10000xi32, #tpu.memory_space<hbm>>
    %dma_start3A_74 = tpu.memref_squeeze %dma_start3A_73 : memref<1x10000xi32, #tpu.memory_space<hbm>> -> memref<10000xi32, #tpu.memory_space<hbm>>
    %dma_start3A_75 = tpu.memref_slice %arg2[%dma_start3A_72, %mul3A_71] : memref<2x320000xi32, #tpu.memory_space<hbm>> -> memref<1x10000xi32, #tpu.memory_space<hbm>>
    %dma_start3A_76 = tpu.memref_squeeze %dma_start3A_75 : memref<1x10000xi32, #tpu.memory_space<hbm>> -> memref<10000xi32, #tpu.memory_space<hbm>>
    tpu.enqueue_dma source(%dma_start3A_76 : memref<10000xi32, #tpu.memory_space<hbm>>) target(%arg5 : memref<10000xi32, #tpu.memory_space<vmem>>) target_semaphore(%arg12 : memref<!tpu.dma_semaphore, #tpu.memory_space<semaphore_mem>>)
    %mul3A_77 = arith.constant 10000 : i32
    %mul3A_78 = arith.muli %add3A, %mul3A_77 : i32
    %dma_start3A_79 = arith.constant 1 : i32
    %dma_start3A_80 = tpu.memref_slice %arg2[%dma_start3A_79, %mul3A_78] : memref<2x320000xi32, #tpu.memory_space<hbm>> -> memref<1x10000xi32, #tpu.memory_space<hbm>>
    %dma_start3A_81 = tpu.memref_squeeze %dma_start3A_80 : memref<1x10000xi32, #tpu.memory_space<hbm>> -> memref<10000xi32, #tpu.memory_space<hbm>>
    %dma_start3A_82 = tpu.memref_slice %arg2[%dma_start3A_79, %mul3A_78] : memref<2x320000xi32, #tpu.memory_space<hbm>> -> memref<1x10000xi32, #tpu.memory_space<hbm>>
    %dma_start3A_83 = tpu.memref_squeeze %dma_start3A_82 : memref<1x10000xi32, #tpu.memory_space<hbm>> -> memref<10000xi32, #tpu.memory_space<hbm>>
    tpu.enqueue_dma source(%dma_start3A_83 : memref<10000xi32, #tpu.memory_space<hbm>>) target(%arg6 : memref<10000xi32, #tpu.memory_space<vmem>>) target_semaphore(%arg13 : memref<!tpu.dma_semaphore, #tpu.memory_space<semaphore_mem>>)
    %dma_wait3A = arith.constant 0 : i32
    %dma_wait3A_84 = tpu.memref_slice %arg10[%add3A_10, %dma_wait3A] : memref<10240x128xf32, #tpu.memory_space<vmem_shared>> -> memref<80x128xf32, #tpu.memory_space<vmem_shared>>
    %dma_wait3A_85 = arith.constant 0 : i32
    %dma_wait3A_86 = tpu.memref_slice %arg10[%add3A_10, %dma_wait3A_85] : memref<10240x128xf32, #tpu.memory_space<vmem_shared>> -> memref<80x128xf32, #tpu.memory_space<vmem_shared>>
    tpu.wait_dma2 semaphore(%arg11 : memref<!tpu.dma_semaphore, #tpu.memory_space<semaphore_mem>>) src(%arg7 : memref<80x128xf32, #tpu.memory_space<vmem>>) dst(%dma_wait3A_86 : memref<80x128xf32, #tpu.memory_space<vmem_shared>>)
    %dma_wait3A_87 = arith.constant 0 : i32
    %dma_wait3A_88 = tpu.memref_slice %arg10[%add3A_17, %dma_wait3A_87] : memref<10240x128xf32, #tpu.memory_space<vmem_shared>> -> memref<80x128xf32, #tpu.memory_space<vmem_shared>>
    %dma_wait3A_89 = arith.constant 0 : i32
    %dma_wait3A_90 = tpu.memref_slice %arg10[%add3A_17, %dma_wait3A_89] : memref<10240x128xf32, #tpu.memory_space<vmem_shared>> -> memref<80x128xf32, #tpu.memory_space<vmem_shared>>
    tpu.wait_dma2 semaphore(%arg11 : memref<!tpu.dma_semaphore, #tpu.memory_space<semaphore_mem>>) src(%arg7 : memref<80x128xf32, #tpu.memory_space<vmem>>) dst(%dma_wait3A_90 : memref<80x128xf32, #tpu.memory_space<vmem_shared>>)
    %dma_wait3A_91 = arith.constant 0 : i32
    %dma_wait3A_92 = tpu.memref_slice %arg10[%add3A_25, %dma_wait3A_91] : memref<10240x128xf32, #tpu.memory_space<vmem_shared>> -> memref<80x128xf32, #tpu.memory_space<vmem_shared>>
    %dma_wait3A_93 = arith.constant 0 : i32
    %dma_wait3A_94 = tpu.memref_slice %arg10[%add3A_25, %dma_wait3A_93] : memref<10240x128xf32, #tpu.memory_space<vmem_shared>> -> memref<80x128xf32, #tpu.memory_space<vmem_shared>>
    tpu.wait_dma2 semaphore(%arg11 : memref<!tpu.dma_semaphore, #tpu.memory_space<semaphore_mem>>) src(%arg7 : memref<80x128xf32, #tpu.memory_space<vmem>>) dst(%dma_wait3A_94 : memref<80x128xf32, #tpu.memory_space<vmem_shared>>)
    %dma_wait3A_95 = arith.constant 0 : i32
    %dma_wait3A_96 = tpu.memref_slice %arg10[%add3A_33, %dma_wait3A_95] : memref<10240x128xf32, #tpu.memory_space<vmem_shared>> -> memref<80x128xf32, #tpu.memory_space<vmem_shared>>
    %dma_wait3A_97 = arith.constant 0 : i32
    %dma_wait3A_98 = tpu.memref_slice %arg10[%add3A_33, %dma_wait3A_97] : memref<10240x128xf32, #tpu.memory_space<vmem_shared>> -> memref<80x128xf32, #tpu.memory_space<vmem_shared>>
    tpu.wait_dma2 semaphore(%arg11 : memref<!tpu.dma_semaphore, #tpu.memory_space<semaphore_mem>>) src(%arg7 : memref<80x128xf32, #tpu.memory_space<vmem>>) dst(%dma_wait3A_98 : memref<80x128xf32, #tpu.memory_space<vmem_shared>>)
    %dma_wait3A_99 = arith.constant 0 : i32
    %dma_wait3A_100 = tpu.memref_slice %arg10[%add3A_41, %dma_wait3A_99] : memref<10240x128xf32, #tpu.memory_space<vmem_shared>> -> memref<80x128xf32, #tpu.memory_space<vmem_shared>>
    %dma_wait3A_101 = arith.constant 0 : i32
    %dma_wait3A_102 = tpu.memref_slice %arg10[%add3A_41, %dma_wait3A_101] : memref<10240x128xf32, #tpu.memory_space<vmem_shared>> -> memref<80x128xf32, #tpu.memory_space<vmem_shared>>
    tpu.wait_dma2 semaphore(%arg11 : memref<!tpu.dma_semaphore, #tpu.memory_space<semaphore_mem>>) src(%arg7 : memref<80x128xf32, #tpu.memory_space<vmem>>) dst(%dma_wait3A_102 : memref<80x128xf32, #tpu.memory_space<vmem_shared>>)
    %dma_wait3A_103 = arith.constant 0 : i32
    %dma_wait3A_104 = tpu.memref_slice %arg10[%add3A_49, %dma_wait3A_103] : memref<10240x128xf32, #tpu.memory_space<vmem_shared>> -> memref<80x128xf32, #tpu.memory_space<vmem_shared>>
    %dma_wait3A_105 = arith.constant 0 : i32
    %dma_wait3A_106 = tpu.memref_slice %arg10[%add3A_49, %dma_wait3A_105] : memref<10240x128xf32, #tpu.memory_space<vmem_shared>> -> memref<80x128xf32, #tpu.memory_space<vmem_shared>>
    tpu.wait_dma2 semaphore(%arg11 : memref<!tpu.dma_semaphore, #tpu.memory_space<semaphore_mem>>) src(%arg7 : memref<80x128xf32, #tpu.memory_space<vmem>>) dst(%dma_wait3A_106 : memref<80x128xf32, #tpu.memory_space<vmem_shared>>)
    %dma_wait3A_107 = arith.constant 0 : i32
    %dma_wait3A_108 = tpu.memref_slice %arg10[%add3A_57, %dma_wait3A_107] : memref<10240x128xf32, #tpu.memory_space<vmem_shared>> -> memref<80x128xf32, #tpu.memory_space<vmem_shared>>
    %dma_wait3A_109 = arith.constant 0 : i32
    %dma_wait3A_110 = tpu.memref_slice %arg10[%add3A_57, %dma_wait3A_109] : memref<10240x128xf32, #tpu.memory_space<vmem_shared>> -> memref<80x128xf32, #tpu.memory_space<vmem_shared>>
    tpu.wait_dma2 semaphore(%arg11 : memref<!tpu.dma_semaphore, #tpu.memory_space<semaphore_mem>>) src(%arg7 : memref<80x128xf32, #tpu.memory_space<vmem>>) dst(%dma_wait3A_110 : memref<80x128xf32, #tpu.memory_space<vmem_shared>>)
    %dma_wait3A_111 = arith.constant 0 : i32
    %dma_wait3A_112 = tpu.memref_slice %arg10[%add3A_65, %dma_wait3A_111] : memref<10240x128xf32, #tpu.memory_space<vmem_shared>> -> memref<80x128xf32, #tpu.memory_space<vmem_shared>>
    %dma_wait3A_113 = arith.constant 0 : i32
    %dma_wait3A_114 = tpu.memref_slice %arg10[%add3A_65, %dma_wait3A_113] : memref<10240x128xf32, #tpu.memory_space<vmem_shared>> -> memref<80x128xf32, #tpu.memory_space<vmem_shared>>
    tpu.wait_dma2 semaphore(%arg11 : memref<!tpu.dma_semaphore, #tpu.memory_space<semaphore_mem>>) src(%arg7 : memref<80x128xf32, #tpu.memory_space<vmem>>) dst(%dma_wait3A_114 : memref<80x128xf32, #tpu.memory_space<vmem_shared>>)
    %dma_wait3A_115 = arith.constant 0 : i32
    %dma_wait3A_116 = tpu.memref_slice %arg2[%dma_wait3A_115, %mul3A_71] : memref<2x320000xi32, #tpu.memory_space<hbm>> -> memref<1x10000xi32, #tpu.memory_space<hbm>>
    %dma_wait3A_117 = tpu.memref_squeeze %dma_wait3A_116 : memref<1x10000xi32, #tpu.memory_space<hbm>> -> memref<10000xi32, #tpu.memory_space<hbm>>
    %dma_wait3A_118 = tpu.memref_slice %arg2[%dma_wait3A_115, %mul3A_71] : memref<2x320000xi32, #tpu.memory_space<hbm>> -> memref<1x10000xi32, #tpu.memory_space<hbm>>
    %dma_wait3A_119 = tpu.memref_squeeze %dma_wait3A_118 : memref<1x10000xi32, #tpu.memory_space<hbm>> -> memref<10000xi32, #tpu.memory_space<hbm>>
    tpu.wait_dma2 semaphore(%arg12 : memref<!tpu.dma_semaphore, #tpu.memory_space<semaphore_mem>>) src(%dma_wait3A_119 : memref<10000xi32, #tpu.memory_space<hbm>>) dst(%arg5 : memref<10000xi32, #tpu.memory_space<vmem>>)
    %dma_wait3A_120 = arith.constant 1 : i32
    %dma_wait3A_121 = tpu.memref_slice %arg2[%dma_wait3A_120, %mul3A_78] : memref<2x320000xi32, #tpu.memory_space<hbm>> -> memref<1x10000xi32, #tpu.memory_space<hbm>>
    %dma_wait3A_122 = tpu.memref_squeeze %dma_wait3A_121 : memref<1x10000xi32, #tpu.memory_space<hbm>> -> memref<10000xi32, #tpu.memory_space<hbm>>
    %dma_wait3A_123 = tpu.memref_slice %arg2[%dma_wait3A_120, %mul3A_78] : memref<2x320000xi32, #tpu.memory_space<hbm>> -> memref<1x10000xi32, #tpu.memory_space<hbm>>
    %dma_wait3A_124 = tpu.memref_squeeze %dma_wait3A_123 : memref<1x10000xi32, #tpu.memory_space<hbm>> -> memref<10000xi32, #tpu.memory_space<hbm>>
    tpu.wait_dma2 semaphore(%arg13 : memref<!tpu.dma_semaphore, #tpu.memory_space<semaphore_mem>>) src(%dma_wait3A_124 : memref<10000xi32, #tpu.memory_space<hbm>>) dst(%arg6 : memref<10000xi32, #tpu.memory_space<vmem>>)
    %barrier3A = arith.constant 0 : index
    tpu.barrier barrier_id(%barrier3A)
    %dma_start3A_125 = arith.constant 0 : i32
    %dma_start3A_126 = tpu.memref_slice %arg5[%dma_start3A_125] : memref<10000xi32, #tpu.memory_space<vmem>> -> memref<80xi32, #tpu.memory_space<vmem>>
    %dma_start3A_127 = arith.constant 0 : i32
    %dma_start3A_128 = arith.constant 0 : i32
    %dma_start3A_129 = tpu.memref_slice %arg3[%dma_start3A_127, %dma_start3A_128] : memref<10000x128xf32, #tpu.memory_space<hbm>> -> memref<10000x128xf32, #tpu.memory_space<hbm>>
    tpu.enqueue_indirect_dma source(%dma_start3A_129 : memref<10000x128xf32, #tpu.memory_space<hbm>>) target(%arg7 : memref<80x128xf32, #tpu.memory_space<vmem>>) offsets(%dma_start3A_126 : memref<80xi32, #tpu.memory_space<vmem>>) semaphore(%arg11 : memref<!tpu.dma_semaphore, #tpu.memory_space<semaphore_mem>>)
    %dma_start3A_130 = arith.constant 80 : i32
    %dma_start3A_131 = tpu.memref_slice %arg5[%dma_start3A_130] : memref<10000xi32, #tpu.memory_space<vmem>> -> memref<80xi32, #tpu.memory_space<vmem>>
    %dma_start3A_132 = arith.constant 0 : i32
    %dma_start3A_133 = arith.constant 0 : i32
    %dma_start3A_134 = tpu.memref_slice %arg3[%dma_start3A_132, %dma_start3A_133] : memref<10000x128xf32, #tpu.memory_space<hbm>> -> memref<10000x128xf32, #tpu.memory_space<hbm>>
    tpu.enqueue_indirect_dma source(%dma_start3A_134 : memref<10000x128xf32, #tpu.memory_space<hbm>>) target(%arg8 : memref<80x128xf32, #tpu.memory_space<vmem>>) offsets(%dma_start3A_131 : memref<80xi32, #tpu.memory_space<vmem>>) semaphore(%arg12 : memref<!tpu.dma_semaphore, #tpu.memory_space<semaphore_mem>>)
    %scan3A_135 = arith.constant 0 : i32
    %scan3A_136 = arith.constant 0 : i32
    %scan3A_137 = arith.constant 50 : i32
    %scan3A_138 = arith.addi %scan3A_136, %scan3A_137 : i32
    %scan3A_139 = arith.constant 1 : i32
    scf.for %scan3A_146 = %scan3A_136 to %scan3A_138 step %scan3A_139  : i32 {
      %mul3A_147 = arith.constant 200 : i32
      %mul3A_148 = arith.muli %scan3A_146, %mul3A_147 : i32
      %dma_wait3A_149 = tpu.memref_slice %arg5[%mul3A_148] : memref<10000xi32, #tpu.memory_space<vmem>> -> memref<80xi32, #tpu.memory_space<vmem>>
      %dma_wait3A_150 = arith.constant 0 : i32
      %dma_wait3A_151 = arith.constant 0 : i32
      %dma_wait3A_152 = tpu.memref_slice %arg3[%dma_wait3A_150, %dma_wait3A_151] : memref<10000x128xf32, #tpu.memory_space<hbm>> -> memref<10000x128xf32, #tpu.memory_space<hbm>>
      tpu.wait_indirect_dma semaphore(%arg11 : memref<!tpu.dma_semaphore, #tpu.memory_space<semaphore_mem>>) src(%dma_wait3A_152 : memref<10000x128xf32, #tpu.memory_space<hbm>>) dst(%arg7 : memref<80x128xf32, #tpu.memory_space<vmem>>)
      %add3A_153 = arith.constant 160 : i32
      %add3A_154 = arith.addi %mul3A_148, %add3A_153 : i32
      %dma_start3A_155 = tpu.memref_slice %arg5[%add3A_154] : memref<10000xi32, #tpu.memory_space<vmem>> -> memref<40xi32, #tpu.memory_space<vmem>>
      %dma_start3A_156 = arith.constant 0 : i32
      %dma_start3A_157 = arith.constant 0 : i32
      %dma_start3A_158 = tpu.memref_slice %arg3[%dma_start3A_156, %dma_start3A_157] : memref<10000x128xf32, #tpu.memory_space<hbm>> -> memref<10000x128xf32, #tpu.memory_space<hbm>>
      tpu.enqueue_indirect_dma source(%dma_start3A_158 : memref<10000x128xf32, #tpu.memory_space<hbm>>) target(%arg9 : memref<40x128xf32, #tpu.memory_space<vmem>>) offsets(%dma_start3A_155 : memref<40xi32, #tpu.memory_space<vmem>>) semaphore(%arg13 : memref<!tpu.dma_semaphore, #tpu.memory_space<semaphore_mem>>)
      "tpu.region"() ({
        %run_scoped3A = tpu.sem_alloc : memref<!tpu.dma_semaphore, #tpu.memory_space<semaphore_mem>>
        %dma_start3A_182 = tpu.memref_slice %arg6[%mul3A_148] : memref<10000xi32, #tpu.memory_space<vmem>> -> memref<80xi32, #tpu.memory_space<vmem>>
        %dma_start3A_183 = arith.constant 0 : i32
        %dma_start3A_184 = arith.constant 0 : i32
        %dma_start3A_185 = tpu.memref_slice %arg10[%dma_start3A_183, %dma_start3A_184] : memref<10240x128xf32, #tpu.memory_space<vmem_shared>> -> memref<10240x128xf32, #tpu.memory_space<vmem_shared>>
        tpu.enqueue_indirect_dma source(%arg7 : memref<80x128xf32, #tpu.memory_space<vmem>>) target(%dma_start3A_185 : memref<10240x128xf32, #tpu.memory_space<vmem_shared>>) offsets(%dma_start3A_182 : memref<80xi32, #tpu.memory_space<vmem>>) semaphore(%run_scoped3A : memref<!tpu.dma_semaphore, #tpu.memory_space<semaphore_mem>>) {add = true}
        %dma_wait3A_186 = tpu.memref_slice %arg6[%mul3A_148] : memref<10000xi32, #tpu.memory_space<vmem>> -> memref<80xi32, #tpu.memory_space<vmem>>
        %dma_wait3A_187 = arith.constant 0 : i32
        %dma_wait3A_188 = arith.constant 0 : i32
        %dma_wait3A_189 = tpu.memref_slice %arg10[%dma_wait3A_187, %dma_wait3A_188] : memref<10240x128xf32, #tpu.memory_space<vmem_shared>> -> memref<10240x128xf32, #tpu.memory_space<vmem_shared>>
        tpu.wait_indirect_dma semaphore(%run_scoped3A : memref<!tpu.dma_semaphore, #tpu.memory_space<semaphore_mem>>) src(%arg7 : memref<80x128xf32, #tpu.memory_space<vmem>>) dst(%dma_wait3A_189 : memref<10240x128xf32, #tpu.memory_space<vmem_shared>>)
        tpu.yield
      }) : () -> ()
      %add3A_159 = arith.constant 80 : i32
      %add3A_160 = arith.addi %mul3A_148, %add3A_159 : i32
      %dma_wait3A_161 = tpu.memref_slice %arg5[%add3A_160] : memref<10000xi32, #tpu.memory_space<vmem>> -> memref<80xi32, #tpu.memory_space<vmem>>
      %dma_wait3A_162 = arith.constant 0 : i32
      %dma_wait3A_163 = arith.constant 0 : i32
      %dma_wait3A_164 = tpu.memref_slice %arg3[%dma_wait3A_162, %dma_wait3A_163] : memref<10000x128xf32, #tpu.memory_space<hbm>> -> memref<10000x128xf32, #tpu.memory_space<hbm>>
      tpu.wait_indirect_dma semaphore(%arg12 : memref<!tpu.dma_semaphore, #tpu.memory_space<semaphore_mem>>) src(%dma_wait3A_164 : memref<10000x128xf32, #tpu.memory_space<hbm>>) dst(%arg8 : memref<80x128xf32, #tpu.memory_space<vmem>>)
      %lt3A = arith.constant 49 : i32
      %lt3A_165 = arith.cmpi slt, %scan3A_146, %lt3A : i32
      %convert_element_type3A = arith.extui %lt3A_165 : i1 to i32
      %cond3A = arith.constant 0 : i32
      %cond3A_166 = arith.cmpi ne, %convert_element_type3A, %cond3A : i32
      scf.if %cond3A_166 {
        %add3A_182 = arith.constant 200 : i32
        %add3A_183 = arith.addi %mul3A_148, %add3A_182 : i32
        %dma_start3A_184 = tpu.memref_slice %arg5[%add3A_183] : memref<10000xi32, #tpu.memory_space<vmem>> -> memref<80xi32, #tpu.memory_space<vmem>>
        %dma_start3A_185 = arith.constant 0 : i32
        %dma_start3A_186 = arith.constant 0 : i32
        %dma_start3A_187 = tpu.memref_slice %arg3[%dma_start3A_185, %dma_start3A_186] : memref<10000x128xf32, #tpu.memory_space<hbm>> -> memref<10000x128xf32, #tpu.memory_space<hbm>>
        tpu.enqueue_indirect_dma source(%dma_start3A_187 : memref<10000x128xf32, #tpu.memory_space<hbm>>) target(%arg7 : memref<80x128xf32, #tpu.memory_space<vmem>>) offsets(%dma_start3A_184 : memref<80xi32, #tpu.memory_space<vmem>>) semaphore(%arg11 : memref<!tpu.dma_semaphore, #tpu.memory_space<semaphore_mem>>)
      } else {
      }
      %add3A_167 = arith.constant 80 : i32
      %add3A_168 = arith.addi %mul3A_148, %add3A_167 : i32
      "tpu.region"() ({
        %run_scoped3A = tpu.sem_alloc : memref<!tpu.dma_semaphore, #tpu.memory_space<semaphore_mem>>
        %dma_start3A_182 = tpu.memref_slice %arg6[%add3A_168] : memref<10000xi32, #tpu.memory_space<vmem>> -> memref<80xi32, #tpu.memory_space<vmem>>
        %dma_start3A_183 = arith.constant 0 : i32
        %dma_start3A_184 = arith.constant 0 : i32
        %dma_start3A_185 = tpu.memref_slice %arg10[%dma_start3A_183, %dma_start3A_184] : memref<10240x128xf32, #tpu.memory_space<vmem_shared>> -> memref<10240x128xf32, #tpu.memory_space<vmem_shared>>
        tpu.enqueue_indirect_dma source(%arg8 : memref<80x128xf32, #tpu.memory_space<vmem>>) target(%dma_start3A_185 : memref<10240x128xf32, #tpu.memory_space<vmem_shared>>) offsets(%dma_start3A_182 : memref<80xi32, #tpu.memory_space<vmem>>) semaphore(%run_scoped3A : memref<!tpu.dma_semaphore, #tpu.memory_space<semaphore_mem>>) {add = true}
        %dma_wait3A_186 = tpu.memref_slice %arg6[%add3A_168] : memref<10000xi32, #tpu.memory_space<vmem>> -> memref<80xi32, #tpu.memory_space<vmem>>
        %dma_wait3A_187 = arith.constant 0 : i32
        %dma_wait3A_188 = arith.constant 0 : i32
        %dma_wait3A_189 = tpu.memref_slice %arg10[%dma_wait3A_187, %dma_wait3A_188] : memref<10240x128xf32, #tpu.memory_space<vmem_shared>> -> memref<10240x128xf32, #tpu.memory_space<vmem_shared>>
        tpu.wait_indirect_dma semaphore(%run_scoped3A : memref<!tpu.dma_semaphore, #tpu.memory_space<semaphore_mem>>) src(%arg8 : memref<80x128xf32, #tpu.memory_space<vmem>>) dst(%dma_wait3A_189 : memref<10240x128xf32, #tpu.memory_space<vmem_shared>>)
        tpu.yield
      }) : () -> ()
      %add3A_169 = arith.constant 160 : i32
      %add3A_170 = arith.addi %mul3A_148, %add3A_169 : i32
      %dma_wait3A_171 = tpu.memref_slice %arg5[%add3A_170] : memref<10000xi32, #tpu.memory_space<vmem>> -> memref<40xi32, #tpu.memory_space<vmem>>
      %dma_wait3A_172 = arith.constant 0 : i32
      %dma_wait3A_173 = arith.constant 0 : i32
      %dma_wait3A_174 = tpu.memref_slice %arg3[%dma_wait3A_172, %dma_wait3A_173] : memref<10000x128xf32, #tpu.memory_space<hbm>> -> memref<10000x128xf32, #tpu.memory_space<hbm>>
      tpu.wait_indirect_dma semaphore(%arg13 : memref<!tpu.dma_semaphore, #tpu.memory_space<semaphore_mem>>) src(%dma_wait3A_174 : memref<10000x128xf32, #tpu.memory_space<hbm>>) dst(%arg9 : memref<40x128xf32, #tpu.memory_space<vmem>>)
      %lt3A_175 = arith.constant 49 : i32
      %lt3A_176 = arith.cmpi slt, %scan3A_146, %lt3A_175 : i32
      %convert_element_type3A_177 = arith.extui %lt3A_176 : i1 to i32
      %cond3A_178 = arith.constant 0 : i32
      %cond3A_179 = arith.cmpi ne, %convert_element_type3A_177, %cond3A_178 : i32
      scf.if %cond3A_179 {
        %add3A_182 = arith.constant 200 : i32
        %add3A_183 = arith.addi %mul3A_148, %add3A_182 : i32
        %add3A_184 = arith.constant 80 : i32
        %add3A_185 = arith.addi %add3A_183, %add3A_184 : i32
        %dma_start3A_186 = tpu.memref_slice %arg5[%add3A_185] : memref<10000xi32, #tpu.memory_space<vmem>> -> memref<80xi32, #tpu.memory_space<vmem>>
        %dma_start3A_187 = arith.constant 0 : i32
        %dma_start3A_188 = arith.constant 0 : i32
        %dma_start3A_189 = tpu.memref_slice %arg3[%dma_start3A_187, %dma_start3A_188] : memref<10000x128xf32, #tpu.memory_space<hbm>> -> memref<10000x128xf32, #tpu.memory_space<hbm>>
        tpu.enqueue_indirect_dma source(%dma_start3A_189 : memref<10000x128xf32, #tpu.memory_space<hbm>>) target(%arg8 : memref<80x128xf32, #tpu.memory_space<vmem>>) offsets(%dma_start3A_186 : memref<80xi32, #tpu.memory_space<vmem>>) semaphore(%arg12 : memref<!tpu.dma_semaphore, #tpu.memory_space<semaphore_mem>>)
      } else {
      }
      %add3A_180 = arith.constant 160 : i32
      %add3A_181 = arith.addi %mul3A_148, %add3A_180 : i32
      "tpu.region"() ({
        %run_scoped3A = tpu.sem_alloc : memref<!tpu.dma_semaphore, #tpu.memory_space<semaphore_mem>>
        %dma_start3A_182 = tpu.memref_slice %arg6[%add3A_181] : memref<10000xi32, #tpu.memory_space<vmem>> -> memref<40xi32, #tpu.memory_space<vmem>>
        %dma_start3A_183 = arith.constant 0 : i32
        %dma_start3A_184 = arith.constant 0 : i32
        %dma_start3A_185 = tpu.memref_slice %arg10[%dma_start3A_183, %dma_start3A_184] : memref<10240x128xf32, #tpu.memory_space<vmem_shared>> -> memref<10240x128xf32, #tpu.memory_space<vmem_shared>>
        tpu.enqueue_indirect_dma source(%arg9 : memref<40x128xf32, #tpu.memory_space<vmem>>) target(%dma_start3A_185 : memref<10240x128xf32, #tpu.memory_space<vmem_shared>>) offsets(%dma_start3A_182 : memref<40xi32, #tpu.memory_space<vmem>>) semaphore(%run_scoped3A : memref<!tpu.dma_semaphore, #tpu.memory_space<semaphore_mem>>) {add = true}
        %dma_wait3A_186 = tpu.memref_slice %arg6[%add3A_181] : memref<10000xi32, #tpu.memory_space<vmem>> -> memref<40xi32, #tpu.memory_space<vmem>>
        %dma_wait3A_187 = arith.constant 0 : i32
        %dma_wait3A_188 = arith.constant 0 : i32
        %dma_wait3A_189 = tpu.memref_slice %arg10[%dma_wait3A_187, %dma_wait3A_188] : memref<10240x128xf32, #tpu.memory_space<vmem_shared>> -> memref<10240x128xf32, #tpu.memory_space<vmem_shared>>
        tpu.wait_indirect_dma semaphore(%run_scoped3A : memref<!tpu.dma_semaphore, #tpu.memory_space<semaphore_mem>>) src(%arg9 : memref<40x128xf32, #tpu.memory_space<vmem>>) dst(%dma_wait3A_189 : memref<10240x128xf32, #tpu.memory_space<vmem_shared>>)
        tpu.yield
      }) : () -> ()
    }
    %scan3A_140 = arith.constant 50 : i32
    %barrier3A_141 = arith.constant 0 : index
    tpu.barrier barrier_id(%barrier3A_141)
    %mul3A_142 = arith.constant 640 : i32
    %mul3A_143 = arith.muli %arg1, %mul3A_142 : i32
    %mul3A_144 = arith.constant 640 : i32
    %mul3A_145 = arith.muli %arg1, %mul3A_144 : i32
    "tpu.region"() ({
      %run_scoped3A = tpu.sem_alloc : memref<!tpu.dma_semaphore, #tpu.memory_space<semaphore_mem>>
      %dma_start3A_146 = arith.constant 0 : i32
      %dma_start3A_147 = tpu.memref_slice %arg4[%arg0, %mul3A_145, %dma_start3A_146] : memref<2x10240x128xf32, #tpu.memory_space<hbm>> -> memref<1x640x128xf32, #tpu.memory_space<hbm>>
      %dma_start3A_148 = tpu.memref_squeeze %dma_start3A_147 : memref<1x640x128xf32, #tpu.memory_space<hbm>> -> memref<640x128xf32, #tpu.memory_space<hbm>>
      %dma_start3A_149 = arith.constant 0 : i32
      %dma_start3A_150 = tpu.memref_slice %arg10[%mul3A_143, %dma_start3A_149] : memref<10240x128xf32, #tpu.memory_space<vmem_shared>> -> memref<640x128xf32, #tpu.memory_space<vmem_shared>>
      tpu.enqueue_dma source(%dma_start3A_150 : memref<640x128xf32, #tpu.memory_space<vmem_shared>>) target(%dma_start3A_148 : memref<640x128xf32, #tpu.memory_space<hbm>>) target_semaphore(%run_scoped3A : memref<!tpu.dma_semaphore, #tpu.memory_space<semaphore_mem>>)
      %dma_wait3A_151 = arith.constant 0 : i32
      %dma_wait3A_152 = tpu.memref_slice %arg4[%arg0, %mul3A_145, %dma_wait3A_151] : memref<2x10240x128xf32, #tpu.memory_space<hbm>> -> memref<1x640x128xf32, #tpu.memory_space<hbm>>
      %dma_wait3A_153 = tpu.memref_squeeze %dma_wait3A_152 : memref<1x640x128xf32, #tpu.memory_space<hbm>> -> memref<640x128xf32, #tpu.memory_space<hbm>>
      %dma_wait3A_154 = arith.constant 0 : i32
      %dma_wait3A_155 = tpu.memref_slice %arg10[%mul3A_143, %dma_wait3A_154] : memref<10240x128xf32, #tpu.memory_space<vmem_shared>> -> memref<640x128xf32, #tpu.memory_space<vmem_shared>>
      tpu.wait_dma2 semaphore(%run_scoped3A : memref<!tpu.dma_semaphore, #tpu.memory_space<semaphore_mem>>) src(%dma_wait3A_155 : memref<640x128xf32, #tpu.memory_space<vmem_shared>>) dst(%dma_wait3A_153 : memref<640x128xf32, #tpu.memory_space<hbm>>)
      tpu.yield
    }) : () -> ()
    return
  }
}

#map = affine_map<(d0, d1) -> (0, 0)>
#map1 = affine_map<(d0, d1) -> (0, 0, 0)>
module attributes {stable_mosaic.version = 14 : i64} {
  func.func @_sc_agg_body(%arg0: i32, %arg1: i32, %arg2: memref<2x320000xi32, #tpu.memory_space<hbm>>, %arg3: memref<10000x128xf32, #tpu.memory_space<hbm>>, %arg4: memref<2x10240x128xf32, #tpu.memory_space<hbm>>, %arg5: memref<10000xi32, #tpu.memory_space<vmem>>, %arg6: memref<10000xi32, #tpu.memory_space<vmem>>, %arg7: memref<80x128xf32, #tpu.memory_space<vmem>>, %arg8: memref<80x128xf32, #tpu.memory_space<vmem>>, %arg9: memref<40x128xf32, #tpu.memory_space<vmem>>, %arg10: memref<10240x128xf32, #tpu.memory_space<vmem_shared>>, %arg11: memref<!tpu.dma_semaphore, #tpu.memory_space<semaphore_mem>>, %arg12: memref<!tpu.dma_semaphore, #tpu.memory_space<semaphore_mem>>, %arg13: memref<!tpu.dma_semaphore, #tpu.memory_space<semaphore_mem>>) attributes {dimension_semantics = [#tpu.dimension_semantics<core_parallel>, #tpu.dimension_semantics<subcore_parallel>], iteration_bounds = array<i64: 2, 16>, scalar_prefetch = 0 : i64, scratch_operands = 9 : i64, tpu.core_type = #tpu.core_type<sc_vector_subcore>, window_params = [{transform_indices = #map}, {transform_indices = #map}, {transform_indices = #map1}]} {
    %mul3A = arith.constant 2 : i32
    %mul3A_0 = arith.muli %arg1, %mul3A : i32
    %add3A = arith.addi %mul3A_0, %arg0 : i32
    %broadcast_in_dim3A = arith.constant 0.000000e+00 : f32
    %broadcast_in_dim3A_1 = vector.broadcast %broadcast_in_dim3A : f32 to vector<16xf32>
    %scan3A = arith.constant 0 : i32
    %scan3A_2 = arith.constant 0 : i32
    %scan3A_3 = arith.constant 80 : i32
    %scan3A_4 = arith.addi %scan3A_2, %scan3A_3 : i32
    %scan3A_5 = arith.constant 1 : i32
    scf.for %scan3A_146 = %scan3A_2 to %scan3A_4 step %scan3A_5  : i32 {
      %swap3A = arith.index_cast %scan3A_146 : i32 to index
      %swap3A_147 = arith.constant 0 : index
      %swap3A_148 = tpu.vector_load %arg7[%swap3A, %swap3A_147] {strides = array<i32>} : memref<80x128xf32, #tpu.memory_space<vmem>>, vector<1x16xf32>,
      %swap3A_149 = vector.shape_cast %swap3A_148 : vector<1x16xf32> to vector<16xf32>
      %swap3A_150 = vector.shape_cast %broadcast_in_dim3A_1 : vector<16xf32> to vector<1x16xf32>
      tpu.vector_store %arg7[%swap3A, %swap3A_147], %swap3A_150 {strides = array<i32>} : memref<80x128xf32, #tpu.memory_space<vmem>>, vector<1x16xf32>,
      %swap3A_151 = arith.index_cast %scan3A_146 : i32 to index
      %swap3A_152 = arith.constant 16 : index
      %swap3A_153 = tpu.vector_load %arg7[%swap3A_151, %swap3A_152] {strides = array<i32>} : memref<80x128xf32, #tpu.memory_space<vmem>>, vector<1x16xf32>,
      %swap3A_154 = vector.shape_cast %swap3A_153 : vector<1x16xf32> to vector<16xf32>
      %swap3A_155 = vector.shape_cast %broadcast_in_dim3A_1 : vector<16xf32> to vector<1x16xf32>
      tpu.vector_store %arg7[%swap3A_151, %swap3A_152], %swap3A_155 {strides = array<i32>} : memref<80x128xf32, #tpu.memory_space<vmem>>, vector<1x16xf32>,
      %swap3A_156 = arith.index_cast %scan3A_146 : i32 to index
      %swap3A_157 = arith.constant 32 : index
      %swap3A_158 = tpu.vector_load %arg7[%swap3A_156, %swap3A_157] {strides = array<i32>} : memref<80x128xf32, #tpu.memory_space<vmem>>, vector<1x16xf32>,
      %swap3A_159 = vector.shape_cast %swap3A_158 : vector<1x16xf32> to vector<16xf32>
      %swap3A_160 = vector.shape_cast %broadcast_in_dim3A_1 : vector<16xf32> to vector<1x16xf32>
      tpu.vector_store %arg7[%swap3A_156, %swap3A_157], %swap3A_160 {strides = array<i32>} : memref<80x128xf32, #tpu.memory_space<vmem>>, vector<1x16xf32>,
      %swap3A_161 = arith.index_cast %scan3A_146 : i32 to index
      %swap3A_162 = arith.constant 48 : index
      %swap3A_163 = tpu.vector_load %arg7[%swap3A_161, %swap3A_162] {strides = array<i32>} : memref<80x128xf32, #tpu.memory_space<vmem>>, vector<1x16xf32>,
      %swap3A_164 = vector.shape_cast %swap3A_163 : vector<1x16xf32> to vector<16xf32>
      %swap3A_165 = vector.shape_cast %broadcast_in_dim3A_1 : vector<16xf32> to vector<1x16xf32>
      tpu.vector_store %arg7[%swap3A_161, %swap3A_162], %swap3A_165 {strides = array<i32>} : memref<80x128xf32, #tpu.memory_space<vmem>>, vector<1x16xf32>,
      %swap3A_166 = arith.index_cast %scan3A_146 : i32 to index
      %swap3A_167 = arith.constant 64 : index
      %swap3A_168 = tpu.vector_load %arg7[%swap3A_166, %swap3A_167] {strides = array<i32>} : memref<80x128xf32, #tpu.memory_space<vmem>>, vector<1x16xf32>,
      %swap3A_169 = vector.shape_cast %swap3A_168 : vector<1x16xf32> to vector<16xf32>
      %swap3A_170 = vector.shape_cast %broadcast_in_dim3A_1 : vector<16xf32> to vector<1x16xf32>
      tpu.vector_store %arg7[%swap3A_166, %swap3A_167], %swap3A_170 {strides = array<i32>} : memref<80x128xf32, #tpu.memory_space<vmem>>, vector<1x16xf32>,
      %swap3A_171 = arith.index_cast %scan3A_146 : i32 to index
      %swap3A_172 = arith.constant 80 : index
      %swap3A_173 = tpu.vector_load %arg7[%swap3A_171, %swap3A_172] {strides = array<i32>} : memref<80x128xf32, #tpu.memory_space<vmem>>, vector<1x16xf32>,
      %swap3A_174 = vector.shape_cast %swap3A_173 : vector<1x16xf32> to vector<16xf32>
      %swap3A_175 = vector.shape_cast %broadcast_in_dim3A_1 : vector<16xf32> to vector<1x16xf32>
      tpu.vector_store %arg7[%swap3A_171, %swap3A_172], %swap3A_175 {strides = array<i32>} : memref<80x128xf32, #tpu.memory_space<vmem>>, vector<1x16xf32>,
      %swap3A_176 = arith.index_cast %scan3A_146 : i32 to index
      %swap3A_177 = arith.constant 96 : index
      %swap3A_178 = tpu.vector_load %arg7[%swap3A_176, %swap3A_177] {strides = array<i32>} : memref<80x128xf32, #tpu.memory_space<vmem>>, vector<1x16xf32>,
      %swap3A_179 = vector.shape_cast %swap3A_178 : vector<1x16xf32> to vector<16xf32>
      %swap3A_180 = vector.shape_cast %broadcast_in_dim3A_1 : vector<16xf32> to vector<1x16xf32>
      tpu.vector_store %arg7[%swap3A_176, %swap3A_177], %swap3A_180 {strides = array<i32>} : memref<80x128xf32, #tpu.memory_space<vmem>>, vector<1x16xf32>,
      %swap3A_181 = arith.index_cast %scan3A_146 : i32 to index
      %swap3A_182 = arith.constant 112 : index
      %swap3A_183 = tpu.vector_load %arg7[%swap3A_181, %swap3A_182] {strides = array<i32>} : memref<80x128xf32, #tpu.memory_space<vmem>>, vector<1x16xf32>,
      %swap3A_184 = vector.shape_cast %swap3A_183 : vector<1x16xf32> to vector<16xf32>
      %swap3A_185 = vector.shape_cast %broadcast_in_dim3A_1 : vector<16xf32> to vector<1x16xf32>
      tpu.vector_store %arg7[%swap3A_181, %swap3A_182], %swap3A_185 {strides = array<i32>} : memref<80x128xf32, #tpu.memory_space<vmem>>, vector<1x16xf32>,
    }
    %scan3A_6 = arith.constant 80 : i32
    %mul3A_7 = arith.constant 640 : i32
    %mul3A_8 = arith.muli %arg1, %mul3A_7 : i32
    %add3A_9 = arith.constant 0 : i32
    %add3A_10 = arith.addi %mul3A_8, %add3A_9 : i32
    %dma_start3A = arith.constant 0 : i32
    %dma_start3A_11 = tpu.memref_slice %arg10[%add3A_10, %dma_start3A] : memref<10240x128xf32, #tpu.memory_space<vmem_shared>> -> memref<80x128xf32, #tpu.memory_space<vmem_shared>>
    %dma_start3A_12 = arith.constant 0 : i32
    %dma_start3A_13 = tpu.memref_slice %arg10[%add3A_10, %dma_start3A_12] : memref<10240x128xf32, #tpu.memory_space<vmem_shared>> -> memref<80x128xf32, #tpu.memory_space<vmem_shared>>
    tpu.enqueue_dma source(%arg7 : memref<80x128xf32, #tpu.memory_space<vmem>>) target(%dma_start3A_13 : memref<80x128xf32, #tpu.memory_space<vmem_shared>>) target_semaphore(%arg11 : memref<!tpu.dma_semaphore, #tpu.memory_space<semaphore_mem>>)
    %mul3A_14 = arith.constant 640 : i32
    %mul3A_15 = arith.muli %arg1, %mul3A_14 : i32
    %add3A_16 = arith.constant 80 : i32
    %add3A_17 = arith.addi %mul3A_15, %add3A_16 : i32
    %dma_start3A_18 = arith.constant 0 : i32
    %dma_start3A_19 = tpu.memref_slice %arg10[%add3A_17, %dma_start3A_18] : memref<10240x128xf32, #tpu.memory_space<vmem_shared>> -> memref<80x128xf32, #tpu.memory_space<vmem_shared>>
    %dma_start3A_20 = arith.constant 0 : i32
    %dma_start3A_21 = tpu.memref_slice %arg10[%add3A_17, %dma_start3A_20] : memref<10240x128xf32, #tpu.memory_space<vmem_shared>> -> memref<80x128xf32, #tpu.memory_space<vmem_shared>>
    tpu.enqueue_dma source(%arg7 : memref<80x128xf32, #tpu.memory_space<vmem>>) target(%dma_start3A_21 : memref<80x128xf32, #tpu.memory_space<vmem_shared>>) target_semaphore(%arg11 : memref<!tpu.dma_semaphore, #tpu.memory_space<semaphore_mem>>)
    %mul3A_22 = arith.constant 640 : i32
    %mul3A_23 = arith.muli %arg1, %mul3A_22 : i32
    %add3A_24 = arith.constant 160 : i32
    %add3A_25 = arith.addi %mul3A_23, %add3A_24 : i32
    %dma_start3A_26 = arith.constant 0 : i32
    %dma_start3A_27 = tpu.memref_slice %arg10[%add3A_25, %dma_start3A_26] : memref<10240x128xf32, #tpu.memory_space<vmem_shared>> -> memref<80x128xf32, #tpu.memory_space<vmem_shared>>
    %dma_start3A_28 = arith.constant 0 : i32
    %dma_start3A_29 = tpu.memref_slice %arg10[%add3A_25, %dma_start3A_28] : memref<10240x128xf32, #tpu.memory_space<vmem_shared>> -> memref<80x128xf32, #tpu.memory_space<vmem_shared>>
    tpu.enqueue_dma source(%arg7 : memref<80x128xf32, #tpu.memory_space<vmem>>) target(%dma_start3A_29 : memref<80x128xf32, #tpu.memory_space<vmem_shared>>) target_semaphore(%arg11 : memref<!tpu.dma_semaphore, #tpu.memory_space<semaphore_mem>>)
    %mul3A_30 = arith.constant 640 : i32
    %mul3A_31 = arith.muli %arg1, %mul3A_30 : i32
    %add3A_32 = arith.constant 240 : i32
    %add3A_33 = arith.addi %mul3A_31, %add3A_32 : i32
    %dma_start3A_34 = arith.constant 0 : i32
    %dma_start3A_35 = tpu.memref_slice %arg10[%add3A_33, %dma_start3A_34] : memref<10240x128xf32, #tpu.memory_space<vmem_shared>> -> memref<80x128xf32, #tpu.memory_space<vmem_shared>>
    %dma_start3A_36 = arith.constant 0 : i32
    %dma_start3A_37 = tpu.memref_slice %arg10[%add3A_33, %dma_start3A_36] : memref<10240x128xf32, #tpu.memory_space<vmem_shared>> -> memref<80x128xf32, #tpu.memory_space<vmem_shared>>
    tpu.enqueue_dma source(%arg7 : memref<80x128xf32, #tpu.memory_space<vmem>>) target(%dma_start3A_37 : memref<80x128xf32, #tpu.memory_space<vmem_shared>>) target_semaphore(%arg11 : memref<!tpu.dma_semaphore, #tpu.memory_space<semaphore_mem>>)
    %mul3A_38 = arith.constant 640 : i32
    %mul3A_39 = arith.muli %arg1, %mul3A_38 : i32
    %add3A_40 = arith.constant 320 : i32
    %add3A_41 = arith.addi %mul3A_39, %add3A_40 : i32
    %dma_start3A_42 = arith.constant 0 : i32
    %dma_start3A_43 = tpu.memref_slice %arg10[%add3A_41, %dma_start3A_42] : memref<10240x128xf32, #tpu.memory_space<vmem_shared>> -> memref<80x128xf32, #tpu.memory_space<vmem_shared>>
    %dma_start3A_44 = arith.constant 0 : i32
    %dma_start3A_45 = tpu.memref_slice %arg10[%add3A_41, %dma_start3A_44] : memref<10240x128xf32, #tpu.memory_space<vmem_shared>> -> memref<80x128xf32, #tpu.memory_space<vmem_shared>>
    tpu.enqueue_dma source(%arg7 : memref<80x128xf32, #tpu.memory_space<vmem>>) target(%dma_start3A_45 : memref<80x128xf32, #tpu.memory_space<vmem_shared>>) target_semaphore(%arg11 : memref<!tpu.dma_semaphore, #tpu.memory_space<semaphore_mem>>)
    %mul3A_46 = arith.constant 640 : i32
    %mul3A_47 = arith.muli %arg1, %mul3A_46 : i32
    %add3A_48 = arith.constant 400 : i32
    %add3A_49 = arith.addi %mul3A_47, %add3A_48 : i32
    %dma_start3A_50 = arith.constant 0 : i32
    %dma_start3A_51 = tpu.memref_slice %arg10[%add3A_49, %dma_start3A_50] : memref<10240x128xf32, #tpu.memory_space<vmem_shared>> -> memref<80x128xf32, #tpu.memory_space<vmem_shared>>
    %dma_start3A_52 = arith.constant 0 : i32
    %dma_start3A_53 = tpu.memref_slice %arg10[%add3A_49, %dma_start3A_52] : memref<10240x128xf32, #tpu.memory_space<vmem_shared>> -> memref<80x128xf32, #tpu.memory_space<vmem_shared>>
    tpu.enqueue_dma source(%arg7 : memref<80x128xf32, #tpu.memory_space<vmem>>) target(%dma_start3A_53 : memref<80x128xf32, #tpu.memory_space<vmem_shared>>) target_semaphore(%arg11 : memref<!tpu.dma_semaphore, #tpu.memory_space<semaphore_mem>>)
    %mul3A_54 = arith.constant 640 : i32
    %mul3A_55 = arith.muli %arg1, %mul3A_54 : i32
    %add3A_56 = arith.constant 480 : i32
    %add3A_57 = arith.addi %mul3A_55, %add3A_56 : i32
    %dma_start3A_58 = arith.constant 0 : i32
    %dma_start3A_59 = tpu.memref_slice %arg10[%add3A_57, %dma_start3A_58] : memref<10240x128xf32, #tpu.memory_space<vmem_shared>> -> memref<80x128xf32, #tpu.memory_space<vmem_shared>>
    %dma_start3A_60 = arith.constant 0 : i32
    %dma_start3A_61 = tpu.memref_slice %arg10[%add3A_57, %dma_start3A_60] : memref<10240x128xf32, #tpu.memory_space<vmem_shared>> -> memref<80x128xf32, #tpu.memory_space<vmem_shared>>
    tpu.enqueue_dma source(%arg7 : memref<80x128xf32, #tpu.memory_space<vmem>>) target(%dma_start3A_61 : memref<80x128xf32, #tpu.memory_space<vmem_shared>>) target_semaphore(%arg11 : memref<!tpu.dma_semaphore, #tpu.memory_space<semaphore_mem>>)
    %mul3A_62 = arith.constant 640 : i32
    %mul3A_63 = arith.muli %arg1, %mul3A_62 : i32
    %add3A_64 = arith.constant 560 : i32
    %add3A_65 = arith.addi %mul3A_63, %add3A_64 : i32
    %dma_start3A_66 = arith.constant 0 : i32
    %dma_start3A_67 = tpu.memref_slice %arg10[%add3A_65, %dma_start3A_66] : memref<10240x128xf32, #tpu.memory_space<vmem_shared>> -> memref<80x128xf32, #tpu.memory_space<vmem_shared>>
    %dma_start3A_68 = arith.constant 0 : i32
    %dma_start3A_69 = tpu.memref_slice %arg10[%add3A_65, %dma_start3A_68] : memref<10240x128xf32, #tpu.memory_space<vmem_shared>> -> memref<80x128xf32, #tpu.memory_space<vmem_shared>>
    tpu.enqueue_dma source(%arg7 : memref<80x128xf32, #tpu.memory_space<vmem>>) target(%dma_start3A_69 : memref<80x128xf32, #tpu.memory_space<vmem_shared>>) target_semaphore(%arg11 : memref<!tpu.dma_semaphore, #tpu.memory_space<semaphore_mem>>)
    %mul3A_70 = arith.constant 10000 : i32
    %mul3A_71 = arith.muli %add3A, %mul3A_70 : i32
    %dma_start3A_72 = arith.constant 0 : i32
    %dma_start3A_73 = tpu.memref_slice %arg2[%dma_start3A_72, %mul3A_71] : memref<2x320000xi32, #tpu.memory_space<hbm>> -> memref<1x10000xi32, #tpu.memory_space<hbm>>
    %dma_start3A_74 = tpu.memref_squeeze %dma_start3A_73 : memref<1x10000xi32, #tpu.memory_space<hbm>> -> memref<10000xi32, #tpu.memory_space<hbm>>
    %dma_start3A_75 = tpu.memref_slice %arg2[%dma_start3A_72, %mul3A_71] : memref<2x320000xi32, #tpu.memory_space<hbm>> -> memref<1x10000xi32, #tpu.memory_space<hbm>>
    %dma_start3A_76 = tpu.memref_squeeze %dma_start3A_75 : memref<1x10000xi32, #tpu.memory_space<hbm>> -> memref<10000xi32, #tpu.memory_space<hbm>>
    tpu.enqueue_dma source(%dma_start3A_76 : memref<10000xi32, #tpu.memory_space<hbm>>) target(%arg5 : memref<10000xi32, #tpu.memory_space<vmem>>) target_semaphore(%arg12 : memref<!tpu.dma_semaphore, #tpu.memory_space<semaphore_mem>>)
    %mul3A_77 = arith.constant 10000 : i32
    %mul3A_78 = arith.muli %add3A, %mul3A_77 : i32
    %dma_start3A_79 = arith.constant 1 : i32
    %dma_start3A_80 = tpu.memref_slice %arg2[%dma_start3A_79, %mul3A_78] : memref<2x320000xi32, #tpu.memory_space<hbm>> -> memref<1x10000xi32, #tpu.memory_space<hbm>>
    %dma_start3A_81 = tpu.memref_squeeze %dma_start3A_80 : memref<1x10000xi32, #tpu.memory_space<hbm>> -> memref<10000xi32, #tpu.memory_space<hbm>>
    %dma_start3A_82 = tpu.memref_slice %arg2[%dma_start3A_79, %mul3A_78] : memref<2x320000xi32, #tpu.memory_space<hbm>> -> memref<1x10000xi32, #tpu.memory_space<hbm>>
    %dma_start3A_83 = tpu.memref_squeeze %dma_start3A_82 : memref<1x10000xi32, #tpu.memory_space<hbm>> -> memref<10000xi32, #tpu.memory_space<hbm>>
    tpu.enqueue_dma source(%dma_start3A_83 : memref<10000xi32, #tpu.memory_space<hbm>>) target(%arg6 : memref<10000xi32, #tpu.memory_space<vmem>>) target_semaphore(%arg13 : memref<!tpu.dma_semaphore, #tpu.memory_space<semaphore_mem>>)
    %dma_wait3A = arith.constant 0 : i32
    %dma_wait3A_84 = tpu.memref_slice %arg10[%add3A_10, %dma_wait3A] : memref<10240x128xf32, #tpu.memory_space<vmem_shared>> -> memref<80x128xf32, #tpu.memory_space<vmem_shared>>
    %dma_wait3A_85 = arith.constant 0 : i32
    %dma_wait3A_86 = tpu.memref_slice %arg10[%add3A_10, %dma_wait3A_85] : memref<10240x128xf32, #tpu.memory_space<vmem_shared>> -> memref<80x128xf32, #tpu.memory_space<vmem_shared>>
    tpu.wait_dma2 semaphore(%arg11 : memref<!tpu.dma_semaphore, #tpu.memory_space<semaphore_mem>>) src(%arg7 : memref<80x128xf32, #tpu.memory_space<vmem>>) dst(%dma_wait3A_86 : memref<80x128xf32, #tpu.memory_space<vmem_shared>>)
    %dma_wait3A_87 = arith.constant 0 : i32
    %dma_wait3A_88 = tpu.memref_slice %arg10[%add3A_17, %dma_wait3A_87] : memref<10240x128xf32, #tpu.memory_space<vmem_shared>> -> memref<80x128xf32, #tpu.memory_space<vmem_shared>>
    %dma_wait3A_89 = arith.constant 0 : i32
    %dma_wait3A_90 = tpu.memref_slice %arg10[%add3A_17, %dma_wait3A_89] : memref<10240x128xf32, #tpu.memory_space<vmem_shared>> -> memref<80x128xf32, #tpu.memory_space<vmem_shared>>
    tpu.wait_dma2 semaphore(%arg11 : memref<!tpu.dma_semaphore, #tpu.memory_space<semaphore_mem>>) src(%arg7 : memref<80x128xf32, #tpu.memory_space<vmem>>) dst(%dma_wait3A_90 : memref<80x128xf32, #tpu.memory_space<vmem_shared>>)
    %dma_wait3A_91 = arith.constant 0 : i32
    %dma_wait3A_92 = tpu.memref_slice %arg10[%add3A_25, %dma_wait3A_91] : memref<10240x128xf32, #tpu.memory_space<vmem_shared>> -> memref<80x128xf32, #tpu.memory_space<vmem_shared>>
    %dma_wait3A_93 = arith.constant 0 : i32
    %dma_wait3A_94 = tpu.memref_slice %arg10[%add3A_25, %dma_wait3A_93] : memref<10240x128xf32, #tpu.memory_space<vmem_shared>> -> memref<80x128xf32, #tpu.memory_space<vmem_shared>>
    tpu.wait_dma2 semaphore(%arg11 : memref<!tpu.dma_semaphore, #tpu.memory_space<semaphore_mem>>) src(%arg7 : memref<80x128xf32, #tpu.memory_space<vmem>>) dst(%dma_wait3A_94 : memref<80x128xf32, #tpu.memory_space<vmem_shared>>)
    %dma_wait3A_95 = arith.constant 0 : i32
    %dma_wait3A_96 = tpu.memref_slice %arg10[%add3A_33, %dma_wait3A_95] : memref<10240x128xf32, #tpu.memory_space<vmem_shared>> -> memref<80x128xf32, #tpu.memory_space<vmem_shared>>
    %dma_wait3A_97 = arith.constant 0 : i32
    %dma_wait3A_98 = tpu.memref_slice %arg10[%add3A_33, %dma_wait3A_97] : memref<10240x128xf32, #tpu.memory_space<vmem_shared>> -> memref<80x128xf32, #tpu.memory_space<vmem_shared>>
    tpu.wait_dma2 semaphore(%arg11 : memref<!tpu.dma_semaphore, #tpu.memory_space<semaphore_mem>>) src(%arg7 : memref<80x128xf32, #tpu.memory_space<vmem>>) dst(%dma_wait3A_98 : memref<80x128xf32, #tpu.memory_space<vmem_shared>>)
    %dma_wait3A_99 = arith.constant 0 : i32
    %dma_wait3A_100 = tpu.memref_slice %arg10[%add3A_41, %dma_wait3A_99] : memref<10240x128xf32, #tpu.memory_space<vmem_shared>> -> memref<80x128xf32, #tpu.memory_space<vmem_shared>>
    %dma_wait3A_101 = arith.constant 0 : i32
    %dma_wait3A_102 = tpu.memref_slice %arg10[%add3A_41, %dma_wait3A_101] : memref<10240x128xf32, #tpu.memory_space<vmem_shared>> -> memref<80x128xf32, #tpu.memory_space<vmem_shared>>
    tpu.wait_dma2 semaphore(%arg11 : memref<!tpu.dma_semaphore, #tpu.memory_space<semaphore_mem>>) src(%arg7 : memref<80x128xf32, #tpu.memory_space<vmem>>) dst(%dma_wait3A_102 : memref<80x128xf32, #tpu.memory_space<vmem_shared>>)
    %dma_wait3A_103 = arith.constant 0 : i32
    %dma_wait3A_104 = tpu.memref_slice %arg10[%add3A_49, %dma_wait3A_103] : memref<10240x128xf32, #tpu.memory_space<vmem_shared>> -> memref<80x128xf32, #tpu.memory_space<vmem_shared>>
    %dma_wait3A_105 = arith.constant 0 : i32
    %dma_wait3A_106 = tpu.memref_slice %arg10[%add3A_49, %dma_wait3A_105] : memref<10240x128xf32, #tpu.memory_space<vmem_shared>> -> memref<80x128xf32, #tpu.memory_space<vmem_shared>>
    tpu.wait_dma2 semaphore(%arg11 : memref<!tpu.dma_semaphore, #tpu.memory_space<semaphore_mem>>) src(%arg7 : memref<80x128xf32, #tpu.memory_space<vmem>>) dst(%dma_wait3A_106 : memref<80x128xf32, #tpu.memory_space<vmem_shared>>)
    %dma_wait3A_107 = arith.constant 0 : i32
    %dma_wait3A_108 = tpu.memref_slice %arg10[%add3A_57, %dma_wait3A_107] : memref<10240x128xf32, #tpu.memory_space<vmem_shared>> -> memref<80x128xf32, #tpu.memory_space<vmem_shared>>
    %dma_wait3A_109 = arith.constant 0 : i32
    %dma_wait3A_110 = tpu.memref_slice %arg10[%add3A_57, %dma_wait3A_109] : memref<10240x128xf32, #tpu.memory_space<vmem_shared>> -> memref<80x128xf32, #tpu.memory_space<vmem_shared>>
    tpu.wait_dma2 semaphore(%arg11 : memref<!tpu.dma_semaphore, #tpu.memory_space<semaphore_mem>>) src(%arg7 : memref<80x128xf32, #tpu.memory_space<vmem>>) dst(%dma_wait3A_110 : memref<80x128xf32, #tpu.memory_space<vmem_shared>>)
    %dma_wait3A_111 = arith.constant 0 : i32
    %dma_wait3A_112 = tpu.memref_slice %arg10[%add3A_65, %dma_wait3A_111] : memref<10240x128xf32, #tpu.memory_space<vmem_shared>> -> memref<80x128xf32, #tpu.memory_space<vmem_shared>>
    %dma_wait3A_113 = arith.constant 0 : i32
    %dma_wait3A_114 = tpu.memref_slice %arg10[%add3A_65, %dma_wait3A_113] : memref<10240x128xf32, #tpu.memory_space<vmem_shared>> -> memref<80x128xf32, #tpu.memory_space<vmem_shared>>
    tpu.wait_dma2 semaphore(%arg11 : memref<!tpu.dma_semaphore, #tpu.memory_space<semaphore_mem>>) src(%arg7 : memref<80x128xf32, #tpu.memory_space<vmem>>) dst(%dma_wait3A_114 : memref<80x128xf32, #tpu.memory_space<vmem_shared>>)
    %dma_wait3A_115 = arith.constant 0 : i32
    %dma_wait3A_116 = tpu.memref_slice %arg2[%dma_wait3A_115, %mul3A_71] : memref<2x320000xi32, #tpu.memory_space<hbm>> -> memref<1x10000xi32, #tpu.memory_space<hbm>>
    %dma_wait3A_117 = tpu.memref_squeeze %dma_wait3A_116 : memref<1x10000xi32, #tpu.memory_space<hbm>> -> memref<10000xi32, #tpu.memory_space<hbm>>
    %dma_wait3A_118 = tpu.memref_slice %arg2[%dma_wait3A_115, %mul3A_71] : memref<2x320000xi32, #tpu.memory_space<hbm>> -> memref<1x10000xi32, #tpu.memory_space<hbm>>
    %dma_wait3A_119 = tpu.memref_squeeze %dma_wait3A_118 : memref<1x10000xi32, #tpu.memory_space<hbm>> -> memref<10000xi32, #tpu.memory_space<hbm>>
    tpu.wait_dma2 semaphore(%arg12 : memref<!tpu.dma_semaphore, #tpu.memory_space<semaphore_mem>>) src(%dma_wait3A_119 : memref<10000xi32, #tpu.memory_space<hbm>>) dst(%arg5 : memref<10000xi32, #tpu.memory_space<vmem>>)
    %dma_wait3A_120 = arith.constant 1 : i32
    %dma_wait3A_121 = tpu.memref_slice %arg2[%dma_wait3A_120, %mul3A_78] : memref<2x320000xi32, #tpu.memory_space<hbm>> -> memref<1x10000xi32, #tpu.memory_space<hbm>>
    %dma_wait3A_122 = tpu.memref_squeeze %dma_wait3A_121 : memref<1x10000xi32, #tpu.memory_space<hbm>> -> memref<10000xi32, #tpu.memory_space<hbm>>
    %dma_wait3A_123 = tpu.memref_slice %arg2[%dma_wait3A_120, %mul3A_78] : memref<2x320000xi32, #tpu.memory_space<hbm>> -> memref<1x10000xi32, #tpu.memory_space<hbm>>
    %dma_wait3A_124 = tpu.memref_squeeze %dma_wait3A_123 : memref<1x10000xi32, #tpu.memory_space<hbm>> -> memref<10000xi32, #tpu.memory_space<hbm>>
    tpu.wait_dma2 semaphore(%arg13 : memref<!tpu.dma_semaphore, #tpu.memory_space<semaphore_mem>>) src(%dma_wait3A_124 : memref<10000xi32, #tpu.memory_space<hbm>>) dst(%arg6 : memref<10000xi32, #tpu.memory_space<vmem>>)
    %barrier3A = arith.constant 0 : index
    tpu.barrier barrier_id(%barrier3A)
    %dma_start3A_125 = arith.constant 0 : i32
    %dma_start3A_126 = tpu.memref_slice %arg5[%dma_start3A_125] : memref<10000xi32, #tpu.memory_space<vmem>> -> memref<80xi32, #tpu.memory_space<vmem>>
    %dma_start3A_127 = arith.constant 0 : i32
    %dma_start3A_128 = arith.constant 0 : i32
    %dma_start3A_129 = tpu.memref_slice %arg3[%dma_start3A_127, %dma_start3A_128] : memref<10000x128xf32, #tpu.memory_space<hbm>> -> memref<10000x128xf32, #tpu.memory_space<hbm>>
    tpu.enqueue_indirect_dma source(%dma_start3A_129 : memref<10000x128xf32, #tpu.memory_space<hbm>>) target(%arg7 : memref<80x128xf32, #tpu.memory_space<vmem>>) offsets(%dma_start3A_126 : memref<80xi32, #tpu.memory_space<vmem>>) semaphore(%arg11 : memref<!tpu.dma_semaphore, #tpu.memory_space<semaphore_mem>>)
    %dma_start3A_130 = arith.constant 80 : i32
    %dma_start3A_131 = tpu.memref_slice %arg5[%dma_start3A_130] : memref<10000xi32, #tpu.memory_space<vmem>> -> memref<80xi32, #tpu.memory_space<vmem>>
    %dma_start3A_132 = arith.constant 0 : i32
    %dma_start3A_133 = arith.constant 0 : i32
    %dma_start3A_134 = tpu.memref_slice %arg3[%dma_start3A_132, %dma_start3A_133] : memref<10000x128xf32, #tpu.memory_space<hbm>> -> memref<10000x128xf32, #tpu.memory_space<hbm>>
    tpu.enqueue_indirect_dma source(%dma_start3A_134 : memref<10000x128xf32, #tpu.memory_space<hbm>>) target(%arg8 : memref<80x128xf32, #tpu.memory_space<vmem>>) offsets(%dma_start3A_131 : memref<80xi32, #tpu.memory_space<vmem>>) semaphore(%arg12 : memref<!tpu.dma_semaphore, #tpu.memory_space<semaphore_mem>>)
    %scan3A_135 = arith.constant 0 : i32
    %scan3A_136 = arith.constant 0 : i32
    %scan3A_137 = arith.constant 50 : i32
    %scan3A_138 = arith.addi %scan3A_136, %scan3A_137 : i32
    %scan3A_139 = arith.constant 1 : i32
    scf.for %scan3A_146 = %scan3A_136 to %scan3A_138 step %scan3A_139  : i32 {
      %mul3A_147 = arith.constant 200 : i32
      %mul3A_148 = arith.muli %scan3A_146, %mul3A_147 : i32
      %dma_wait3A_149 = tpu.memref_slice %arg5[%mul3A_148] : memref<10000xi32, #tpu.memory_space<vmem>> -> memref<80xi32, #tpu.memory_space<vmem>>
      %dma_wait3A_150 = arith.constant 0 : i32
      %dma_wait3A_151 = arith.constant 0 : i32
      %dma_wait3A_152 = tpu.memref_slice %arg3[%dma_wait3A_150, %dma_wait3A_151] : memref<10000x128xf32, #tpu.memory_space<hbm>> -> memref<10000x128xf32, #tpu.memory_space<hbm>>
      tpu.wait_indirect_dma semaphore(%arg11 : memref<!tpu.dma_semaphore, #tpu.memory_space<semaphore_mem>>) src(%dma_wait3A_152 : memref<10000x128xf32, #tpu.memory_space<hbm>>) dst(%arg7 : memref<80x128xf32, #tpu.memory_space<vmem>>)
      %add3A_153 = arith.constant 160 : i32
      %add3A_154 = arith.addi %mul3A_148, %add3A_153 : i32
      %dma_start3A_155 = tpu.memref_slice %arg5[%add3A_154] : memref<10000xi32, #tpu.memory_space<vmem>> -> memref<40xi32, #tpu.memory_space<vmem>>
      %dma_start3A_156 = arith.constant 0 : i32
      %dma_start3A_157 = arith.constant 0 : i32
      %dma_start3A_158 = tpu.memref_slice %arg3[%dma_start3A_156, %dma_start3A_157] : memref<10000x128xf32, #tpu.memory_space<hbm>> -> memref<10000x128xf32, #tpu.memory_space<hbm>>
      tpu.enqueue_indirect_dma source(%dma_start3A_158 : memref<10000x128xf32, #tpu.memory_space<hbm>>) target(%arg9 : memref<40x128xf32, #tpu.memory_space<vmem>>) offsets(%dma_start3A_155 : memref<40xi32, #tpu.memory_space<vmem>>) semaphore(%arg13 : memref<!tpu.dma_semaphore, #tpu.memory_space<semaphore_mem>>)
      "tpu.region"() ({
        %run_scoped3A = tpu.sem_alloc : memref<!tpu.dma_semaphore, #tpu.memory_space<semaphore_mem>>
        %dma_start3A_182 = tpu.memref_slice %arg6[%mul3A_148] : memref<10000xi32, #tpu.memory_space<vmem>> -> memref<80xi32, #tpu.memory_space<vmem>>
        %dma_start3A_183 = arith.constant 0 : i32
        %dma_start3A_184 = arith.constant 0 : i32
        %dma_start3A_185 = tpu.memref_slice %arg10[%dma_start3A_183, %dma_start3A_184] : memref<10240x128xf32, #tpu.memory_space<vmem_shared>> -> memref<10240x128xf32, #tpu.memory_space<vmem_shared>>
        tpu.enqueue_indirect_dma source(%arg7 : memref<80x128xf32, #tpu.memory_space<vmem>>) target(%dma_start3A_185 : memref<10240x128xf32, #tpu.memory_space<vmem_shared>>) offsets(%dma_start3A_182 : memref<80xi32, #tpu.memory_space<vmem>>) semaphore(%run_scoped3A : memref<!tpu.dma_semaphore, #tpu.memory_space<semaphore_mem>>) {add = true}
        %dma_wait3A_186 = tpu.memref_slice %arg6[%mul3A_148] : memref<10000xi32, #tpu.memory_space<vmem>> -> memref<80xi32, #tpu.memory_space<vmem>>
        %dma_wait3A_187 = arith.constant 0 : i32
        %dma_wait3A_188 = arith.constant 0 : i32
        %dma_wait3A_189 = tpu.memref_slice %arg10[%dma_wait3A_187, %dma_wait3A_188] : memref<10240x128xf32, #tpu.memory_space<vmem_shared>> -> memref<10240x128xf32, #tpu.memory_space<vmem_shared>>
        tpu.wait_indirect_dma semaphore(%run_scoped3A : memref<!tpu.dma_semaphore, #tpu.memory_space<semaphore_mem>>) src(%arg7 : memref<80x128xf32, #tpu.memory_space<vmem>>) dst(%dma_wait3A_189 : memref<10240x128xf32, #tpu.memory_space<vmem_shared>>)
        tpu.yield
      }) : () -> ()
      %add3A_159 = arith.constant 80 : i32
      %add3A_160 = arith.addi %mul3A_148, %add3A_159 : i32
      %dma_wait3A_161 = tpu.memref_slice %arg5[%add3A_160] : memref<10000xi32, #tpu.memory_space<vmem>> -> memref<80xi32, #tpu.memory_space<vmem>>
      %dma_wait3A_162 = arith.constant 0 : i32
      %dma_wait3A_163 = arith.constant 0 : i32
      %dma_wait3A_164 = tpu.memref_slice %arg3[%dma_wait3A_162, %dma_wait3A_163] : memref<10000x128xf32, #tpu.memory_space<hbm>> -> memref<10000x128xf32, #tpu.memory_space<hbm>>
      tpu.wait_indirect_dma semaphore(%arg12 : memref<!tpu.dma_semaphore, #tpu.memory_space<semaphore_mem>>) src(%dma_wait3A_164 : memref<10000x128xf32, #tpu.memory_space<hbm>>) dst(%arg8 : memref<80x128xf32, #tpu.memory_space<vmem>>)
      %lt3A = arith.constant 49 : i32
      %lt3A_165 = arith.cmpi slt, %scan3A_146, %lt3A : i32
      %convert_element_type3A = arith.extui %lt3A_165 : i1 to i32
      %cond3A = arith.constant 0 : i32
      %cond3A_166 = arith.cmpi ne, %convert_element_type3A, %cond3A : i32
      scf.if %cond3A_166 {
        %add3A_182 = arith.constant 200 : i32
        %add3A_183 = arith.addi %mul3A_148, %add3A_182 : i32
        %dma_start3A_184 = tpu.memref_slice %arg5[%add3A_183] : memref<10000xi32, #tpu.memory_space<vmem>> -> memref<80xi32, #tpu.memory_space<vmem>>
        %dma_start3A_185 = arith.constant 0 : i32
        %dma_start3A_186 = arith.constant 0 : i32
        %dma_start3A_187 = tpu.memref_slice %arg3[%dma_start3A_185, %dma_start3A_186] : memref<10000x128xf32, #tpu.memory_space<hbm>> -> memref<10000x128xf32, #tpu.memory_space<hbm>>
        tpu.enqueue_indirect_dma source(%dma_start3A_187 : memref<10000x128xf32, #tpu.memory_space<hbm>>) target(%arg7 : memref<80x128xf32, #tpu.memory_space<vmem>>) offsets(%dma_start3A_184 : memref<80xi32, #tpu.memory_space<vmem>>) semaphore(%arg11 : memref<!tpu.dma_semaphore, #tpu.memory_space<semaphore_mem>>)
      } else {
      }
      %add3A_167 = arith.constant 80 : i32
      %add3A_168 = arith.addi %mul3A_148, %add3A_167 : i32
      "tpu.region"() ({
        %run_scoped3A = tpu.sem_alloc : memref<!tpu.dma_semaphore, #tpu.memory_space<semaphore_mem>>
        %dma_start3A_182 = tpu.memref_slice %arg6[%add3A_168] : memref<10000xi32, #tpu.memory_space<vmem>> -> memref<80xi32, #tpu.memory_space<vmem>>
        %dma_start3A_183 = arith.constant 0 : i32
        %dma_start3A_184 = arith.constant 0 : i32
        %dma_start3A_185 = tpu.memref_slice %arg10[%dma_start3A_183, %dma_start3A_184] : memref<10240x128xf32, #tpu.memory_space<vmem_shared>> -> memref<10240x128xf32, #tpu.memory_space<vmem_shared>>
        tpu.enqueue_indirect_dma source(%arg8 : memref<80x128xf32, #tpu.memory_space<vmem>>) target(%dma_start3A_185 : memref<10240x128xf32, #tpu.memory_space<vmem_shared>>) offsets(%dma_start3A_182 : memref<80xi32, #tpu.memory_space<vmem>>) semaphore(%run_scoped3A : memref<!tpu.dma_semaphore, #tpu.memory_space<semaphore_mem>>) {add = true}
        %dma_wait3A_186 = tpu.memref_slice %arg6[%add3A_168] : memref<10000xi32, #tpu.memory_space<vmem>> -> memref<80xi32, #tpu.memory_space<vmem>>
        %dma_wait3A_187 = arith.constant 0 : i32
        %dma_wait3A_188 = arith.constant 0 : i32
        %dma_wait3A_189 = tpu.memref_slice %arg10[%dma_wait3A_187, %dma_wait3A_188] : memref<10240x128xf32, #tpu.memory_space<vmem_shared>> -> memref<10240x128xf32, #tpu.memory_space<vmem_shared>>
        tpu.wait_indirect_dma semaphore(%run_scoped3A : memref<!tpu.dma_semaphore, #tpu.memory_space<semaphore_mem>>) src(%arg8 : memref<80x128xf32, #tpu.memory_space<vmem>>) dst(%dma_wait3A_189 : memref<10240x128xf32, #tpu.memory_space<vmem_shared>>)
        tpu.yield
      }) : () -> ()
      %add3A_169 = arith.constant 160 : i32
      %add3A_170 = arith.addi %mul3A_148, %add3A_169 : i32
      %dma_wait3A_171 = tpu.memref_slice %arg5[%add3A_170] : memref<10000xi32, #tpu.memory_space<vmem>> -> memref<40xi32, #tpu.memory_space<vmem>>
      %dma_wait3A_172 = arith.constant 0 : i32
      %dma_wait3A_173 = arith.constant 0 : i32
      %dma_wait3A_174 = tpu.memref_slice %arg3[%dma_wait3A_172, %dma_wait3A_173] : memref<10000x128xf32, #tpu.memory_space<hbm>> -> memref<10000x128xf32, #tpu.memory_space<hbm>>
      tpu.wait_indirect_dma semaphore(%arg13 : memref<!tpu.dma_semaphore, #tpu.memory_space<semaphore_mem>>) src(%dma_wait3A_174 : memref<10000x128xf32, #tpu.memory_space<hbm>>) dst(%arg9 : memref<40x128xf32, #tpu.memory_space<vmem>>)
      %lt3A_175 = arith.constant 49 : i32
      %lt3A_176 = arith.cmpi slt, %scan3A_146, %lt3A_175 : i32
      %convert_element_type3A_177 = arith.extui %lt3A_176 : i1 to i32
      %cond3A_178 = arith.constant 0 : i32
      %cond3A_179 = arith.cmpi ne, %convert_element_type3A_177, %cond3A_178 : i32
      scf.if %cond3A_179 {
        %add3A_182 = arith.constant 200 : i32
        %add3A_183 = arith.addi %mul3A_148, %add3A_182 : i32
        %add3A_184 = arith.constant 80 : i32
        %add3A_185 = arith.addi %add3A_183, %add3A_184 : i32
        %dma_start3A_186 = tpu.memref_slice %arg5[%add3A_185] : memref<10000xi32, #tpu.memory_space<vmem>> -> memref<80xi32, #tpu.memory_space<vmem>>
        %dma_start3A_187 = arith.constant 0 : i32
        %dma_start3A_188 = arith.constant 0 : i32
        %dma_start3A_189 = tpu.memref_slice %arg3[%dma_start3A_187, %dma_start3A_188] : memref<10000x128xf32, #tpu.memory_space<hbm>> -> memref<10000x128xf32, #tpu.memory_space<hbm>>
        tpu.enqueue_indirect_dma source(%dma_start3A_189 : memref<10000x128xf32, #tpu.memory_space<hbm>>) target(%arg8 : memref<80x128xf32, #tpu.memory_space<vmem>>) offsets(%dma_start3A_186 : memref<80xi32, #tpu.memory_space<vmem>>) semaphore(%arg12 : memref<!tpu.dma_semaphore, #tpu.memory_space<semaphore_mem>>)
      } else {
      }
      %add3A_180 = arith.constant 160 : i32
      %add3A_181 = arith.addi %mul3A_148, %add3A_180 : i32
      "tpu.region"() ({
        %run_scoped3A = tpu.sem_alloc : memref<!tpu.dma_semaphore, #tpu.memory_space<semaphore_mem>>
        %dma_start3A_182 = tpu.memref_slice %arg6[%add3A_181] : memref<10000xi32, #tpu.memory_space<vmem>> -> memref<40xi32, #tpu.memory_space<vmem>>
        %dma_start3A_183 = arith.constant 0 : i32
        %dma_start3A_184 = arith.constant 0 : i32
        %dma_start3A_185 = tpu.memref_slice %arg10[%dma_start3A_183, %dma_start3A_184] : memref<10240x128xf32, #tpu.memory_space<vmem_shared>> -> memref<10240x128xf32, #tpu.memory_space<vmem_shared>>
        tpu.enqueue_indirect_dma source(%arg9 : memref<40x128xf32, #tpu.memory_space<vmem>>) target(%dma_start3A_185 : memref<10240x128xf32, #tpu.memory_space<vmem_shared>>) offsets(%dma_start3A_182 : memref<40xi32, #tpu.memory_space<vmem>>) semaphore(%run_scoped3A : memref<!tpu.dma_semaphore, #tpu.memory_space<semaphore_mem>>) {add = true}
        %dma_wait3A_186 = tpu.memref_slice %arg6[%add3A_181] : memref<10000xi32, #tpu.memory_space<vmem>> -> memref<40xi32, #tpu.memory_space<vmem>>
        %dma_wait3A_187 = arith.constant 0 : i32
        %dma_wait3A_188 = arith.constant 0 : i32
        %dma_wait3A_189 = tpu.memref_slice %arg10[%dma_wait3A_187, %dma_wait3A_188] : memref<10240x128xf32, #tpu.memory_space<vmem_shared>> -> memref<10240x128xf32, #tpu.memory_space<vmem_shared>>
        tpu.wait_indirect_dma semaphore(%run_scoped3A : memref<!tpu.dma_semaphore, #tpu.memory_space<semaphore_mem>>) src(%arg9 : memref<40x128xf32, #tpu.memory_space<vmem>>) dst(%dma_wait3A_189 : memref<10240x128xf32, #tpu.memory_space<vmem_shared>>)
        tpu.yield
      }) : () -> ()
    }
    %scan3A_140 = arith.constant 50 : i32
    %barrier3A_141 = arith.constant 0 : index
    tpu.barrier barrier_id(%barrier3A_141)
    %mul3A_142 = arith.constant 640 : i32
    %mul3A_143 = arith.muli %arg1, %mul3A_142 : i32
    %mul3A_144 = arith.constant 640 : i32
    %mul3A_145 = arith.muli %arg1, %mul3A_144 : i32
    "tpu.region"() ({
      %run_scoped3A = tpu.sem_alloc : memref<!tpu.dma_semaphore, #tpu.memory_space<semaphore_mem>>
      %dma_start3A_146 = arith.constant 0 : i32
      %dma_start3A_147 = tpu.memref_slice %arg4[%arg0, %mul3A_145, %dma_start3A_146] : memref<2x10240x128xf32, #tpu.memory_space<hbm>> -> memref<1x640x128xf32, #tpu.memory_space<hbm>>
      %dma_start3A_148 = tpu.memref_squeeze %dma_start3A_147 : memref<1x640x128xf32, #tpu.memory_space<hbm>> -> memref<640x128xf32, #tpu.memory_space<hbm>>
      %dma_start3A_149 = arith.constant 0 : i32
      %dma_start3A_150 = tpu.memref_slice %arg10[%mul3A_143, %dma_start3A_149] : memref<10240x128xf32, #tpu.memory_space<vmem_shared>> -> memref<640x128xf32, #tpu.memory_space<vmem_shared>>
      tpu.enqueue_dma source(%dma_start3A_150 : memref<640x128xf32, #tpu.memory_space<vmem_shared>>) target(%dma_start3A_148 : memref<640x128xf32, #tpu.memory_space<hbm>>) target_semaphore(%run_scoped3A : memref<!tpu.dma_semaphore, #tpu.memory_space<semaphore_mem>>)
      %dma_wait3A_151 = arith.constant 0 : i32
      %dma_wait3A_152 = tpu.memref_slice %arg4[%arg0, %mul3A_145, %dma_wait3A_151] : memref<2x10240x128xf32, #tpu.memory_space<hbm>> -> memref<1x640x128xf32, #tpu.memory_space<hbm>>
      %dma_wait3A_153 = tpu.memref_squeeze %dma_wait3A_152 : memref<1x640x128xf32, #tpu.memory_space<hbm>> -> memref<640x128xf32, #tpu.memory_space<hbm>>
      %dma_wait3A_154 = arith.constant 0 : i32
      %dma_wait3A_155 = tpu.memref_slice %arg10[%mul3A_143, %dma_wait3A_154] : memref<10240x128xf32, #tpu.memory_space<vmem_shared>> -> memref<640x128xf32, #tpu.memory_space<vmem_shared>>
      tpu.wait_dma2 semaphore(%run_scoped3A : memref<!tpu.dma_semaphore, #tpu.memory_space<semaphore_mem>>) src(%dma_wait3A_155 : memref<640x128xf32, #tpu.memory_space<vmem_shared>>) dst(%dma_wait3A_153 : memref<640x128xf32, #tpu.memory_space<hbm>>)
      tpu.yield
    }) : () -> ()
    return
  }
}

#map = affine_map<(d0, d1) -> (0, 0)>
#map1 = affine_map<(d0, d1) -> (0, 0, 0)>
module attributes {stable_mosaic.version = 14 : i64} {
  func.func @_sc_agg_body(%arg0: i32, %arg1: i32, %arg2: memref<2x320000xi32, #tpu.memory_space<hbm>>, %arg3: memref<10000x128xf32, #tpu.memory_space<hbm>>, %arg4: memref<2x10240x128xf32, #tpu.memory_space<hbm>>, %arg5: memref<10000xi32, #tpu.memory_space<vmem>>, %arg6: memref<10000xi32, #tpu.memory_space<vmem>>, %arg7: memref<80x128xf32, #tpu.memory_space<vmem>>, %arg8: memref<80x128xf32, #tpu.memory_space<vmem>>, %arg9: memref<40x128xf32, #tpu.memory_space<vmem>>, %arg10: memref<10240x128xf32, #tpu.memory_space<vmem_shared>>, %arg11: memref<!tpu.dma_semaphore, #tpu.memory_space<semaphore_mem>>, %arg12: memref<!tpu.dma_semaphore, #tpu.memory_space<semaphore_mem>>, %arg13: memref<!tpu.dma_semaphore, #tpu.memory_space<semaphore_mem>>) attributes {dimension_semantics = [#tpu.dimension_semantics<core_parallel>, #tpu.dimension_semantics<subcore_parallel>], iteration_bounds = array<i64: 2, 16>, scalar_prefetch = 0 : i64, scratch_operands = 9 : i64, tpu.core_type = #tpu.core_type<sc_vector_subcore>, window_params = [{transform_indices = #map}, {transform_indices = #map}, {transform_indices = #map1}]} {
    %mul3A = arith.constant 2 : i32
    %mul3A_0 = arith.muli %arg1, %mul3A : i32
    %add3A = arith.addi %mul3A_0, %arg0 : i32
    %broadcast_in_dim3A = arith.constant 0.000000e+00 : f32
    %broadcast_in_dim3A_1 = vector.broadcast %broadcast_in_dim3A : f32 to vector<16xf32>
    %scan3A = arith.constant 0 : i32
    %scan3A_2 = arith.constant 0 : i32
    %scan3A_3 = arith.constant 80 : i32
    %scan3A_4 = arith.addi %scan3A_2, %scan3A_3 : i32
    %scan3A_5 = arith.constant 1 : i32
    scf.for %scan3A_146 = %scan3A_2 to %scan3A_4 step %scan3A_5  : i32 {
      %swap3A = arith.index_cast %scan3A_146 : i32 to index
      %swap3A_147 = arith.constant 0 : index
      %swap3A_148 = tpu.vector_load %arg7[%swap3A, %swap3A_147] {strides = array<i32>} : memref<80x128xf32, #tpu.memory_space<vmem>>, vector<1x16xf32>,
      %swap3A_149 = vector.shape_cast %swap3A_148 : vector<1x16xf32> to vector<16xf32>
      %swap3A_150 = vector.shape_cast %broadcast_in_dim3A_1 : vector<16xf32> to vector<1x16xf32>
      tpu.vector_store %arg7[%swap3A, %swap3A_147], %swap3A_150 {strides = array<i32>} : memref<80x128xf32, #tpu.memory_space<vmem>>, vector<1x16xf32>,
      %swap3A_151 = arith.index_cast %scan3A_146 : i32 to index
      %swap3A_152 = arith.constant 16 : index
      %swap3A_153 = tpu.vector_load %arg7[%swap3A_151, %swap3A_152] {strides = array<i32>} : memref<80x128xf32, #tpu.memory_space<vmem>>, vector<1x16xf32>,
      %swap3A_154 = vector.shape_cast %swap3A_153 : vector<1x16xf32> to vector<16xf32>
      %swap3A_155 = vector.shape_cast %broadcast_in_dim3A_1 : vector<16xf32> to vector<1x16xf32>
      tpu.vector_store %arg7[%swap3A_151, %swap3A_152], %swap3A_155 {strides = array<i32>} : memref<80x128xf32, #tpu.memory_space<vmem>>, vector<1x16xf32>,
      %swap3A_156 = arith.index_cast %scan3A_146 : i32 to index
      %swap3A_157 = arith.constant 32 : index
      %swap3A_158 = tpu.vector_load %arg7[%swap3A_156, %swap3A_157] {strides = array<i32>} : memref<80x128xf32, #tpu.memory_space<vmem>>, vector<1x16xf32>,
      %swap3A_159 = vector.shape_cast %swap3A_158 : vector<1x16xf32> to vector<16xf32>
      %swap3A_160 = vector.shape_cast %broadcast_in_dim3A_1 : vector<16xf32> to vector<1x16xf32>
      tpu.vector_store %arg7[%swap3A_156, %swap3A_157], %swap3A_160 {strides = array<i32>} : memref<80x128xf32, #tpu.memory_space<vmem>>, vector<1x16xf32>,
      %swap3A_161 = arith.index_cast %scan3A_146 : i32 to index
      %swap3A_162 = arith.constant 48 : index
      %swap3A_163 = tpu.vector_load %arg7[%swap3A_161, %swap3A_162] {strides = array<i32>} : memref<80x128xf32, #tpu.memory_space<vmem>>, vector<1x16xf32>,
      %swap3A_164 = vector.shape_cast %swap3A_163 : vector<1x16xf32> to vector<16xf32>
      %swap3A_165 = vector.shape_cast %broadcast_in_dim3A_1 : vector<16xf32> to vector<1x16xf32>
      tpu.vector_store %arg7[%swap3A_161, %swap3A_162], %swap3A_165 {strides = array<i32>} : memref<80x128xf32, #tpu.memory_space<vmem>>, vector<1x16xf32>,
      %swap3A_166 = arith.index_cast %scan3A_146 : i32 to index
      %swap3A_167 = arith.constant 64 : index
      %swap3A_168 = tpu.vector_load %arg7[%swap3A_166, %swap3A_167] {strides = array<i32>} : memref<80x128xf32, #tpu.memory_space<vmem>>, vector<1x16xf32>,
      %swap3A_169 = vector.shape_cast %swap3A_168 : vector<1x16xf32> to vector<16xf32>
      %swap3A_170 = vector.shape_cast %broadcast_in_dim3A_1 : vector<16xf32> to vector<1x16xf32>
      tpu.vector_store %arg7[%swap3A_166, %swap3A_167], %swap3A_170 {strides = array<i32>} : memref<80x128xf32, #tpu.memory_space<vmem>>, vector<1x16xf32>,
      %swap3A_171 = arith.index_cast %scan3A_146 : i32 to index
      %swap3A_172 = arith.constant 80 : index
      %swap3A_173 = tpu.vector_load %arg7[%swap3A_171, %swap3A_172] {strides = array<i32>} : memref<80x128xf32, #tpu.memory_space<vmem>>, vector<1x16xf32>,
      %swap3A_174 = vector.shape_cast %swap3A_173 : vector<1x16xf32> to vector<16xf32>
      %swap3A_175 = vector.shape_cast %broadcast_in_dim3A_1 : vector<16xf32> to vector<1x16xf32>
      tpu.vector_store %arg7[%swap3A_171, %swap3A_172], %swap3A_175 {strides = array<i32>} : memref<80x128xf32, #tpu.memory_space<vmem>>, vector<1x16xf32>,
      %swap3A_176 = arith.index_cast %scan3A_146 : i32 to index
      %swap3A_177 = arith.constant 96 : index
      %swap3A_178 = tpu.vector_load %arg7[%swap3A_176, %swap3A_177] {strides = array<i32>} : memref<80x128xf32, #tpu.memory_space<vmem>>, vector<1x16xf32>,
      %swap3A_179 = vector.shape_cast %swap3A_178 : vector<1x16xf32> to vector<16xf32>
      %swap3A_180 = vector.shape_cast %broadcast_in_dim3A_1 : vector<16xf32> to vector<1x16xf32>
      tpu.vector_store %arg7[%swap3A_176, %swap3A_177], %swap3A_180 {strides = array<i32>} : memref<80x128xf32, #tpu.memory_space<vmem>>, vector<1x16xf32>,
      %swap3A_181 = arith.index_cast %scan3A_146 : i32 to index
      %swap3A_182 = arith.constant 112 : index
      %swap3A_183 = tpu.vector_load %arg7[%swap3A_181, %swap3A_182] {strides = array<i32>} : memref<80x128xf32, #tpu.memory_space<vmem>>, vector<1x16xf32>,
      %swap3A_184 = vector.shape_cast %swap3A_183 : vector<1x16xf32> to vector<16xf32>
      %swap3A_185 = vector.shape_cast %broadcast_in_dim3A_1 : vector<16xf32> to vector<1x16xf32>
      tpu.vector_store %arg7[%swap3A_181, %swap3A_182], %swap3A_185 {strides = array<i32>} : memref<80x128xf32, #tpu.memory_space<vmem>>, vector<1x16xf32>,
    }
    %scan3A_6 = arith.constant 80 : i32
    %mul3A_7 = arith.constant 640 : i32
    %mul3A_8 = arith.muli %arg1, %mul3A_7 : i32
    %add3A_9 = arith.constant 0 : i32
    %add3A_10 = arith.addi %mul3A_8, %add3A_9 : i32
    %dma_start3A = arith.constant 0 : i32
    %dma_start3A_11 = tpu.memref_slice %arg10[%add3A_10, %dma_start3A] : memref<10240x128xf32, #tpu.memory_space<vmem_shared>> -> memref<80x128xf32, #tpu.memory_space<vmem_shared>>
    %dma_start3A_12 = arith.constant 0 : i32
    %dma_start3A_13 = tpu.memref_slice %arg10[%add3A_10, %dma_start3A_12] : memref<10240x128xf32, #tpu.memory_space<vmem_shared>> -> memref<80x128xf32, #tpu.memory_space<vmem_shared>>
    tpu.enqueue_dma source(%arg7 : memref<80x128xf32, #tpu.memory_space<vmem>>) target(%dma_start3A_13 : memref<80x128xf32, #tpu.memory_space<vmem_shared>>) target_semaphore(%arg11 : memref<!tpu.dma_semaphore, #tpu.memory_space<semaphore_mem>>)
    %mul3A_14 = arith.constant 640 : i32
    %mul3A_15 = arith.muli %arg1, %mul3A_14 : i32
    %add3A_16 = arith.constant 80 : i32
    %add3A_17 = arith.addi %mul3A_15, %add3A_16 : i32
    %dma_start3A_18 = arith.constant 0 : i32
    %dma_start3A_19 = tpu.memref_slice %arg10[%add3A_17, %dma_start3A_18] : memref<10240x128xf32, #tpu.memory_space<vmem_shared>> -> memref<80x128xf32, #tpu.memory_space<vmem_shared>>
    %dma_start3A_20 = arith.constant 0 : i32
    %dma_start3A_21 = tpu.memref_slice %arg10[%add3A_17, %dma_start3A_20] : memref<10240x128xf32, #tpu.memory_space<vmem_shared>> -> memref<80x128xf32, #tpu.memory_space<vmem_shared>>
    tpu.enqueue_dma source(%arg7 : memref<80x128xf32, #tpu.memory_space<vmem>>) target(%dma_start3A_21 : memref<80x128xf32, #tpu.memory_space<vmem_shared>>) target_semaphore(%arg11 : memref<!tpu.dma_semaphore, #tpu.memory_space<semaphore_mem>>)
    %mul3A_22 = arith.constant 640 : i32
    %mul3A_23 = arith.muli %arg1, %mul3A_22 : i32
    %add3A_24 = arith.constant 160 : i32
    %add3A_25 = arith.addi %mul3A_23, %add3A_24 : i32
    %dma_start3A_26 = arith.constant 0 : i32
    %dma_start3A_27 = tpu.memref_slice %arg10[%add3A_25, %dma_start3A_26] : memref<10240x128xf32, #tpu.memory_space<vmem_shared>> -> memref<80x128xf32, #tpu.memory_space<vmem_shared>>
    %dma_start3A_28 = arith.constant 0 : i32
    %dma_start3A_29 = tpu.memref_slice %arg10[%add3A_25, %dma_start3A_28] : memref<10240x128xf32, #tpu.memory_space<vmem_shared>> -> memref<80x128xf32, #tpu.memory_space<vmem_shared>>
    tpu.enqueue_dma source(%arg7 : memref<80x128xf32, #tpu.memory_space<vmem>>) target(%dma_start3A_29 : memref<80x128xf32, #tpu.memory_space<vmem_shared>>) target_semaphore(%arg11 : memref<!tpu.dma_semaphore, #tpu.memory_space<semaphore_mem>>)
    %mul3A_30 = arith.constant 640 : i32
    %mul3A_31 = arith.muli %arg1, %mul3A_30 : i32
    %add3A_32 = arith.constant 240 : i32
    %add3A_33 = arith.addi %mul3A_31, %add3A_32 : i32
    %dma_start3A_34 = arith.constant 0 : i32
    %dma_start3A_35 = tpu.memref_slice %arg10[%add3A_33, %dma_start3A_34] : memref<10240x128xf32, #tpu.memory_space<vmem_shared>> -> memref<80x128xf32, #tpu.memory_space<vmem_shared>>
    %dma_start3A_36 = arith.constant 0 : i32
    %dma_start3A_37 = tpu.memref_slice %arg10[%add3A_33, %dma_start3A_36] : memref<10240x128xf32, #tpu.memory_space<vmem_shared>> -> memref<80x128xf32, #tpu.memory_space<vmem_shared>>
    tpu.enqueue_dma source(%arg7 : memref<80x128xf32, #tpu.memory_space<vmem>>) target(%dma_start3A_37 : memref<80x128xf32, #tpu.memory_space<vmem_shared>>) target_semaphore(%arg11 : memref<!tpu.dma_semaphore, #tpu.memory_space<semaphore_mem>>)
    %mul3A_38 = arith.constant 640 : i32
    %mul3A_39 = arith.muli %arg1, %mul3A_38 : i32
    %add3A_40 = arith.constant 320 : i32
    %add3A_41 = arith.addi %mul3A_39, %add3A_40 : i32
    %dma_start3A_42 = arith.constant 0 : i32
    %dma_start3A_43 = tpu.memref_slice %arg10[%add3A_41, %dma_start3A_42] : memref<10240x128xf32, #tpu.memory_space<vmem_shared>> -> memref<80x128xf32, #tpu.memory_space<vmem_shared>>
    %dma_start3A_44 = arith.constant 0 : i32
    %dma_start3A_45 = tpu.memref_slice %arg10[%add3A_41, %dma_start3A_44] : memref<10240x128xf32, #tpu.memory_space<vmem_shared>> -> memref<80x128xf32, #tpu.memory_space<vmem_shared>>
    tpu.enqueue_dma source(%arg7 : memref<80x128xf32, #tpu.memory_space<vmem>>) target(%dma_start3A_45 : memref<80x128xf32, #tpu.memory_space<vmem_shared>>) target_semaphore(%arg11 : memref<!tpu.dma_semaphore, #tpu.memory_space<semaphore_mem>>)
    %mul3A_46 = arith.constant 640 : i32
    %mul3A_47 = arith.muli %arg1, %mul3A_46 : i32
    %add3A_48 = arith.constant 400 : i32
    %add3A_49 = arith.addi %mul3A_47, %add3A_48 : i32
    %dma_start3A_50 = arith.constant 0 : i32
    %dma_start3A_51 = tpu.memref_slice %arg10[%add3A_49, %dma_start3A_50] : memref<10240x128xf32, #tpu.memory_space<vmem_shared>> -> memref<80x128xf32, #tpu.memory_space<vmem_shared>>
    %dma_start3A_52 = arith.constant 0 : i32
    %dma_start3A_53 = tpu.memref_slice %arg10[%add3A_49, %dma_start3A_52] : memref<10240x128xf32, #tpu.memory_space<vmem_shared>> -> memref<80x128xf32, #tpu.memory_space<vmem_shared>>
    tpu.enqueue_dma source(%arg7 : memref<80x128xf32, #tpu.memory_space<vmem>>) target(%dma_start3A_53 : memref<80x128xf32, #tpu.memory_space<vmem_shared>>) target_semaphore(%arg11 : memref<!tpu.dma_semaphore, #tpu.memory_space<semaphore_mem>>)
    %mul3A_54 = arith.constant 640 : i32
    %mul3A_55 = arith.muli %arg1, %mul3A_54 : i32
    %add3A_56 = arith.constant 480 : i32
    %add3A_57 = arith.addi %mul3A_55, %add3A_56 : i32
    %dma_start3A_58 = arith.constant 0 : i32
    %dma_start3A_59 = tpu.memref_slice %arg10[%add3A_57, %dma_start3A_58] : memref<10240x128xf32, #tpu.memory_space<vmem_shared>> -> memref<80x128xf32, #tpu.memory_space<vmem_shared>>
    %dma_start3A_60 = arith.constant 0 : i32
    %dma_start3A_61 = tpu.memref_slice %arg10[%add3A_57, %dma_start3A_60] : memref<10240x128xf32, #tpu.memory_space<vmem_shared>> -> memref<80x128xf32, #tpu.memory_space<vmem_shared>>
    tpu.enqueue_dma source(%arg7 : memref<80x128xf32, #tpu.memory_space<vmem>>) target(%dma_start3A_61 : memref<80x128xf32, #tpu.memory_space<vmem_shared>>) target_semaphore(%arg11 : memref<!tpu.dma_semaphore, #tpu.memory_space<semaphore_mem>>)
    %mul3A_62 = arith.constant 640 : i32
    %mul3A_63 = arith.muli %arg1, %mul3A_62 : i32
    %add3A_64 = arith.constant 560 : i32
    %add3A_65 = arith.addi %mul3A_63, %add3A_64 : i32
    %dma_start3A_66 = arith.constant 0 : i32
    %dma_start3A_67 = tpu.memref_slice %arg10[%add3A_65, %dma_start3A_66] : memref<10240x128xf32, #tpu.memory_space<vmem_shared>> -> memref<80x128xf32, #tpu.memory_space<vmem_shared>>
    %dma_start3A_68 = arith.constant 0 : i32
    %dma_start3A_69 = tpu.memref_slice %arg10[%add3A_65, %dma_start3A_68] : memref<10240x128xf32, #tpu.memory_space<vmem_shared>> -> memref<80x128xf32, #tpu.memory_space<vmem_shared>>
    tpu.enqueue_dma source(%arg7 : memref<80x128xf32, #tpu.memory_space<vmem>>) target(%dma_start3A_69 : memref<80x128xf32, #tpu.memory_space<vmem_shared>>) target_semaphore(%arg11 : memref<!tpu.dma_semaphore, #tpu.memory_space<semaphore_mem>>)
    %mul3A_70 = arith.constant 10000 : i32
    %mul3A_71 = arith.muli %add3A, %mul3A_70 : i32
    %dma_start3A_72 = arith.constant 0 : i32
    %dma_start3A_73 = tpu.memref_slice %arg2[%dma_start3A_72, %mul3A_71] : memref<2x320000xi32, #tpu.memory_space<hbm>> -> memref<1x10000xi32, #tpu.memory_space<hbm>>
    %dma_start3A_74 = tpu.memref_squeeze %dma_start3A_73 : memref<1x10000xi32, #tpu.memory_space<hbm>> -> memref<10000xi32, #tpu.memory_space<hbm>>
    %dma_start3A_75 = tpu.memref_slice %arg2[%dma_start3A_72, %mul3A_71] : memref<2x320000xi32, #tpu.memory_space<hbm>> -> memref<1x10000xi32, #tpu.memory_space<hbm>>
    %dma_start3A_76 = tpu.memref_squeeze %dma_start3A_75 : memref<1x10000xi32, #tpu.memory_space<hbm>> -> memref<10000xi32, #tpu.memory_space<hbm>>
    tpu.enqueue_dma source(%dma_start3A_76 : memref<10000xi32, #tpu.memory_space<hbm>>) target(%arg5 : memref<10000xi32, #tpu.memory_space<vmem>>) target_semaphore(%arg12 : memref<!tpu.dma_semaphore, #tpu.memory_space<semaphore_mem>>)
    %mul3A_77 = arith.constant 10000 : i32
    %mul3A_78 = arith.muli %add3A, %mul3A_77 : i32
    %dma_start3A_79 = arith.constant 1 : i32
    %dma_start3A_80 = tpu.memref_slice %arg2[%dma_start3A_79, %mul3A_78] : memref<2x320000xi32, #tpu.memory_space<hbm>> -> memref<1x10000xi32, #tpu.memory_space<hbm>>
    %dma_start3A_81 = tpu.memref_squeeze %dma_start3A_80 : memref<1x10000xi32, #tpu.memory_space<hbm>> -> memref<10000xi32, #tpu.memory_space<hbm>>
    %dma_start3A_82 = tpu.memref_slice %arg2[%dma_start3A_79, %mul3A_78] : memref<2x320000xi32, #tpu.memory_space<hbm>> -> memref<1x10000xi32, #tpu.memory_space<hbm>>
    %dma_start3A_83 = tpu.memref_squeeze %dma_start3A_82 : memref<1x10000xi32, #tpu.memory_space<hbm>> -> memref<10000xi32, #tpu.memory_space<hbm>>
    tpu.enqueue_dma source(%dma_start3A_83 : memref<10000xi32, #tpu.memory_space<hbm>>) target(%arg6 : memref<10000xi32, #tpu.memory_space<vmem>>) target_semaphore(%arg13 : memref<!tpu.dma_semaphore, #tpu.memory_space<semaphore_mem>>)
    %dma_wait3A = arith.constant 0 : i32
    %dma_wait3A_84 = tpu.memref_slice %arg10[%add3A_10, %dma_wait3A] : memref<10240x128xf32, #tpu.memory_space<vmem_shared>> -> memref<80x128xf32, #tpu.memory_space<vmem_shared>>
    %dma_wait3A_85 = arith.constant 0 : i32
    %dma_wait3A_86 = tpu.memref_slice %arg10[%add3A_10, %dma_wait3A_85] : memref<10240x128xf32, #tpu.memory_space<vmem_shared>> -> memref<80x128xf32, #tpu.memory_space<vmem_shared>>
    tpu.wait_dma2 semaphore(%arg11 : memref<!tpu.dma_semaphore, #tpu.memory_space<semaphore_mem>>) src(%arg7 : memref<80x128xf32, #tpu.memory_space<vmem>>) dst(%dma_wait3A_86 : memref<80x128xf32, #tpu.memory_space<vmem_shared>>)
    %dma_wait3A_87 = arith.constant 0 : i32
    %dma_wait3A_88 = tpu.memref_slice %arg10[%add3A_17, %dma_wait3A_87] : memref<10240x128xf32, #tpu.memory_space<vmem_shared>> -> memref<80x128xf32, #tpu.memory_space<vmem_shared>>
    %dma_wait3A_89 = arith.constant 0 : i32
    %dma_wait3A_90 = tpu.memref_slice %arg10[%add3A_17, %dma_wait3A_89] : memref<10240x128xf32, #tpu.memory_space<vmem_shared>> -> memref<80x128xf32, #tpu.memory_space<vmem_shared>>
    tpu.wait_dma2 semaphore(%arg11 : memref<!tpu.dma_semaphore, #tpu.memory_space<semaphore_mem>>) src(%arg7 : memref<80x128xf32, #tpu.memory_space<vmem>>) dst(%dma_wait3A_90 : memref<80x128xf32, #tpu.memory_space<vmem_shared>>)
    %dma_wait3A_91 = arith.constant 0 : i32
    %dma_wait3A_92 = tpu.memref_slice %arg10[%add3A_25, %dma_wait3A_91] : memref<10240x128xf32, #tpu.memory_space<vmem_shared>> -> memref<80x128xf32, #tpu.memory_space<vmem_shared>>
    %dma_wait3A_93 = arith.constant 0 : i32
    %dma_wait3A_94 = tpu.memref_slice %arg10[%add3A_25, %dma_wait3A_93] : memref<10240x128xf32, #tpu.memory_space<vmem_shared>> -> memref<80x128xf32, #tpu.memory_space<vmem_shared>>
    tpu.wait_dma2 semaphore(%arg11 : memref<!tpu.dma_semaphore, #tpu.memory_space<semaphore_mem>>) src(%arg7 : memref<80x128xf32, #tpu.memory_space<vmem>>) dst(%dma_wait3A_94 : memref<80x128xf32, #tpu.memory_space<vmem_shared>>)
    %dma_wait3A_95 = arith.constant 0 : i32
    %dma_wait3A_96 = tpu.memref_slice %arg10[%add3A_33, %dma_wait3A_95] : memref<10240x128xf32, #tpu.memory_space<vmem_shared>> -> memref<80x128xf32, #tpu.memory_space<vmem_shared>>
    %dma_wait3A_97 = arith.constant 0 : i32
    %dma_wait3A_98 = tpu.memref_slice %arg10[%add3A_33, %dma_wait3A_97] : memref<10240x128xf32, #tpu.memory_space<vmem_shared>> -> memref<80x128xf32, #tpu.memory_space<vmem_shared>>
    tpu.wait_dma2 semaphore(%arg11 : memref<!tpu.dma_semaphore, #tpu.memory_space<semaphore_mem>>) src(%arg7 : memref<80x128xf32, #tpu.memory_space<vmem>>) dst(%dma_wait3A_98 : memref<80x128xf32, #tpu.memory_space<vmem_shared>>)
    %dma_wait3A_99 = arith.constant 0 : i32
    %dma_wait3A_100 = tpu.memref_slice %arg10[%add3A_41, %dma_wait3A_99] : memref<10240x128xf32, #tpu.memory_space<vmem_shared>> -> memref<80x128xf32, #tpu.memory_space<vmem_shared>>
    %dma_wait3A_101 = arith.constant 0 : i32
    %dma_wait3A_102 = tpu.memref_slice %arg10[%add3A_41, %dma_wait3A_101] : memref<10240x128xf32, #tpu.memory_space<vmem_shared>> -> memref<80x128xf32, #tpu.memory_space<vmem_shared>>
    tpu.wait_dma2 semaphore(%arg11 : memref<!tpu.dma_semaphore, #tpu.memory_space<semaphore_mem>>) src(%arg7 : memref<80x128xf32, #tpu.memory_space<vmem>>) dst(%dma_wait3A_102 : memref<80x128xf32, #tpu.memory_space<vmem_shared>>)
    %dma_wait3A_103 = arith.constant 0 : i32
    %dma_wait3A_104 = tpu.memref_slice %arg10[%add3A_49, %dma_wait3A_103] : memref<10240x128xf32, #tpu.memory_space<vmem_shared>> -> memref<80x128xf32, #tpu.memory_space<vmem_shared>>
    %dma_wait3A_105 = arith.constant 0 : i32
    %dma_wait3A_106 = tpu.memref_slice %arg10[%add3A_49, %dma_wait3A_105] : memref<10240x128xf32, #tpu.memory_space<vmem_shared>> -> memref<80x128xf32, #tpu.memory_space<vmem_shared>>
    tpu.wait_dma2 semaphore(%arg11 : memref<!tpu.dma_semaphore, #tpu.memory_space<semaphore_mem>>) src(%arg7 : memref<80x128xf32, #tpu.memory_space<vmem>>) dst(%dma_wait3A_106 : memref<80x128xf32, #tpu.memory_space<vmem_shared>>)
    %dma_wait3A_107 = arith.constant 0 : i32
    %dma_wait3A_108 = tpu.memref_slice %arg10[%add3A_57, %dma_wait3A_107] : memref<10240x128xf32, #tpu.memory_space<vmem_shared>> -> memref<80x128xf32, #tpu.memory_space<vmem_shared>>
    %dma_wait3A_109 = arith.constant 0 : i32
    %dma_wait3A_110 = tpu.memref_slice %arg10[%add3A_57, %dma_wait3A_109] : memref<10240x128xf32, #tpu.memory_space<vmem_shared>> -> memref<80x128xf32, #tpu.memory_space<vmem_shared>>
    tpu.wait_dma2 semaphore(%arg11 : memref<!tpu.dma_semaphore, #tpu.memory_space<semaphore_mem>>) src(%arg7 : memref<80x128xf32, #tpu.memory_space<vmem>>) dst(%dma_wait3A_110 : memref<80x128xf32, #tpu.memory_space<vmem_shared>>)
    %dma_wait3A_111 = arith.constant 0 : i32
    %dma_wait3A_112 = tpu.memref_slice %arg10[%add3A_65, %dma_wait3A_111] : memref<10240x128xf32, #tpu.memory_space<vmem_shared>> -> memref<80x128xf32, #tpu.memory_space<vmem_shared>>
    %dma_wait3A_113 = arith.constant 0 : i32
    %dma_wait3A_114 = tpu.memref_slice %arg10[%add3A_65, %dma_wait3A_113] : memref<10240x128xf32, #tpu.memory_space<vmem_shared>> -> memref<80x128xf32, #tpu.memory_space<vmem_shared>>
    tpu.wait_dma2 semaphore(%arg11 : memref<!tpu.dma_semaphore, #tpu.memory_space<semaphore_mem>>) src(%arg7 : memref<80x128xf32, #tpu.memory_space<vmem>>) dst(%dma_wait3A_114 : memref<80x128xf32, #tpu.memory_space<vmem_shared>>)
    %dma_wait3A_115 = arith.constant 0 : i32
    %dma_wait3A_116 = tpu.memref_slice %arg2[%dma_wait3A_115, %mul3A_71] : memref<2x320000xi32, #tpu.memory_space<hbm>> -> memref<1x10000xi32, #tpu.memory_space<hbm>>
    %dma_wait3A_117 = tpu.memref_squeeze %dma_wait3A_116 : memref<1x10000xi32, #tpu.memory_space<hbm>> -> memref<10000xi32, #tpu.memory_space<hbm>>
    %dma_wait3A_118 = tpu.memref_slice %arg2[%dma_wait3A_115, %mul3A_71] : memref<2x320000xi32, #tpu.memory_space<hbm>> -> memref<1x10000xi32, #tpu.memory_space<hbm>>
    %dma_wait3A_119 = tpu.memref_squeeze %dma_wait3A_118 : memref<1x10000xi32, #tpu.memory_space<hbm>> -> memref<10000xi32, #tpu.memory_space<hbm>>
    tpu.wait_dma2 semaphore(%arg12 : memref<!tpu.dma_semaphore, #tpu.memory_space<semaphore_mem>>) src(%dma_wait3A_119 : memref<10000xi32, #tpu.memory_space<hbm>>) dst(%arg5 : memref<10000xi32, #tpu.memory_space<vmem>>)
    %dma_wait3A_120 = arith.constant 1 : i32
    %dma_wait3A_121 = tpu.memref_slice %arg2[%dma_wait3A_120, %mul3A_78] : memref<2x320000xi32, #tpu.memory_space<hbm>> -> memref<1x10000xi32, #tpu.memory_space<hbm>>
    %dma_wait3A_122 = tpu.memref_squeeze %dma_wait3A_121 : memref<1x10000xi32, #tpu.memory_space<hbm>> -> memref<10000xi32, #tpu.memory_space<hbm>>
    %dma_wait3A_123 = tpu.memref_slice %arg2[%dma_wait3A_120, %mul3A_78] : memref<2x320000xi32, #tpu.memory_space<hbm>> -> memref<1x10000xi32, #tpu.memory_space<hbm>>
    %dma_wait3A_124 = tpu.memref_squeeze %dma_wait3A_123 : memref<1x10000xi32, #tpu.memory_space<hbm>> -> memref<10000xi32, #tpu.memory_space<hbm>>
    tpu.wait_dma2 semaphore(%arg13 : memref<!tpu.dma_semaphore, #tpu.memory_space<semaphore_mem>>) src(%dma_wait3A_124 : memref<10000xi32, #tpu.memory_space<hbm>>) dst(%arg6 : memref<10000xi32, #tpu.memory_space<vmem>>)
    %barrier3A = arith.constant 0 : index
    tpu.barrier barrier_id(%barrier3A)
    %dma_start3A_125 = arith.constant 0 : i32
    %dma_start3A_126 = tpu.memref_slice %arg5[%dma_start3A_125] : memref<10000xi32, #tpu.memory_space<vmem>> -> memref<80xi32, #tpu.memory_space<vmem>>
    %dma_start3A_127 = arith.constant 0 : i32
    %dma_start3A_128 = arith.constant 0 : i32
    %dma_start3A_129 = tpu.memref_slice %arg3[%dma_start3A_127, %dma_start3A_128] : memref<10000x128xf32, #tpu.memory_space<hbm>> -> memref<10000x128xf32, #tpu.memory_space<hbm>>
    tpu.enqueue_indirect_dma source(%dma_start3A_129 : memref<10000x128xf32, #tpu.memory_space<hbm>>) target(%arg7 : memref<80x128xf32, #tpu.memory_space<vmem>>) offsets(%dma_start3A_126 : memref<80xi32, #tpu.memory_space<vmem>>) semaphore(%arg11 : memref<!tpu.dma_semaphore, #tpu.memory_space<semaphore_mem>>)
    %dma_start3A_130 = arith.constant 80 : i32
    %dma_start3A_131 = tpu.memref_slice %arg5[%dma_start3A_130] : memref<10000xi32, #tpu.memory_space<vmem>> -> memref<80xi32, #tpu.memory_space<vmem>>
    %dma_start3A_132 = arith.constant 0 : i32
    %dma_start3A_133 = arith.constant 0 : i32
    %dma_start3A_134 = tpu.memref_slice %arg3[%dma_start3A_132, %dma_start3A_133] : memref<10000x128xf32, #tpu.memory_space<hbm>> -> memref<10000x128xf32, #tpu.memory_space<hbm>>
    tpu.enqueue_indirect_dma source(%dma_start3A_134 : memref<10000x128xf32, #tpu.memory_space<hbm>>) target(%arg8 : memref<80x128xf32, #tpu.memory_space<vmem>>) offsets(%dma_start3A_131 : memref<80xi32, #tpu.memory_space<vmem>>) semaphore(%arg12 : memref<!tpu.dma_semaphore, #tpu.memory_space<semaphore_mem>>)
    %scan3A_135 = arith.constant 0 : i32
    %scan3A_136 = arith.constant 0 : i32
    %scan3A_137 = arith.constant 50 : i32
    %scan3A_138 = arith.addi %scan3A_136, %scan3A_137 : i32
    %scan3A_139 = arith.constant 1 : i32
    scf.for %scan3A_146 = %scan3A_136 to %scan3A_138 step %scan3A_139  : i32 {
      %mul3A_147 = arith.constant 200 : i32
      %mul3A_148 = arith.muli %scan3A_146, %mul3A_147 : i32
      %dma_wait3A_149 = tpu.memref_slice %arg5[%mul3A_148] : memref<10000xi32, #tpu.memory_space<vmem>> -> memref<80xi32, #tpu.memory_space<vmem>>
      %dma_wait3A_150 = arith.constant 0 : i32
      %dma_wait3A_151 = arith.constant 0 : i32
      %dma_wait3A_152 = tpu.memref_slice %arg3[%dma_wait3A_150, %dma_wait3A_151] : memref<10000x128xf32, #tpu.memory_space<hbm>> -> memref<10000x128xf32, #tpu.memory_space<hbm>>
      tpu.wait_indirect_dma semaphore(%arg11 : memref<!tpu.dma_semaphore, #tpu.memory_space<semaphore_mem>>) src(%dma_wait3A_152 : memref<10000x128xf32, #tpu.memory_space<hbm>>) dst(%arg7 : memref<80x128xf32, #tpu.memory_space<vmem>>)
      %add3A_153 = arith.constant 160 : i32
      %add3A_154 = arith.addi %mul3A_148, %add3A_153 : i32
      %dma_start3A_155 = tpu.memref_slice %arg5[%add3A_154] : memref<10000xi32, #tpu.memory_space<vmem>> -> memref<40xi32, #tpu.memory_space<vmem>>
      %dma_start3A_156 = arith.constant 0 : i32
      %dma_start3A_157 = arith.constant 0 : i32
      %dma_start3A_158 = tpu.memref_slice %arg3[%dma_start3A_156, %dma_start3A_157] : memref<10000x128xf32, #tpu.memory_space<hbm>> -> memref<10000x128xf32, #tpu.memory_space<hbm>>
      tpu.enqueue_indirect_dma source(%dma_start3A_158 : memref<10000x128xf32, #tpu.memory_space<hbm>>) target(%arg9 : memref<40x128xf32, #tpu.memory_space<vmem>>) offsets(%dma_start3A_155 : memref<40xi32, #tpu.memory_space<vmem>>) semaphore(%arg13 : memref<!tpu.dma_semaphore, #tpu.memory_space<semaphore_mem>>)
      "tpu.region"() ({
        %run_scoped3A = tpu.sem_alloc : memref<!tpu.dma_semaphore, #tpu.memory_space<semaphore_mem>>
        %dma_start3A_182 = tpu.memref_slice %arg6[%mul3A_148] : memref<10000xi32, #tpu.memory_space<vmem>> -> memref<80xi32, #tpu.memory_space<vmem>>
        %dma_start3A_183 = arith.constant 0 : i32
        %dma_start3A_184 = arith.constant 0 : i32
        %dma_start3A_185 = tpu.memref_slice %arg10[%dma_start3A_183, %dma_start3A_184] : memref<10240x128xf32, #tpu.memory_space<vmem_shared>> -> memref<10240x128xf32, #tpu.memory_space<vmem_shared>>
        tpu.enqueue_indirect_dma source(%arg7 : memref<80x128xf32, #tpu.memory_space<vmem>>) target(%dma_start3A_185 : memref<10240x128xf32, #tpu.memory_space<vmem_shared>>) offsets(%dma_start3A_182 : memref<80xi32, #tpu.memory_space<vmem>>) semaphore(%run_scoped3A : memref<!tpu.dma_semaphore, #tpu.memory_space<semaphore_mem>>) {add = true}
        %dma_wait3A_186 = tpu.memref_slice %arg6[%mul3A_148] : memref<10000xi32, #tpu.memory_space<vmem>> -> memref<80xi32, #tpu.memory_space<vmem>>
        %dma_wait3A_187 = arith.constant 0 : i32
        %dma_wait3A_188 = arith.constant 0 : i32
        %dma_wait3A_189 = tpu.memref_slice %arg10[%dma_wait3A_187, %dma_wait3A_188] : memref<10240x128xf32, #tpu.memory_space<vmem_shared>> -> memref<10240x128xf32, #tpu.memory_space<vmem_shared>>
        tpu.wait_indirect_dma semaphore(%run_scoped3A : memref<!tpu.dma_semaphore, #tpu.memory_space<semaphore_mem>>) src(%arg7 : memref<80x128xf32, #tpu.memory_space<vmem>>) dst(%dma_wait3A_189 : memref<10240x128xf32, #tpu.memory_space<vmem_shared>>)
        tpu.yield
      }) : () -> ()
      %add3A_159 = arith.constant 80 : i32
      %add3A_160 = arith.addi %mul3A_148, %add3A_159 : i32
      %dma_wait3A_161 = tpu.memref_slice %arg5[%add3A_160] : memref<10000xi32, #tpu.memory_space<vmem>> -> memref<80xi32, #tpu.memory_space<vmem>>
      %dma_wait3A_162 = arith.constant 0 : i32
      %dma_wait3A_163 = arith.constant 0 : i32
      %dma_wait3A_164 = tpu.memref_slice %arg3[%dma_wait3A_162, %dma_wait3A_163] : memref<10000x128xf32, #tpu.memory_space<hbm>> -> memref<10000x128xf32, #tpu.memory_space<hbm>>
      tpu.wait_indirect_dma semaphore(%arg12 : memref<!tpu.dma_semaphore, #tpu.memory_space<semaphore_mem>>) src(%dma_wait3A_164 : memref<10000x128xf32, #tpu.memory_space<hbm>>) dst(%arg8 : memref<80x128xf32, #tpu.memory_space<vmem>>)
      %lt3A = arith.constant 49 : i32
      %lt3A_165 = arith.cmpi slt, %scan3A_146, %lt3A : i32
      %convert_element_type3A = arith.extui %lt3A_165 : i1 to i32
      %cond3A = arith.constant 0 : i32
      %cond3A_166 = arith.cmpi ne, %convert_element_type3A, %cond3A : i32
      scf.if %cond3A_166 {
        %add3A_182 = arith.constant 200 : i32
        %add3A_183 = arith.addi %mul3A_148, %add3A_182 : i32
        %dma_start3A_184 = tpu.memref_slice %arg5[%add3A_183] : memref<10000xi32, #tpu.memory_space<vmem>> -> memref<80xi32, #tpu.memory_space<vmem>>
        %dma_start3A_185 = arith.constant 0 : i32
        %dma_start3A_186 = arith.constant 0 : i32
        %dma_start3A_187 = tpu.memref_slice %arg3[%dma_start3A_185, %dma_start3A_186] : memref<10000x128xf32, #tpu.memory_space<hbm>> -> memref<10000x128xf32, #tpu.memory_space<hbm>>
        tpu.enqueue_indirect_dma source(%dma_start3A_187 : memref<10000x128xf32, #tpu.memory_space<hbm>>) target(%arg7 : memref<80x128xf32, #tpu.memory_space<vmem>>) offsets(%dma_start3A_184 : memref<80xi32, #tpu.memory_space<vmem>>) semaphore(%arg11 : memref<!tpu.dma_semaphore, #tpu.memory_space<semaphore_mem>>)
      } else {
      }
      %add3A_167 = arith.constant 80 : i32
      %add3A_168 = arith.addi %mul3A_148, %add3A_167 : i32
      "tpu.region"() ({
        %run_scoped3A = tpu.sem_alloc : memref<!tpu.dma_semaphore, #tpu.memory_space<semaphore_mem>>
        %dma_start3A_182 = tpu.memref_slice %arg6[%add3A_168] : memref<10000xi32, #tpu.memory_space<vmem>> -> memref<80xi32, #tpu.memory_space<vmem>>
        %dma_start3A_183 = arith.constant 0 : i32
        %dma_start3A_184 = arith.constant 0 : i32
        %dma_start3A_185 = tpu.memref_slice %arg10[%dma_start3A_183, %dma_start3A_184] : memref<10240x128xf32, #tpu.memory_space<vmem_shared>> -> memref<10240x128xf32, #tpu.memory_space<vmem_shared>>
        tpu.enqueue_indirect_dma source(%arg8 : memref<80x128xf32, #tpu.memory_space<vmem>>) target(%dma_start3A_185 : memref<10240x128xf32, #tpu.memory_space<vmem_shared>>) offsets(%dma_start3A_182 : memref<80xi32, #tpu.memory_space<vmem>>) semaphore(%run_scoped3A : memref<!tpu.dma_semaphore, #tpu.memory_space<semaphore_mem>>) {add = true}
        %dma_wait3A_186 = tpu.memref_slice %arg6[%add3A_168] : memref<10000xi32, #tpu.memory_space<vmem>> -> memref<80xi32, #tpu.memory_space<vmem>>
        %dma_wait3A_187 = arith.constant 0 : i32
        %dma_wait3A_188 = arith.constant 0 : i32
        %dma_wait3A_189 = tpu.memref_slice %arg10[%dma_wait3A_187, %dma_wait3A_188] : memref<10240x128xf32, #tpu.memory_space<vmem_shared>> -> memref<10240x128xf32, #tpu.memory_space<vmem_shared>>
        tpu.wait_indirect_dma semaphore(%run_scoped3A : memref<!tpu.dma_semaphore, #tpu.memory_space<semaphore_mem>>) src(%arg8 : memref<80x128xf32, #tpu.memory_space<vmem>>) dst(%dma_wait3A_189 : memref<10240x128xf32, #tpu.memory_space<vmem_shared>>)
        tpu.yield
      }) : () -> ()
      %add3A_169 = arith.constant 160 : i32
      %add3A_170 = arith.addi %mul3A_148, %add3A_169 : i32
      %dma_wait3A_171 = tpu.memref_slice %arg5[%add3A_170] : memref<10000xi32, #tpu.memory_space<vmem>> -> memref<40xi32, #tpu.memory_space<vmem>>
      %dma_wait3A_172 = arith.constant 0 : i32
      %dma_wait3A_173 = arith.constant 0 : i32
      %dma_wait3A_174 = tpu.memref_slice %arg3[%dma_wait3A_172, %dma_wait3A_173] : memref<10000x128xf32, #tpu.memory_space<hbm>> -> memref<10000x128xf32, #tpu.memory_space<hbm>>
      tpu.wait_indirect_dma semaphore(%arg13 : memref<!tpu.dma_semaphore, #tpu.memory_space<semaphore_mem>>) src(%dma_wait3A_174 : memref<10000x128xf32, #tpu.memory_space<hbm>>) dst(%arg9 : memref<40x128xf32, #tpu.memory_space<vmem>>)
      %lt3A_175 = arith.constant 49 : i32
      %lt3A_176 = arith.cmpi slt, %scan3A_146, %lt3A_175 : i32
      %convert_element_type3A_177 = arith.extui %lt3A_176 : i1 to i32
      %cond3A_178 = arith.constant 0 : i32
      %cond3A_179 = arith.cmpi ne, %convert_element_type3A_177, %cond3A_178 : i32
      scf.if %cond3A_179 {
        %add3A_182 = arith.constant 200 : i32
        %add3A_183 = arith.addi %mul3A_148, %add3A_182 : i32
        %add3A_184 = arith.constant 80 : i32
        %add3A_185 = arith.addi %add3A_183, %add3A_184 : i32
        %dma_start3A_186 = tpu.memref_slice %arg5[%add3A_185] : memref<10000xi32, #tpu.memory_space<vmem>> -> memref<80xi32, #tpu.memory_space<vmem>>
        %dma_start3A_187 = arith.constant 0 : i32
        %dma_start3A_188 = arith.constant 0 : i32
        %dma_start3A_189 = tpu.memref_slice %arg3[%dma_start3A_187, %dma_start3A_188] : memref<10000x128xf32, #tpu.memory_space<hbm>> -> memref<10000x128xf32, #tpu.memory_space<hbm>>
        tpu.enqueue_indirect_dma source(%dma_start3A_189 : memref<10000x128xf32, #tpu.memory_space<hbm>>) target(%arg8 : memref<80x128xf32, #tpu.memory_space<vmem>>) offsets(%dma_start3A_186 : memref<80xi32, #tpu.memory_space<vmem>>) semaphore(%arg12 : memref<!tpu.dma_semaphore, #tpu.memory_space<semaphore_mem>>)
      } else {
      }
      %add3A_180 = arith.constant 160 : i32
      %add3A_181 = arith.addi %mul3A_148, %add3A_180 : i32
      "tpu.region"() ({
        %run_scoped3A = tpu.sem_alloc : memref<!tpu.dma_semaphore, #tpu.memory_space<semaphore_mem>>
        %dma_start3A_182 = tpu.memref_slice %arg6[%add3A_181] : memref<10000xi32, #tpu.memory_space<vmem>> -> memref<40xi32, #tpu.memory_space<vmem>>
        %dma_start3A_183 = arith.constant 0 : i32
        %dma_start3A_184 = arith.constant 0 : i32
        %dma_start3A_185 = tpu.memref_slice %arg10[%dma_start3A_183, %dma_start3A_184] : memref<10240x128xf32, #tpu.memory_space<vmem_shared>> -> memref<10240x128xf32, #tpu.memory_space<vmem_shared>>
        tpu.enqueue_indirect_dma source(%arg9 : memref<40x128xf32, #tpu.memory_space<vmem>>) target(%dma_start3A_185 : memref<10240x128xf32, #tpu.memory_space<vmem_shared>>) offsets(%dma_start3A_182 : memref<40xi32, #tpu.memory_space<vmem>>) semaphore(%run_scoped3A : memref<!tpu.dma_semaphore, #tpu.memory_space<semaphore_mem>>) {add = true}
        %dma_wait3A_186 = tpu.memref_slice %arg6[%add3A_181] : memref<10000xi32, #tpu.memory_space<vmem>> -> memref<40xi32, #tpu.memory_space<vmem>>
        %dma_wait3A_187 = arith.constant 0 : i32
        %dma_wait3A_188 = arith.constant 0 : i32
        %dma_wait3A_189 = tpu.memref_slice %arg10[%dma_wait3A_187, %dma_wait3A_188] : memref<10240x128xf32, #tpu.memory_space<vmem_shared>> -> memref<10240x128xf32, #tpu.memory_space<vmem_shared>>
        tpu.wait_indirect_dma semaphore(%run_scoped3A : memref<!tpu.dma_semaphore, #tpu.memory_space<semaphore_mem>>) src(%arg9 : memref<40x128xf32, #tpu.memory_space<vmem>>) dst(%dma_wait3A_189 : memref<10240x128xf32, #tpu.memory_space<vmem_shared>>)
        tpu.yield
      }) : () -> ()
    }
    %scan3A_140 = arith.constant 50 : i32
    %barrier3A_141 = arith.constant 0 : index
    tpu.barrier barrier_id(%barrier3A_141)
    %mul3A_142 = arith.constant 640 : i32
    %mul3A_143 = arith.muli %arg1, %mul3A_142 : i32
    %mul3A_144 = arith.constant 640 : i32
    %mul3A_145 = arith.muli %arg1, %mul3A_144 : i32
    "tpu.region"() ({
      %run_scoped3A = tpu.sem_alloc : memref<!tpu.dma_semaphore, #tpu.memory_space<semaphore_mem>>
      %dma_start3A_146 = arith.constant 0 : i32
      %dma_start3A_147 = tpu.memref_slice %arg4[%arg0, %mul3A_145, %dma_start3A_146] : memref<2x10240x128xf32, #tpu.memory_space<hbm>> -> memref<1x640x128xf32, #tpu.memory_space<hbm>>
      %dma_start3A_148 = tpu.memref_squeeze %dma_start3A_147 : memref<1x640x128xf32, #tpu.memory_space<hbm>> -> memref<640x128xf32, #tpu.memory_space<hbm>>
      %dma_start3A_149 = arith.constant 0 : i32
      %dma_start3A_150 = tpu.memref_slice %arg10[%mul3A_143, %dma_start3A_149] : memref<10240x128xf32, #tpu.memory_space<vmem_shared>> -> memref<640x128xf32, #tpu.memory_space<vmem_shared>>
      tpu.enqueue_dma source(%dma_start3A_150 : memref<640x128xf32, #tpu.memory_space<vmem_shared>>) target(%dma_start3A_148 : memref<640x128xf32, #tpu.memory_space<hbm>>) target_semaphore(%run_scoped3A : memref<!tpu.dma_semaphore, #tpu.memory_space<semaphore_mem>>)
      %dma_wait3A_151 = arith.constant 0 : i32
      %dma_wait3A_152 = tpu.memref_slice %arg4[%arg0, %mul3A_145, %dma_wait3A_151] : memref<2x10240x128xf32, #tpu.memory_space<hbm>> -> memref<1x640x128xf32, #tpu.memory_space<hbm>>
      %dma_wait3A_153 = tpu.memref_squeeze %dma_wait3A_152 : memref<1x640x128xf32, #tpu.memory_space<hbm>> -> memref<640x128xf32, #tpu.memory_space<hbm>>
      %dma_wait3A_154 = arith.constant 0 : i32
      %dma_wait3A_155 = tpu.memref_slice %arg10[%mul3A_143, %dma_wait3A_154] : memref<10240x128xf32, #tpu.memory_space<vmem_shared>> -> memref<640x128xf32, #tpu.memory_space<vmem_shared>>
      tpu.wait_dma2 semaphore(%run_scoped3A : memref<!tpu.dma_semaphore, #tpu.memory_space<semaphore_mem>>) src(%dma_wait3A_155 : memref<640x128xf32, #tpu.memory_space<vmem_shared>>) dst(%dma_wait3A_153 : memref<640x128xf32, #tpu.memory_space<hbm>>)
      tpu.yield
    }) : () -> ()
    return
  }
}

#map = affine_map<(d0, d1) -> (0, 0)>
#map1 = affine_map<(d0, d1) -> (0, 0, 0)>
module attributes {stable_mosaic.version = 14 : i64} {
  func.func @_sc_count_body(%arg0: i32, %arg1: i32, %arg2: memref<2x320000xi32, #tpu.memory_space<hbm>>, %arg3: memref<2x10240x16xf32, #tpu.memory_space<hbm>>, %arg4: memref<10000xi32, #tpu.memory_space<vmem>>, %arg5: memref<80x16xf32, #tpu.memory_space<vmem>>, %arg6: memref<10240x16xf32, #tpu.memory_space<vmem_shared>>, %arg7: memref<!tpu.dma_semaphore, #tpu.memory_space<semaphore_mem>>) attributes {dimension_semantics = [#tpu.dimension_semantics<core_parallel>, #tpu.dimension_semantics<subcore_parallel>], iteration_bounds = array<i64: 2, 16>, scalar_prefetch = 0 : i64, scratch_operands = 4 : i64, tpu.core_type = #tpu.core_type<sc_vector_subcore>, window_params = [{transform_indices = #map}, {transform_indices = #map1}]} {
    %mul3A = arith.constant 2 : i32
    %mul3A_0 = arith.muli %arg1, %mul3A : i32
    %add3A = arith.addi %mul3A_0, %arg0 : i32
    %broadcast_in_dim3A = arith.constant 0.000000e+00 : f32
    %broadcast_in_dim3A_1 = vector.broadcast %broadcast_in_dim3A : f32 to vector<16xf32>
    %scan3A = arith.constant 0 : i32
    %scan3A_2 = arith.constant 0 : i32
    %scan3A_3 = arith.constant 80 : i32
    %scan3A_4 = arith.addi %scan3A_2, %scan3A_3 : i32
    %scan3A_5 = arith.constant 1 : i32
    scf.for %scan3A_128 = %scan3A_2 to %scan3A_4 step %scan3A_5  : i32 {
      %swap3A = arith.index_cast %scan3A_128 : i32 to index
      %swap3A_129 = arith.constant 0 : index
      %swap3A_130 = tpu.vector_load %arg5[%swap3A, %swap3A_129] {strides = array<i32>} : memref<80x16xf32, #tpu.memory_space<vmem>>, vector<1x16xf32>,
      %swap3A_131 = vector.shape_cast %swap3A_130 : vector<1x16xf32> to vector<16xf32>
      %swap3A_132 = vector.shape_cast %broadcast_in_dim3A_1 : vector<16xf32> to vector<1x16xf32>
      tpu.vector_store %arg5[%swap3A, %swap3A_129], %swap3A_132 {strides = array<i32>} : memref<80x16xf32, #tpu.memory_space<vmem>>, vector<1x16xf32>,
    }
    %scan3A_6 = arith.constant 80 : i32
    %mul3A_7 = arith.constant 640 : i32
    %mul3A_8 = arith.muli %arg1, %mul3A_7 : i32
    %add3A_9 = arith.constant 0 : i32
    %add3A_10 = arith.addi %mul3A_8, %add3A_9 : i32
    %dma_start3A = arith.constant 0 : i32
    %dma_start3A_11 = tpu.memref_slice %arg6[%add3A_10, %dma_start3A] : memref<10240x16xf32, #tpu.memory_space<vmem_shared>> -> memref<80x16xf32, #tpu.memory_space<vmem_shared>>
    %dma_start3A_12 = arith.constant 0 : i32
    %dma_start3A_13 = tpu.memref_slice %arg6[%add3A_10, %dma_start3A_12] : memref<10240x16xf32, #tpu.memory_space<vmem_shared>> -> memref<80x16xf32, #tpu.memory_space<vmem_shared>>
    tpu.enqueue_dma source(%arg5 : memref<80x16xf32, #tpu.memory_space<vmem>>) target(%dma_start3A_13 : memref<80x16xf32, #tpu.memory_space<vmem_shared>>) target_semaphore(%arg7 : memref<!tpu.dma_semaphore, #tpu.memory_space<semaphore_mem>>)
    %mul3A_14 = arith.constant 640 : i32
    %mul3A_15 = arith.muli %arg1, %mul3A_14 : i32
    %add3A_16 = arith.constant 80 : i32
    %add3A_17 = arith.addi %mul3A_15, %add3A_16 : i32
    %dma_start3A_18 = arith.constant 0 : i32
    %dma_start3A_19 = tpu.memref_slice %arg6[%add3A_17, %dma_start3A_18] : memref<10240x16xf32, #tpu.memory_space<vmem_shared>> -> memref<80x16xf32, #tpu.memory_space<vmem_shared>>
    %dma_start3A_20 = arith.constant 0 : i32
    %dma_start3A_21 = tpu.memref_slice %arg6[%add3A_17, %dma_start3A_20] : memref<10240x16xf32, #tpu.memory_space<vmem_shared>> -> memref<80x16xf32, #tpu.memory_space<vmem_shared>>
    tpu.enqueue_dma source(%arg5 : memref<80x16xf32, #tpu.memory_space<vmem>>) target(%dma_start3A_21 : memref<80x16xf32, #tpu.memory_space<vmem_shared>>) target_semaphore(%arg7 : memref<!tpu.dma_semaphore, #tpu.memory_space<semaphore_mem>>)
    %mul3A_22 = arith.constant 640 : i32
    %mul3A_23 = arith.muli %arg1, %mul3A_22 : i32
    %add3A_24 = arith.constant 160 : i32
    %add3A_25 = arith.addi %mul3A_23, %add3A_24 : i32
    %dma_start3A_26 = arith.constant 0 : i32
    %dma_start3A_27 = tpu.memref_slice %arg6[%add3A_25, %dma_start3A_26] : memref<10240x16xf32, #tpu.memory_space<vmem_shared>> -> memref<80x16xf32, #tpu.memory_space<vmem_shared>>
    %dma_start3A_28 = arith.constant 0 : i32
    %dma_start3A_29 = tpu.memref_slice %arg6[%add3A_25, %dma_start3A_28] : memref<10240x16xf32, #tpu.memory_space<vmem_shared>> -> memref<80x16xf32, #tpu.memory_space<vmem_shared>>
    tpu.enqueue_dma source(%arg5 : memref<80x16xf32, #tpu.memory_space<vmem>>) target(%dma_start3A_29 : memref<80x16xf32, #tpu.memory_space<vmem_shared>>) target_semaphore(%arg7 : memref<!tpu.dma_semaphore, #tpu.memory_space<semaphore_mem>>)
    %mul3A_30 = arith.constant 640 : i32
    %mul3A_31 = arith.muli %arg1, %mul3A_30 : i32
    %add3A_32 = arith.constant 240 : i32
    %add3A_33 = arith.addi %mul3A_31, %add3A_32 : i32
    %dma_start3A_34 = arith.constant 0 : i32
    %dma_start3A_35 = tpu.memref_slice %arg6[%add3A_33, %dma_start3A_34] : memref<10240x16xf32, #tpu.memory_space<vmem_shared>> -> memref<80x16xf32, #tpu.memory_space<vmem_shared>>
    %dma_start3A_36 = arith.constant 0 : i32
    %dma_start3A_37 = tpu.memref_slice %arg6[%add3A_33, %dma_start3A_36] : memref<10240x16xf32, #tpu.memory_space<vmem_shared>> -> memref<80x16xf32, #tpu.memory_space<vmem_shared>>
    tpu.enqueue_dma source(%arg5 : memref<80x16xf32, #tpu.memory_space<vmem>>) target(%dma_start3A_37 : memref<80x16xf32, #tpu.memory_space<vmem_shared>>) target_semaphore(%arg7 : memref<!tpu.dma_semaphore, #tpu.memory_space<semaphore_mem>>)
    %mul3A_38 = arith.constant 640 : i32
    %mul3A_39 = arith.muli %arg1, %mul3A_38 : i32
    %add3A_40 = arith.constant 320 : i32
    %add3A_41 = arith.addi %mul3A_39, %add3A_40 : i32
    %dma_start3A_42 = arith.constant 0 : i32
    %dma_start3A_43 = tpu.memref_slice %arg6[%add3A_41, %dma_start3A_42] : memref<10240x16xf32, #tpu.memory_space<vmem_shared>> -> memref<80x16xf32, #tpu.memory_space<vmem_shared>>
    %dma_start3A_44 = arith.constant 0 : i32
    %dma_start3A_45 = tpu.memref_slice %arg6[%add3A_41, %dma_start3A_44] : memref<10240x16xf32, #tpu.memory_space<vmem_shared>> -> memref<80x16xf32, #tpu.memory_space<vmem_shared>>
    tpu.enqueue_dma source(%arg5 : memref<80x16xf32, #tpu.memory_space<vmem>>) target(%dma_start3A_45 : memref<80x16xf32, #tpu.memory_space<vmem_shared>>) target_semaphore(%arg7 : memref<!tpu.dma_semaphore, #tpu.memory_space<semaphore_mem>>)
    %mul3A_46 = arith.constant 640 : i32
    %mul3A_47 = arith.muli %arg1, %mul3A_46 : i32
    %add3A_48 = arith.constant 400 : i32
    %add3A_49 = arith.addi %mul3A_47, %add3A_48 : i32
    %dma_start3A_50 = arith.constant 0 : i32
    %dma_start3A_51 = tpu.memref_slice %arg6[%add3A_49, %dma_start3A_50] : memref<10240x16xf32, #tpu.memory_space<vmem_shared>> -> memref<80x16xf32, #tpu.memory_space<vmem_shared>>
    %dma_start3A_52 = arith.constant 0 : i32
    %dma_start3A_53 = tpu.memref_slice %arg6[%add3A_49, %dma_start3A_52] : memref<10240x16xf32, #tpu.memory_space<vmem_shared>> -> memref<80x16xf32, #tpu.memory_space<vmem_shared>>
    tpu.enqueue_dma source(%arg5 : memref<80x16xf32, #tpu.memory_space<vmem>>) target(%dma_start3A_53 : memref<80x16xf32, #tpu.memory_space<vmem_shared>>) target_semaphore(%arg7 : memref<!tpu.dma_semaphore, #tpu.memory_space<semaphore_mem>>)
    %mul3A_54 = arith.constant 640 : i32
    %mul3A_55 = arith.muli %arg1, %mul3A_54 : i32
    %add3A_56 = arith.constant 480 : i32
    %add3A_57 = arith.addi %mul3A_55, %add3A_56 : i32
    %dma_start3A_58 = arith.constant 0 : i32
    %dma_start3A_59 = tpu.memref_slice %arg6[%add3A_57, %dma_start3A_58] : memref<10240x16xf32, #tpu.memory_space<vmem_shared>> -> memref<80x16xf32, #tpu.memory_space<vmem_shared>>
    %dma_start3A_60 = arith.constant 0 : i32
    %dma_start3A_61 = tpu.memref_slice %arg6[%add3A_57, %dma_start3A_60] : memref<10240x16xf32, #tpu.memory_space<vmem_shared>> -> memref<80x16xf32, #tpu.memory_space<vmem_shared>>
    tpu.enqueue_dma source(%arg5 : memref<80x16xf32, #tpu.memory_space<vmem>>) target(%dma_start3A_61 : memref<80x16xf32, #tpu.memory_space<vmem_shared>>) target_semaphore(%arg7 : memref<!tpu.dma_semaphore, #tpu.memory_space<semaphore_mem>>)
    %mul3A_62 = arith.constant 640 : i32
    %mul3A_63 = arith.muli %arg1, %mul3A_62 : i32
    %add3A_64 = arith.constant 560 : i32
    %add3A_65 = arith.addi %mul3A_63, %add3A_64 : i32
    %dma_start3A_66 = arith.constant 0 : i32
    %dma_start3A_67 = tpu.memref_slice %arg6[%add3A_65, %dma_start3A_66] : memref<10240x16xf32, #tpu.memory_space<vmem_shared>> -> memref<80x16xf32, #tpu.memory_space<vmem_shared>>
    %dma_start3A_68 = arith.constant 0 : i32
    %dma_start3A_69 = tpu.memref_slice %arg6[%add3A_65, %dma_start3A_68] : memref<10240x16xf32, #tpu.memory_space<vmem_shared>> -> memref<80x16xf32, #tpu.memory_space<vmem_shared>>
    tpu.enqueue_dma source(%arg5 : memref<80x16xf32, #tpu.memory_space<vmem>>) target(%dma_start3A_69 : memref<80x16xf32, #tpu.memory_space<vmem_shared>>) target_semaphore(%arg7 : memref<!tpu.dma_semaphore, #tpu.memory_space<semaphore_mem>>)
    %mul3A_70 = arith.constant 10000 : i32
    %mul3A_71 = arith.muli %add3A, %mul3A_70 : i32
    %run_scoped3A = arith.constant 1 : i32
    "tpu.region"() ({
      %run_scoped3A_128 = tpu.sem_alloc : memref<!tpu.dma_semaphore, #tpu.memory_space<semaphore_mem>>
      %dma_start3A_129 = tpu.memref_slice %arg2[%run_scoped3A, %mul3A_71] : memref<2x320000xi32, #tpu.memory_space<hbm>> -> memref<1x10000xi32, #tpu.memory_space<hbm>>
      %dma_start3A_130 = tpu.memref_squeeze %dma_start3A_129 : memref<1x10000xi32, #tpu.memory_space<hbm>> -> memref<10000xi32, #tpu.memory_space<hbm>>
      %dma_start3A_131 = tpu.memref_slice %arg2[%run_scoped3A, %mul3A_71] : memref<2x320000xi32, #tpu.memory_space<hbm>> -> memref<1x10000xi32, #tpu.memory_space<hbm>>
      %dma_start3A_132 = tpu.memref_squeeze %dma_start3A_131 : memref<1x10000xi32, #tpu.memory_space<hbm>> -> memref<10000xi32, #tpu.memory_space<hbm>>
      tpu.enqueue_dma source(%dma_start3A_132 : memref<10000xi32, #tpu.memory_space<hbm>>) target(%arg4 : memref<10000xi32, #tpu.memory_space<vmem>>) target_semaphore(%run_scoped3A_128 : memref<!tpu.dma_semaphore, #tpu.memory_space<semaphore_mem>>)
      %dma_wait3A_133 = tpu.memref_slice %arg2[%run_scoped3A, %mul3A_71] : memref<2x320000xi32, #tpu.memory_space<hbm>> -> memref<1x10000xi32, #tpu.memory_space<hbm>>
      %dma_wait3A_134 = tpu.memref_squeeze %dma_wait3A_133 : memref<1x10000xi32, #tpu.memory_space<hbm>> -> memref<10000xi32, #tpu.memory_space<hbm>>
      %dma_wait3A_135 = tpu.memref_slice %arg2[%run_scoped3A, %mul3A_71] : memref<2x320000xi32, #tpu.memory_space<hbm>> -> memref<1x10000xi32, #tpu.memory_space<hbm>>
      %dma_wait3A_136 = tpu.memref_squeeze %dma_wait3A_135 : memref<1x10000xi32, #tpu.memory_space<hbm>> -> memref<10000xi32, #tpu.memory_space<hbm>>
      tpu.wait_dma2 semaphore(%run_scoped3A_128 : memref<!tpu.dma_semaphore, #tpu.memory_space<semaphore_mem>>) src(%dma_wait3A_136 : memref<10000xi32, #tpu.memory_space<hbm>>) dst(%arg4 : memref<10000xi32, #tpu.memory_space<vmem>>)
      tpu.yield
    }) : () -> ()
    %dma_wait3A = arith.constant 0 : i32
    %dma_wait3A_72 = tpu.memref_slice %arg6[%add3A_10, %dma_wait3A] : memref<10240x16xf32, #tpu.memory_space<vmem_shared>> -> memref<80x16xf32, #tpu.memory_space<vmem_shared>>
    %dma_wait3A_73 = arith.constant 0 : i32
    %dma_wait3A_74 = tpu.memref_slice %arg6[%add3A_10, %dma_wait3A_73] : memref<10240x16xf32, #tpu.memory_space<vmem_shared>> -> memref<80x16xf32, #tpu.memory_space<vmem_shared>>
    tpu.wait_dma2 semaphore(%arg7 : memref<!tpu.dma_semaphore, #tpu.memory_space<semaphore_mem>>) src(%arg5 : memref<80x16xf32, #tpu.memory_space<vmem>>) dst(%dma_wait3A_74 : memref<80x16xf32, #tpu.memory_space<vmem_shared>>)
    %dma_wait3A_75 = arith.constant 0 : i32
    %dma_wait3A_76 = tpu.memref_slice %arg6[%add3A_17, %dma_wait3A_75] : memref<10240x16xf32, #tpu.memory_space<vmem_shared>> -> memref<80x16xf32, #tpu.memory_space<vmem_shared>>
    %dma_wait3A_77 = arith.constant 0 : i32
    %dma_wait3A_78 = tpu.memref_slice %arg6[%add3A_17, %dma_wait3A_77] : memref<10240x16xf32, #tpu.memory_space<vmem_shared>> -> memref<80x16xf32, #tpu.memory_space<vmem_shared>>
    tpu.wait_dma2 semaphore(%arg7 : memref<!tpu.dma_semaphore, #tpu.memory_space<semaphore_mem>>) src(%arg5 : memref<80x16xf32, #tpu.memory_space<vmem>>) dst(%dma_wait3A_78 : memref<80x16xf32, #tpu.memory_space<vmem_shared>>)
    %dma_wait3A_79 = arith.constant 0 : i32
    %dma_wait3A_80 = tpu.memref_slice %arg6[%add3A_25, %dma_wait3A_79] : memref<10240x16xf32, #tpu.memory_space<vmem_shared>> -> memref<80x16xf32, #tpu.memory_space<vmem_shared>>
    %dma_wait3A_81 = arith.constant 0 : i32
    %dma_wait3A_82 = tpu.memref_slice %arg6[%add3A_25, %dma_wait3A_81] : memref<10240x16xf32, #tpu.memory_space<vmem_shared>> -> memref<80x16xf32, #tpu.memory_space<vmem_shared>>
    tpu.wait_dma2 semaphore(%arg7 : memref<!tpu.dma_semaphore, #tpu.memory_space<semaphore_mem>>) src(%arg5 : memref<80x16xf32, #tpu.memory_space<vmem>>) dst(%dma_wait3A_82 : memref<80x16xf32, #tpu.memory_space<vmem_shared>>)
    %dma_wait3A_83 = arith.constant 0 : i32
    %dma_wait3A_84 = tpu.memref_slice %arg6[%add3A_33, %dma_wait3A_83] : memref<10240x16xf32, #tpu.memory_space<vmem_shared>> -> memref<80x16xf32, #tpu.memory_space<vmem_shared>>
    %dma_wait3A_85 = arith.constant 0 : i32
    %dma_wait3A_86 = tpu.memref_slice %arg6[%add3A_33, %dma_wait3A_85] : memref<10240x16xf32, #tpu.memory_space<vmem_shared>> -> memref<80x16xf32, #tpu.memory_space<vmem_shared>>
    tpu.wait_dma2 semaphore(%arg7 : memref<!tpu.dma_semaphore, #tpu.memory_space<semaphore_mem>>) src(%arg5 : memref<80x16xf32, #tpu.memory_space<vmem>>) dst(%dma_wait3A_86 : memref<80x16xf32, #tpu.memory_space<vmem_shared>>)
    %dma_wait3A_87 = arith.constant 0 : i32
    %dma_wait3A_88 = tpu.memref_slice %arg6[%add3A_41, %dma_wait3A_87] : memref<10240x16xf32, #tpu.memory_space<vmem_shared>> -> memref<80x16xf32, #tpu.memory_space<vmem_shared>>
    %dma_wait3A_89 = arith.constant 0 : i32
    %dma_wait3A_90 = tpu.memref_slice %arg6[%add3A_41, %dma_wait3A_89] : memref<10240x16xf32, #tpu.memory_space<vmem_shared>> -> memref<80x16xf32, #tpu.memory_space<vmem_shared>>
    tpu.wait_dma2 semaphore(%arg7 : memref<!tpu.dma_semaphore, #tpu.memory_space<semaphore_mem>>) src(%arg5 : memref<80x16xf32, #tpu.memory_space<vmem>>) dst(%dma_wait3A_90 : memref<80x16xf32, #tpu.memory_space<vmem_shared>>)
    %dma_wait3A_91 = arith.constant 0 : i32
    %dma_wait3A_92 = tpu.memref_slice %arg6[%add3A_49, %dma_wait3A_91] : memref<10240x16xf32, #tpu.memory_space<vmem_shared>> -> memref<80x16xf32, #tpu.memory_space<vmem_shared>>
    %dma_wait3A_93 = arith.constant 0 : i32
    %dma_wait3A_94 = tpu.memref_slice %arg6[%add3A_49, %dma_wait3A_93] : memref<10240x16xf32, #tpu.memory_space<vmem_shared>> -> memref<80x16xf32, #tpu.memory_space<vmem_shared>>
    tpu.wait_dma2 semaphore(%arg7 : memref<!tpu.dma_semaphore, #tpu.memory_space<semaphore_mem>>) src(%arg5 : memref<80x16xf32, #tpu.memory_space<vmem>>) dst(%dma_wait3A_94 : memref<80x16xf32, #tpu.memory_space<vmem_shared>>)
    %dma_wait3A_95 = arith.constant 0 : i32
    %dma_wait3A_96 = tpu.memref_slice %arg6[%add3A_57, %dma_wait3A_95] : memref<10240x16xf32, #tpu.memory_space<vmem_shared>> -> memref<80x16xf32, #tpu.memory_space<vmem_shared>>
    %dma_wait3A_97 = arith.constant 0 : i32
    %dma_wait3A_98 = tpu.memref_slice %arg6[%add3A_57, %dma_wait3A_97] : memref<10240x16xf32, #tpu.memory_space<vmem_shared>> -> memref<80x16xf32, #tpu.memory_space<vmem_shared>>
    tpu.wait_dma2 semaphore(%arg7 : memref<!tpu.dma_semaphore, #tpu.memory_space<semaphore_mem>>) src(%arg5 : memref<80x16xf32, #tpu.memory_space<vmem>>) dst(%dma_wait3A_98 : memref<80x16xf32, #tpu.memory_space<vmem_shared>>)
    %dma_wait3A_99 = arith.constant 0 : i32
    %dma_wait3A_100 = tpu.memref_slice %arg6[%add3A_65, %dma_wait3A_99] : memref<10240x16xf32, #tpu.memory_space<vmem_shared>> -> memref<80x16xf32, #tpu.memory_space<vmem_shared>>
    %dma_wait3A_101 = arith.constant 0 : i32
    %dma_wait3A_102 = tpu.memref_slice %arg6[%add3A_65, %dma_wait3A_101] : memref<10240x16xf32, #tpu.memory_space<vmem_shared>> -> memref<80x16xf32, #tpu.memory_space<vmem_shared>>
    tpu.wait_dma2 semaphore(%arg7 : memref<!tpu.dma_semaphore, #tpu.memory_space<semaphore_mem>>) src(%arg5 : memref<80x16xf32, #tpu.memory_space<vmem>>) dst(%dma_wait3A_102 : memref<80x16xf32, #tpu.memory_space<vmem_shared>>)
    %broadcast_in_dim3A_103 = arith.constant 1.000000e+00 : f32
    %broadcast_in_dim3A_104 = vector.broadcast %broadcast_in_dim3A_103 : f32 to vector<16xf32>
    %scan3A_105 = arith.constant 0 : i32
    %scan3A_106 = arith.constant 0 : i32
    %scan3A_107 = arith.constant 80 : i32
    %scan3A_108 = arith.addi %scan3A_106, %scan3A_107 : i32
    %scan3A_109 = arith.constant 1 : i32
    scf.for %scan3A_128 = %scan3A_106 to %scan3A_108 step %scan3A_109  : i32 {
      %swap3A = arith.index_cast %scan3A_128 : i32 to index
      %swap3A_129 = arith.constant 0 : index
      %swap3A_130 = tpu.vector_load %arg5[%swap3A, %swap3A_129] {strides = array<i32>} : memref<80x16xf32, #tpu.memory_space<vmem>>, vector<1x16xf32>,
      %swap3A_131 = vector.shape_cast %swap3A_130 : vector<1x16xf32> to vector<16xf32>
      %swap3A_132 = vector.shape_cast %broadcast_in_dim3A_104 : vector<16xf32> to vector<1x16xf32>
      tpu.vector_store %arg5[%swap3A, %swap3A_129], %swap3A_132 {strides = array<i32>} : memref<80x16xf32, #tpu.memory_space<vmem>>, vector<1x16xf32>,
    }
    %scan3A_110 = arith.constant 80 : i32
    %barrier3A = arith.constant 0 : index
    tpu.barrier barrier_id(%barrier3A)
    %scan3A_111 = arith.constant 0 : i32
    %scan3A_112 = arith.constant 0 : i32
    %scan3A_113 = arith.constant 125 : i32
    %scan3A_114 = arith.addi %scan3A_112, %scan3A_113 : i32
    %scan3A_115 = arith.constant 1 : i32
    scf.for %scan3A_128 = %scan3A_112 to %scan3A_114 step %scan3A_115  : i32 {
      %mul3A_129 = arith.constant 80 : i32
      %mul3A_130 = arith.muli %scan3A_128, %mul3A_129 : i32
      %dma_start3A_131 = tpu.memref_slice %arg4[%mul3A_130] : memref<10000xi32, #tpu.memory_space<vmem>> -> memref<80xi32, #tpu.memory_space<vmem>>
      %dma_start3A_132 = arith.constant 0 : i32
      %dma_start3A_133 = arith.constant 0 : i32
      %dma_start3A_134 = tpu.memref_slice %arg6[%dma_start3A_132, %dma_start3A_133] : memref<10240x16xf32, #tpu.memory_space<vmem_shared>> -> memref<10240x16xf32, #tpu.memory_space<vmem_shared>>
      tpu.enqueue_indirect_dma source(%arg5 : memref<80x16xf32, #tpu.memory_space<vmem>>) target(%dma_start3A_134 : memref<10240x16xf32, #tpu.memory_space<vmem_shared>>) offsets(%dma_start3A_131 : memref<80xi32, #tpu.memory_space<vmem>>) semaphore(%arg7 : memref<!tpu.dma_semaphore, #tpu.memory_space<semaphore_mem>>) {add = true}
    }
    %scan3A_116 = arith.constant 125 : i32
    %scan3A_117 = arith.constant 0 : i32
    %scan3A_118 = arith.constant 0 : i32
    %scan3A_119 = arith.constant 125 : i32
    %scan3A_120 = arith.addi %scan3A_118, %scan3A_119 : i32
    %scan3A_121 = arith.constant 1 : i32
    scf.for %scan3A_128 = %scan3A_118 to %scan3A_120 step %scan3A_121  : i32 {
      %dma_wait3A_129 = arith.constant 0 : i32
      %dma_wait3A_130 = tpu.memref_slice %arg4[%dma_wait3A_129] : memref<10000xi32, #tpu.memory_space<vmem>> -> memref<80xi32, #tpu.memory_space<vmem>>
      %dma_wait3A_131 = arith.constant 0 : i32
      %dma_wait3A_132 = arith.constant 0 : i32
      %dma_wait3A_133 = tpu.memref_slice %arg6[%dma_wait3A_131, %dma_wait3A_132] : memref<10240x16xf32, #tpu.memory_space<vmem_shared>> -> memref<10240x16xf32, #tpu.memory_space<vmem_shared>>
      tpu.wait_indirect_dma semaphore(%arg7 : memref<!tpu.dma_semaphore, #tpu.memory_space<semaphore_mem>>) src(%arg5 : memref<80x16xf32, #tpu.memory_space<vmem>>) dst(%dma_wait3A_133 : memref<10240x16xf32, #tpu.memory_space<vmem_shared>>)
    }
    %scan3A_122 = arith.constant 125 : i32
    %barrier3A_123 = arith.constant 0 : index
    tpu.barrier barrier_id(%barrier3A_123)
    %mul3A_124 = arith.constant 640 : i32
    %mul3A_125 = arith.muli %arg1, %mul3A_124 : i32
    %mul3A_126 = arith.constant 640 : i32
    %mul3A_127 = arith.muli %arg1, %mul3A_126 : i32
    "tpu.region"() ({
      %run_scoped3A_128 = tpu.sem_alloc : memref<!tpu.dma_semaphore, #tpu.memory_space<semaphore_mem>>
      %dma_start3A_129 = arith.constant 0 : i32
      %dma_start3A_130 = tpu.memref_slice %arg3[%arg0, %mul3A_127, %dma_start3A_129] : memref<2x10240x16xf32, #tpu.memory_space<hbm>> -> memref<1x640x16xf32, #tpu.memory_space<hbm>>
      %dma_start3A_131 = tpu.memref_squeeze %dma_start3A_130 : memref<1x640x16xf32, #tpu.memory_space<hbm>> -> memref<640x16xf32, #tpu.memory_space<hbm>>
      %dma_start3A_132 = arith.constant 0 : i32
      %dma_start3A_133 = tpu.memref_slice %arg6[%mul3A_125, %dma_start3A_132] : memref<10240x16xf32, #tpu.memory_space<vmem_shared>> -> memref<640x16xf32, #tpu.memory_space<vmem_shared>>
      tpu.enqueue_dma source(%dma_start3A_133 : memref<640x16xf32, #tpu.memory_space<vmem_shared>>) target(%dma_start3A_131 : memref<640x16xf32, #tpu.memory_space<hbm>>) target_semaphore(%run_scoped3A_128 : memref<!tpu.dma_semaphore, #tpu.memory_space<semaphore_mem>>)
      %dma_wait3A_134 = arith.constant 0 : i32
      %dma_wait3A_135 = tpu.memref_slice %arg3[%arg0, %mul3A_127, %dma_wait3A_134] : memref<2x10240x16xf32, #tpu.memory_space<hbm>> -> memref<1x640x16xf32, #tpu.memory_space<hbm>>
      %dma_wait3A_136 = tpu.memref_squeeze %dma_wait3A_135 : memref<1x640x16xf32, #tpu.memory_space<hbm>> -> memref<640x16xf32, #tpu.memory_space<hbm>>
      %dma_wait3A_137 = arith.constant 0 : i32
      %dma_wait3A_138 = tpu.memref_slice %arg6[%mul3A_125, %dma_wait3A_137] : memref<10240x16xf32, #tpu.memory_space<vmem_shared>> -> memref<640x16xf32, #tpu.memory_space<vmem_shared>>
      tpu.wait_dma2 semaphore(%run_scoped3A_128 : memref<!tpu.dma_semaphore, #tpu.memory_space<semaphore_mem>>) src(%dma_wait3A_138 : memref<640x16xf32, #tpu.memory_space<vmem_shared>>) dst(%dma_wait3A_136 : memref<640x16xf32, #tpu.memory_space<hbm>>)
      tpu.yield
    }) : () -> ()
    return
  }
}

module attributes {stable_mosaic.version = 14 : i64} {
  func.func @_dense_body(%arg0: i32, %arg1: memref<2000x128xf32, #tpu.memory_space<vmem>>, %arg2: memref<2x2000x128xf32, #tpu.memory_space<vmem>>, %arg3: memref<2x2000x16xf32, #tpu.memory_space<vmem>>, %arg4: memref<128x128xf32, #tpu.memory_space<vmem>>, %arg5: memref<1x128xf32, #tpu.memory_space<vmem>>, %arg6: memref<128x128xf32, #tpu.memory_space<vmem>>, %arg7: memref<2000x128xf32, #tpu.memory_space<vmem>>) attributes {dimension_semantics = [#tpu.dimension_semantics<arbitrary>], iteration_bounds = array<i64: 5>, scalar_prefetch = 0 : i64, scratch_operands = 0 : i64, tpu.core_type = #tpu.core_type<tc>, window_params = [{transform_indices = @transform_0, window_bounds = array<i64: 2000, 128>}, {transform_indices = @transform_1, window_bounds = array<i64: 2, 2000, 128>}, {transform_indices = @transform_2, window_bounds = array<i64: 2, 2000, 16>}, {pipeline_mode = #tpu.pipeline_mode<synchronous>, transform_indices = @transform_3, window_bounds = array<i64: 128, 128>}, {pipeline_mode = #tpu.pipeline_mode<synchronous>, transform_indices = @transform_4, window_bounds = array<i64: 1, 128>}, {pipeline_mode = #tpu.pipeline_mode<synchronous>, transform_indices = @transform_5, window_bounds = array<i64: 128, 128>}, {transform_indices = @transform_6, window_bounds = array<i64: 2000, 128>}]} {
    %get3A = arith.constant 0 : index
    %get3A_0 = arith.constant 0 : index
    %get3A_1 = arith.constant 0 : index
    %get3A_2 = vector.load %arg2[%get3A, %get3A_0, %get3A_1] : memref<2x2000x128xf32, #tpu.memory_space<vmem>>, vector<1x2000x128xf32>
    %get3A_3 = vector.shape_cast %get3A_2 : vector<1x2000x128xf32> to vector<2000x128xf32>
    %get3A_4 = arith.constant 1 : index
    %get3A_5 = arith.constant 0 : index
    %get3A_6 = arith.constant 0 : index
    %get3A_7 = vector.load %arg2[%get3A_4, %get3A_5, %get3A_6] : memref<2x2000x128xf32, #tpu.memory_space<vmem>>, vector<1x2000x128xf32>
    %get3A_8 = vector.shape_cast %get3A_7 : vector<1x2000x128xf32> to vector<2000x128xf32>
    %add3A = arith.addf %get3A_3, %get3A_8 : vector<2000x128xf32>
    %get3A_9 = arith.constant 0 : index
    %get3A_10 = arith.constant 0 : index
    %get3A_11 = arith.constant 0 : index
    %get3A_12 = vector.load %arg3[%get3A_9, %get3A_10, %get3A_11] : memref<2x2000x16xf32, #tpu.memory_space<vmem>>, vector<1x2000x16xf32>
    %get3A_13 = vector.shape_cast %get3A_12 : vector<1x2000x16xf32> to vector<2000x16xf32>
    %slice3A = vector.extract_strided_slice %get3A_13 {offsets = [0, 0], sizes = [2000, 1], strides = [1, 1]} : vector<2000x16xf32> to vector<2000x1xf32>
    %get3A_14 = arith.constant 1 : index
    %get3A_15 = arith.constant 0 : index
    %get3A_16 = arith.constant 0 : index
    %get3A_17 = vector.load %arg3[%get3A_14, %get3A_15, %get3A_16] : memref<2x2000x16xf32, #tpu.memory_space<vmem>>, vector<1x2000x16xf32>
    %get3A_18 = vector.shape_cast %get3A_17 : vector<1x2000x16xf32> to vector<2000x16xf32>
    %slice3A_19 = vector.extract_strided_slice %get3A_18 {offsets = [0, 0], sizes = [2000, 1], strides = [1, 1]} : vector<2000x16xf32> to vector<2000x1xf32>
    %add3A_20 = arith.addf %slice3A, %slice3A_19 : vector<2000x1xf32>
    %max3A = arith.constant 1.000000e+00 : f32
    %max3A_21 = vector.broadcast %max3A : f32 to vector<2000x1xf32>
    %max3A_22 = arith.maximumf %add3A_20, %max3A_21 : vector<2000x1xf32>
    %div3A = vector.broadcast %max3A_22 : vector<2000x1xf32> to vector<2000x128xf32>
    %div3A_23 = arith.divf %add3A, %div3A : vector<2000x128xf32>
    %get3A_24 = arith.constant 0 : index
    %get3A_25 = arith.constant 0 : index
    %get3A_26 = vector.load %arg4[%get3A_24, %get3A_25] : memref<128x128xf32, #tpu.memory_space<vmem>>, vector<128x128xf32>
    %dot_general3A = arith.constant dense<0.000000e+00> : vector<2000x128xf32>
    %dot_general3A_27 = tpu.matmul %div3A_23, %get3A_26, %dot_general3A {dimension_numbers = #tpu.dot_dimension_numbers<[1], [0], [0], [1], [0, 0, 1, 1], [], []>, transpose_lhs_hint = false} : vector<2000x128xf32>, vector<128x128xf32>, vector<2000x128xf32> -> vector<2000x128xf32>
    %get3A_28 = arith.constant 0 : index
    %get3A_29 = arith.constant 0 : index
    %get3A_30 = vector.load %arg1[%get3A_28, %get3A_29] : memref<2000x128xf32, #tpu.memory_space<vmem>>, vector<2000x128xf32>
    %get3A_31 = arith.constant 0 : index
    %get3A_32 = arith.constant 0 : index
    %get3A_33 = vector.load %arg6[%get3A_31, %get3A_32] : memref<128x128xf32, #tpu.memory_space<vmem>>, vector<128x128xf32>
    %dot_general3A_34 = arith.constant dense<0.000000e+00> : vector<2000x128xf32>
    %dot_general3A_35 = tpu.matmul %get3A_30, %get3A_33, %dot_general3A_34 {dimension_numbers = #tpu.dot_dimension_numbers<[1], [0], [0], [1], [0, 0, 1, 1], [], []>, transpose_lhs_hint = false} : vector<2000x128xf32>, vector<128x128xf32>, vector<2000x128xf32> -> vector<2000x128xf32>
    %add3A_36 = arith.addf %dot_general3A_27, %dot_general3A_35 : vector<2000x128xf32>
    %get3A_37 = arith.constant 0 : index
    %get3A_38 = arith.constant 0 : index
    %get3A_39 = vector.load %arg5[%get3A_37, %get3A_38] : memref<1x128xf32, #tpu.memory_space<vmem>>, vector<1x128xf32>
    %add3A_40 = vector.broadcast %get3A_39 : vector<1x128xf32> to vector<2000x128xf32>
    %add3A_41 = arith.addf %add3A_36, %add3A_40 : vector<2000x128xf32>
    %max3A_42 = arith.constant 0.000000e+00 : f32
    %max3A_43 = vector.broadcast %max3A_42 : f32 to vector<2000x128xf32>
    %max3A_44 = arith.maximumf %add3A_41, %max3A_43 : vector<2000x128xf32>
    %swap3A = arith.constant 0 : index
    %swap3A_45 = arith.constant 0 : index
    %swap3A_46 = vector.load %arg7[%swap3A, %swap3A_45] : memref<2000x128xf32, #tpu.memory_space<vmem>>, vector<2000x128xf32>
    tpu.vector_store %arg7[%swap3A, %swap3A_45], %max3A_44 {strides = array<i32>} : memref<2000x128xf32, #tpu.memory_space<vmem>>, vector<2000x128xf32>,
    return
  }
  func.func @transform_0(%arg0: i32) -> (i32, i32) {
    %c0_i32 = arith.constant 0 : i32
    %c0_i32_0 = arith.constant 0 : i32
    return %arg0, %c0_i32 : i32, i32
  }
  func.func @transform_1(%arg0: i32) -> (i32, i32, i32) {
    %c0_i32 = arith.constant 0 : i32
    %c0_i32_0 = arith.constant 0 : i32
    %c0_i32_1 = arith.constant 0 : i32
    return %c0_i32, %arg0, %c0_i32_0 : i32, i32, i32
  }
  func.func @transform_2(%arg0: i32) -> (i32, i32, i32) {
    %c0_i32 = arith.constant 0 : i32
    %c0_i32_0 = arith.constant 0 : i32
    %c0_i32_1 = arith.constant 0 : i32
    return %c0_i32, %arg0, %c0_i32_0 : i32, i32, i32
  }
  func.func @transform_3(%arg0: i32) -> (i32, i32) {
    %c0_i32 = arith.constant 0 : i32
    %c0_i32_0 = arith.constant 0 : i32
    %c0_i32_1 = arith.constant 0 : i32
    return %c0_i32, %c0_i32_0 : i32, i32
  }
  func.func @transform_4(%arg0: i32) -> (i32, i32) {
    %c0_i32 = arith.constant 0 : i32
    %c0_i32_0 = arith.constant 0 : i32
    %c0_i32_1 = arith.constant 0 : i32
    return %c0_i32, %c0_i32_0 : i32, i32
  }
  func.func @transform_5(%arg0: i32) -> (i32, i32) {
    %c0_i32 = arith.constant 0 : i32
    %c0_i32_0 = arith.constant 0 : i32
    %c0_i32_1 = arith.constant 0 : i32
    return %c0_i32, %c0_i32_0 : i32, i32
  }
  func.func @transform_6(%arg0: i32) -> (i32, i32) {
    %c0_i32 = arith.constant 0 : i32
    %c0_i32_0 = arith.constant 0 : i32
    return %arg0, %c0_i32 : i32, i32
  }
}

module attributes {stable_mosaic.version = 14 : i64} {
  func.func @_dense_mlp_body(%arg0: i32, %arg1: memref<2000x128xf32, #tpu.memory_space<vmem>>, %arg2: memref<2x2000x128xf32, #tpu.memory_space<vmem>>, %arg3: memref<2x2000x16xf32, #tpu.memory_space<vmem>>, %arg4: memref<128x128xf32, #tpu.memory_space<vmem>>, %arg5: memref<1x128xf32, #tpu.memory_space<vmem>>, %arg6: memref<128x128xf32, #tpu.memory_space<vmem>>, %arg7: memref<2000x128xf32, #tpu.memory_space<vmem>>, %arg8: memref<128x256xf32, #tpu.memory_space<vmem>>, %arg9: memref<128x256xf32, #tpu.memory_space<vmem>>, %arg10: memref<128x256xf32, #tpu.memory_space<vmem>>, %arg11: memref<1x256xf32, #tpu.memory_space<vmem>>, %arg12: memref<256x128xf32, #tpu.memory_space<vmem>>, %arg13: memref<1x128xf32, #tpu.memory_space<vmem>>, %arg14: memref<2000x128xf32, #tpu.memory_space<vmem>>) attributes {dimension_semantics = [#tpu.dimension_semantics<arbitrary>], iteration_bounds = array<i64: 5>, scalar_prefetch = 0 : i64, scratch_operands = 0 : i64, tpu.core_type = #tpu.core_type<tc>, window_params = [{transform_indices = @transform_0, window_bounds = array<i64: 2000, 128>}, {transform_indices = @transform_1, window_bounds = array<i64: 2, 2000, 128>}, {transform_indices = @transform_2, window_bounds = array<i64: 2, 2000, 16>}, {pipeline_mode = #tpu.pipeline_mode<synchronous>, transform_indices = @transform_3, window_bounds = array<i64: 128, 128>}, {pipeline_mode = #tpu.pipeline_mode<synchronous>, transform_indices = @transform_4, window_bounds = array<i64: 1, 128>}, {pipeline_mode = #tpu.pipeline_mode<synchronous>, transform_indices = @transform_5, window_bounds = array<i64: 128, 128>}, {transform_indices = @transform_6, window_bounds = array<i64: 2000, 128>}, {pipeline_mode = #tpu.pipeline_mode<synchronous>, transform_indices = @transform_7, window_bounds = array<i64: 128, 256>}, {pipeline_mode = #tpu.pipeline_mode<synchronous>, transform_indices = @transform_8, window_bounds = array<i64: 128, 256>}, {pipeline_mode = #tpu.pipeline_mode<synchronous>, transform_indices = @transform_9, window_bounds = array<i64: 128, 256>}, {pipeline_mode = #tpu.pipeline_mode<synchronous>, transform_indices = @transform_10, window_bounds = array<i64: 1, 256>}, {pipeline_mode = #tpu.pipeline_mode<synchronous>, transform_indices = @transform_11, window_bounds = array<i64: 256, 128>}, {pipeline_mode = #tpu.pipeline_mode<synchronous>, transform_indices = @transform_12, window_bounds = array<i64: 1, 128>}, {transform_indices = @transform_13, window_bounds = array<i64: 2000, 128>}]} {
    %get3A = arith.constant 0 : index
    %get3A_0 = arith.constant 0 : index
    %get3A_1 = arith.constant 0 : index
    %get3A_2 = vector.load %arg2[%get3A, %get3A_0, %get3A_1] : memref<2x2000x128xf32, #tpu.memory_space<vmem>>, vector<1x2000x128xf32>
    %get3A_3 = vector.shape_cast %get3A_2 : vector<1x2000x128xf32> to vector<2000x128xf32>
    %get3A_4 = arith.constant 1 : index
    %get3A_5 = arith.constant 0 : index
    %get3A_6 = arith.constant 0 : index
    %get3A_7 = vector.load %arg2[%get3A_4, %get3A_5, %get3A_6] : memref<2x2000x128xf32, #tpu.memory_space<vmem>>, vector<1x2000x128xf32>
    %get3A_8 = vector.shape_cast %get3A_7 : vector<1x2000x128xf32> to vector<2000x128xf32>
    %add3A = arith.addf %get3A_3, %get3A_8 : vector<2000x128xf32>
    %get3A_9 = arith.constant 0 : index
    %get3A_10 = arith.constant 0 : index
    %get3A_11 = arith.constant 0 : index
    %get3A_12 = vector.load %arg3[%get3A_9, %get3A_10, %get3A_11] : memref<2x2000x16xf32, #tpu.memory_space<vmem>>, vector<1x2000x16xf32>
    %get3A_13 = vector.shape_cast %get3A_12 : vector<1x2000x16xf32> to vector<2000x16xf32>
    %slice3A = vector.extract_strided_slice %get3A_13 {offsets = [0, 0], sizes = [2000, 1], strides = [1, 1]} : vector<2000x16xf32> to vector<2000x1xf32>
    %get3A_14 = arith.constant 1 : index
    %get3A_15 = arith.constant 0 : index
    %get3A_16 = arith.constant 0 : index
    %get3A_17 = vector.load %arg3[%get3A_14, %get3A_15, %get3A_16] : memref<2x2000x16xf32, #tpu.memory_space<vmem>>, vector<1x2000x16xf32>
    %get3A_18 = vector.shape_cast %get3A_17 : vector<1x2000x16xf32> to vector<2000x16xf32>
    %slice3A_19 = vector.extract_strided_slice %get3A_18 {offsets = [0, 0], sizes = [2000, 1], strides = [1, 1]} : vector<2000x16xf32> to vector<2000x1xf32>
    %add3A_20 = arith.addf %slice3A, %slice3A_19 : vector<2000x1xf32>
    %max3A = arith.constant 1.000000e+00 : f32
    %max3A_21 = vector.broadcast %max3A : f32 to vector<2000x1xf32>
    %max3A_22 = arith.maximumf %add3A_20, %max3A_21 : vector<2000x1xf32>
    %div3A = vector.broadcast %max3A_22 : vector<2000x1xf32> to vector<2000x128xf32>
    %div3A_23 = arith.divf %add3A, %div3A : vector<2000x128xf32>
    %get3A_24 = arith.constant 0 : index
    %get3A_25 = arith.constant 0 : index
    %get3A_26 = vector.load %arg4[%get3A_24, %get3A_25] : memref<128x128xf32, #tpu.memory_space<vmem>>, vector<128x128xf32>
    %dot_general3A = arith.constant dense<0.000000e+00> : vector<2000x128xf32>
    %dot_general3A_27 = tpu.matmul %div3A_23, %get3A_26, %dot_general3A {dimension_numbers = #tpu.dot_dimension_numbers<[1], [0], [0], [1], [0, 0, 1, 1], [], []>, transpose_lhs_hint = false} : vector<2000x128xf32>, vector<128x128xf32>, vector<2000x128xf32> -> vector<2000x128xf32>
    %get3A_28 = arith.constant 0 : index
    %get3A_29 = arith.constant 0 : index
    %get3A_30 = vector.load %arg1[%get3A_28, %get3A_29] : memref<2000x128xf32, #tpu.memory_space<vmem>>, vector<2000x128xf32>
    %get3A_31 = arith.constant 0 : index
    %get3A_32 = arith.constant 0 : index
    %get3A_33 = vector.load %arg6[%get3A_31, %get3A_32] : memref<128x128xf32, #tpu.memory_space<vmem>>, vector<128x128xf32>
    %dot_general3A_34 = arith.constant dense<0.000000e+00> : vector<2000x128xf32>
    %dot_general3A_35 = tpu.matmul %get3A_30, %get3A_33, %dot_general3A_34 {dimension_numbers = #tpu.dot_dimension_numbers<[1], [0], [0], [1], [0, 0, 1, 1], [], []>, transpose_lhs_hint = false} : vector<2000x128xf32>, vector<128x128xf32>, vector<2000x128xf32> -> vector<2000x128xf32>
    %add3A_36 = arith.addf %dot_general3A_27, %dot_general3A_35 : vector<2000x128xf32>
    %get3A_37 = arith.constant 0 : index
    %get3A_38 = arith.constant 0 : index
    %get3A_39 = vector.load %arg5[%get3A_37, %get3A_38] : memref<1x128xf32, #tpu.memory_space<vmem>>, vector<1x128xf32>
    %add3A_40 = vector.broadcast %get3A_39 : vector<1x128xf32> to vector<2000x128xf32>
    %add3A_41 = arith.addf %add3A_36, %add3A_40 : vector<2000x128xf32>
    %max3A_42 = arith.constant 0.000000e+00 : f32
    %max3A_43 = vector.broadcast %max3A_42 : f32 to vector<2000x128xf32>
    %max3A_44 = arith.maximumf %add3A_41, %max3A_43 : vector<2000x128xf32>
    %get3A_45 = arith.constant 0 : index
    %get3A_46 = arith.constant 0 : index
    %get3A_47 = vector.load %arg7[%get3A_45, %get3A_46] : memref<2000x128xf32, #tpu.memory_space<vmem>>, vector<2000x128xf32>
    %get3A_48 = arith.constant 0 : index
    %get3A_49 = arith.constant 0 : index
    %get3A_50 = vector.load %arg8[%get3A_48, %get3A_49] : memref<128x256xf32, #tpu.memory_space<vmem>>, vector<128x256xf32>
    %dot_general3A_51 = arith.constant dense<0.000000e+00> : vector<2000x256xf32>
    %dot_general3A_52 = tpu.matmul %get3A_47, %get3A_50, %dot_general3A_51 {dimension_numbers = #tpu.dot_dimension_numbers<[1], [0], [0], [1], [0, 0, 1, 1], [], []>, transpose_lhs_hint = false} : vector<2000x128xf32>, vector<128x256xf32>, vector<2000x256xf32> -> vector<2000x256xf32>
    %get3A_53 = arith.constant 0 : index
    %get3A_54 = arith.constant 0 : index
    %get3A_55 = vector.load %arg1[%get3A_53, %get3A_54] : memref<2000x128xf32, #tpu.memory_space<vmem>>, vector<2000x128xf32>
    %get3A_56 = arith.constant 0 : index
    %get3A_57 = arith.constant 0 : index
    %get3A_58 = vector.load %arg9[%get3A_56, %get3A_57] : memref<128x256xf32, #tpu.memory_space<vmem>>, vector<128x256xf32>
    %dot_general3A_59 = arith.constant dense<0.000000e+00> : vector<2000x256xf32>
    %dot_general3A_60 = tpu.matmul %get3A_55, %get3A_58, %dot_general3A_59 {dimension_numbers = #tpu.dot_dimension_numbers<[1], [0], [0], [1], [0, 0, 1, 1], [], []>, transpose_lhs_hint = false} : vector<2000x128xf32>, vector<128x256xf32>, vector<2000x256xf32> -> vector<2000x256xf32>
    %add3A_61 = arith.addf %dot_general3A_52, %dot_general3A_60 : vector<2000x256xf32>
    %get3A_62 = arith.constant 0 : index
    %get3A_63 = arith.constant 0 : index
    %get3A_64 = vector.load %arg10[%get3A_62, %get3A_63] : memref<128x256xf32, #tpu.memory_space<vmem>>, vector<128x256xf32>
    %dot_general3A_65 = arith.constant dense<0.000000e+00> : vector<2000x256xf32>
    %dot_general3A_66 = tpu.matmul %max3A_44, %get3A_64, %dot_general3A_65 {dimension_numbers = #tpu.dot_dimension_numbers<[1], [0], [0], [1], [0, 0, 1, 1], [], []>, transpose_lhs_hint = false} : vector<2000x128xf32>, vector<128x256xf32>, vector<2000x256xf32> -> vector<2000x256xf32>
    %add3A_67 = arith.addf %add3A_61, %dot_general3A_66 : vector<2000x256xf32>
    %get3A_68 = arith.constant 0 : index
    %get3A_69 = arith.constant 0 : index
    %get3A_70 = vector.load %arg11[%get3A_68, %get3A_69] : memref<1x256xf32, #tpu.memory_space<vmem>>, vector<1x256xf32>
    %add3A_71 = vector.broadcast %get3A_70 : vector<1x256xf32> to vector<2000x256xf32>
    %add3A_72 = arith.addf %add3A_67, %add3A_71 : vector<2000x256xf32>
    %max3A_73 = arith.constant 0.000000e+00 : f32
    %max3A_74 = vector.broadcast %max3A_73 : f32 to vector<2000x256xf32>
    %max3A_75 = arith.maximumf %add3A_72, %max3A_74 : vector<2000x256xf32>
    %get3A_76 = arith.constant 0 : index
    %get3A_77 = arith.constant 0 : index
    %get3A_78 = vector.load %arg12[%get3A_76, %get3A_77] : memref<256x128xf32, #tpu.memory_space<vmem>>, vector<256x128xf32>
    %dot_general3A_79 = arith.constant dense<0.000000e+00> : vector<2000x128xf32>
    %dot_general3A_80 = tpu.matmul %max3A_75, %get3A_78, %dot_general3A_79 {dimension_numbers = #tpu.dot_dimension_numbers<[1], [0], [0], [1], [0, 0, 1, 1], [], []>, transpose_lhs_hint = false} : vector<2000x256xf32>, vector<256x128xf32>, vector<2000x128xf32> -> vector<2000x128xf32>
    %get3A_81 = arith.constant 0 : index
    %get3A_82 = arith.constant 0 : index
    %get3A_83 = vector.load %arg13[%get3A_81, %get3A_82] : memref<1x128xf32, #tpu.memory_space<vmem>>, vector<1x128xf32>
    %add3A_84 = vector.broadcast %get3A_83 : vector<1x128xf32> to vector<2000x128xf32>
    %add3A_85 = arith.addf %dot_general3A_80, %add3A_84 : vector<2000x128xf32>
    %swap3A = arith.constant 0 : index
    %swap3A_86 = arith.constant 0 : index
    %swap3A_87 = vector.load %arg14[%swap3A, %swap3A_86] : memref<2000x128xf32, #tpu.memory_space<vmem>>, vector<2000x128xf32>
    tpu.vector_store %arg14[%swap3A, %swap3A_86], %add3A_85 {strides = array<i32>} : memref<2000x128xf32, #tpu.memory_space<vmem>>, vector<2000x128xf32>,
    return
  }
  func.func @transform_0(%arg0: i32) -> (i32, i32) {
    %c0_i32 = arith.constant 0 : i32
    %c0_i32_0 = arith.constant 0 : i32
    return %arg0, %c0_i32 : i32, i32
  }
  func.func @transform_1(%arg0: i32) -> (i32, i32, i32) {
    %c0_i32 = arith.constant 0 : i32
    %c0_i32_0 = arith.constant 0 : i32
    %c0_i32_1 = arith.constant 0 : i32
    return %c0_i32, %arg0, %c0_i32_0 : i32, i32, i32
  }
  func.func @transform_2(%arg0: i32) -> (i32, i32, i32) {
    %c0_i32 = arith.constant 0 : i32
    %c0_i32_0 = arith.constant 0 : i32
    %c0_i32_1 = arith.constant 0 : i32
    return %c0_i32, %arg0, %c0_i32_0 : i32, i32, i32
  }
  func.func @transform_3(%arg0: i32) -> (i32, i32) {
    %c0_i32 = arith.constant 0 : i32
    %c0_i32_0 = arith.constant 0 : i32
    %c0_i32_1 = arith.constant 0 : i32
    return %c0_i32, %c0_i32_0 : i32, i32
  }
  func.func @transform_4(%arg0: i32) -> (i32, i32) {
    %c0_i32 = arith.constant 0 : i32
    %c0_i32_0 = arith.constant 0 : i32
    %c0_i32_1 = arith.constant 0 : i32
    return %c0_i32, %c0_i32_0 : i32, i32
  }
  func.func @transform_5(%arg0: i32) -> (i32, i32) {
    %c0_i32 = arith.constant 0 : i32
    %c0_i32_0 = arith.constant 0 : i32
    %c0_i32_1 = arith.constant 0 : i32
    return %c0_i32, %c0_i32_0 : i32, i32
  }
  func.func @transform_6(%arg0: i32) -> (i32, i32) {
    %c0_i32 = arith.constant 0 : i32
    %c0_i32_0 = arith.constant 0 : i32
    return %arg0, %c0_i32 : i32, i32
  }
  func.func @transform_7(%arg0: i32) -> (i32, i32) {
    %c0_i32 = arith.constant 0 : i32
    %c0_i32_0 = arith.constant 0 : i32
    %c0_i32_1 = arith.constant 0 : i32
    return %c0_i32, %c0_i32_0 : i32, i32
  }
  func.func @transform_8(%arg0: i32) -> (i32, i32) {
    %c0_i32 = arith.constant 0 : i32
    %c0_i32_0 = arith.constant 0 : i32
    %c0_i32_1 = arith.constant 0 : i32
    return %c0_i32, %c0_i32_0 : i32, i32
  }
  func.func @transform_9(%arg0: i32) -> (i32, i32) {
    %c0_i32 = arith.constant 0 : i32
    %c0_i32_0 = arith.constant 0 : i32
    %c0_i32_1 = arith.constant 0 : i32
    return %c0_i32, %c0_i32_0 : i32, i32
  }
  func.func @transform_10(%arg0: i32) -> (i32, i32) {
    %c0_i32 = arith.constant 0 : i32
    %c0_i32_0 = arith.constant 0 : i32
    %c0_i32_1 = arith.constant 0 : i32
    return %c0_i32, %c0_i32_0 : i32, i32
  }
  func.func @transform_11(%arg0: i32) -> (i32, i32) {
    %c0_i32 = arith.constant 0 : i32
    %c0_i32_0 = arith.constant 0 : i32
    %c0_i32_1 = arith.constant 0 : i32
    return %c0_i32, %c0_i32_0 : i32, i32
  }
  func.func @transform_12(%arg0: i32) -> (i32, i32) {
    %c0_i32 = arith.constant 0 : i32
    %c0_i32_0 = arith.constant 0 : i32
    %c0_i32_1 = arith.constant 0 : i32
    return %c0_i32, %c0_i32_0 : i32, i32
  }
  func.func @transform_13(%arg0: i32) -> (i32, i32) {
    %c0_i32 = arith.constant 0 : i32
    %c0_i32_0 = arith.constant 0 : i32
    return %arg0, %c0_i32 : i32, i32
  }
}

</mosaic_0001>

<sc_bundles>
// kernel: kernel.12.cloned.1.call-start
scs
__scs_entry_jumppad:
0x0: {  	(pc) =	sbr.rel $0x88, $3  }
0x1: {  	(tag) =	ssettag $0x0;
	lr =	simm.s32 $0x1  }
0x2: {  	[smem:$0x3F92] =	sst lr;
	_ =	strace $0xD0000000  }
0x3: {  	_ = 	snop  }
0x4: {  	_ = 	snop  }
0x5: {  	_ = 	snop  }
0x6: {  	_ = 	snop  }
0x7: {  	_ = 	snop  }
__scs_overlays_trampoline_lowered:
0x8: {  	[smem:$0x3FA1] =	sst s0  }
0x9: {  	[smem:$0x3FA2] =	sst s1  }
0xa: {  	[smem:$0x3FA3] =	sst s2  }
0xb: {  	[smem:$0x3FA4] =	sst s3  }
0xc: {  	[smem:$0x3FA5] =	sst s4  }
0xd: {  	[smem:$0x3FA6] =	sst s5  }
0xe: {  	[smem:$0x3FA7] =	sst s6  }
0xf: {  	[smem:$0x3FA8] =	sst s7  }
0x10: {  	[smem:$0x3FA9] =	sst s8  }
0x11: {  	[smem:$0x3FAA] =	sst s9;
	s0 =	simm.s32 @!p0 $0x0  }
0x12: {  	s1 =	sld [smem:$0x3F90];
	s0 =	simm.s32 @p0 $0x1  }
0x13: {  	[smem:$0x3FAB] =	sst s0;
	s0 =	simm.s32 @!p1 $0x0  }
0x14: {  	s2 =	sld [smem:$0x3F8F];
	s0 =	simm.s32 @p1 $0x1  }
0x15: {  	[smem:$0x3FAC] =	sst s0;
	s0 =	simm.s32 @!p2 $0x0  }
0x16: {  	s3 =	sld [smem:$0x3FDB];
	s0 =	simm.s32 @p2 $0x1  }
0x17: {  	s4 =	simm.s32 $0x1BF5;
	[smem:$0x3FAE] =	sst s0  }
0x18: {  	s0 =	sld [smem:$0x3F91];
	_ =	swait.ge [sflag:s4], $0x0  }
0x19: {  	s7 =	sld [smem:$0x3F92]  }
0x1a: {  	s8 =	sadd.s32 $0xFFFFE003, lr  }
0x1b: {  	s9 =	sadd.s32 $0xFFFFFEF7, lr;
	s5 =	simm.s32 $0xFFFFFFFF;
	p2 =	slt.u32 s8, $0xFFFFF086  }
0x1c: {  	p1 =	slt.u32 s9, $0xF7A;
	s5 =	simm.s32 @!p2 $0x0  }
0x1d: {  	s5 =	simm.s32 @p1 $0x1;
	p0 =	seq.s32 s7, s2  }
0x1e: {  	s7 =	smul.u32 @!p0 $0xF7A, s2;
	p2 =	seq.s32 @!p0 s5, $0x0  }
0x1f: {  	s9 =	smul.u32 $0xF7A, s1;
	s8 =	simm.s32 @!p0 $0x1BF5;
	p2 =	por !p2, p0  }
0x20: {  	[sflag:s8] =	ssyncset.s32 @!p0 $0xFFFFF086;
	s6 =	sadd.s32 @!p0 s3, s7;
	s7 =	simm.s32 @!p0 $0x108  }
0x21: {  	s3 =	sadd.s32 s3, s9;
	s6 =	sadd.s32 @!p0 $0x88, s6;
	s7 =	simm.s32 @p2 $0x1082  }
0x22: {  	[simem:s7], [sflag:s8] =	dma.local @!p0 [hbm:s6], $0xF7A  }
0x23: {  	s9 =	sor.u32 $0xD0000000, s2;
	s6 =	simm.s32 $0x108;
	_ =	swait.ge @!p0 [sflag:s8], $0x0  }
0x24: {  	s3 =	sadd.s32 $0x88, s3;
	s6 =	simm.s32 @!p1 $0x1082;
	[sflag:s4] =	ssyncset.s32 $0xFFFFF086  }
0x25: {  	[simem:s6], [sflag:s4] =	dma.local [hbm:s3], $0xF7A  }
0x26: {  	[smem:$0x3F92] =	sst s1;
	(tag) =	ssettag s2;
	_ =	strace s9  }
0x27: {  	s1 =	sld [smem:$0x3FA2]  }
0x28: {  	s2 =	sld [smem:$0x3FA3]  }
0x29: {  	s4 =	sld [smem:$0x3FA5]  }
0x2a: {  	p0 =	seq.s32 s5, $0x0;
	s5 =	sld [smem:$0x3FA6]  }
0x2b: {  	s6 =	sld [smem:$0x3FA7]  }
0x2c: {  	s7 =	sld [smem:$0x3FA8]  }
0x2d: {  	s3 =	simm.s32 $0x108;
	s8 =	sld [smem:$0x3FA9]  }
0x2e: {  	s3 =	simm.s32 @!p0 $0x1082;
	s9 =	sld [smem:$0x3FAA]  }
0x2f: {  	lr =	sadd.s32 s0, s3;
	s0 =	sld [smem:$0x3FA1]  }
0x30: {  	s3 =	sld [smem:$0x3FA4]  }
0x31: {  	[smem:$0x3FAD] =	sst s10  }
0x32: {  	s10 =	sld [smem:$0x3FAB];
	_ =	sdelay $0x3  }
0x33: {  	p0 =	seq.s32 s10, $0x1;
	s10 =	sld [smem:$0x3FAD];
	_ =	sdelay $0x3  }
0x34: {  	[smem:$0x3FAD] =	sst s10  }
0x35: {  	s10 =	sld [smem:$0x3FAC];
	_ =	sdelay $0x3  }
0x36: {  	p1 =	seq.s32 s10, $0x1;
	s10 =	sld [smem:$0x3FAD];
	_ =	sdelay $0x3  }
0x37: {  	[smem:$0x3FAD] =	sst s10  }
0x38: {  	s10 =	sld [smem:$0x3FAE]  }
0x39: {  	_ = 	snop;
	(pc) =	sbr.ind lr, $3  }
0x3a: {  	_ = 	snop  }
0x3b: {  	_ = 	snop  }
0x3c: {  	p2 =	seq.s32 s10, $0x1;
	s10 =	sld [smem:$0x3FAD]  }
0x3d: {  	_ =	shalt  }
0x3e: {  	_ =	shalt  }
0x3f: {  	_ =	shalt  }
0x40: {  	_ =	shalt  }
0x41: {  	_ =	shalt  }
0x42: {  	_ =	shalt  }
0x43: {  	_ =	shalt  }
0x44: {  	_ =	shalt  }
0x45: {  	_ =	shalt  }
0x46: {  	_ =	shalt  }
0x47: {  	_ =	shalt  }
0x48: {  	_ =	shalt  }
0x49: {  	_ =	shalt  }
0x4a: {  	_ =	shalt  }
0x4b: {  	_ =	shalt  }
0x4c: {  	_ =	shalt  }
0x4d: {  	_ =	shalt  }
0x4e: {  	_ =	shalt  }
0x4f: {  	_ =	shalt  }
0x50: {  	_ =	shalt  }
0x51: {  	_ =	shalt  }
0x52: {  	_ =	shalt  }
0x53: {  	_ =	shalt  }
0x54: {  	_ =	shalt  }
0x55: {  	_ =	shalt  }
0x56: {  	_ =	shalt  }
0x57: {  	_ =	shalt  }
0x58: {  	_ =	shalt  }
0x59: {  	_ =	shalt  }
0x5a: {  	_ =	shalt  }
0x5b: {  	_ =	shalt  }
0x5c: {  	_ =	shalt  }
0x5d: {  	_ =	shalt  }
0x5e: {  	_ =	shalt  }
0x5f: {  	_ =	shalt  }
0x60: {  	_ =	shalt  }
0x61: {  	_ =	shalt  }
0x62: {  	_ =	shalt  }
0x63: {  	_ =	shalt  }
0x64: {  	_ =	shalt  }
0x65: {  	_ =	shalt  }
0x66: {  	_ =	shalt  }
0x67: {  	_ =	shalt  }
0x68: {  	_ =	shalt  }
0x69: {  	_ =	shalt  }
0x6a: {  	_ =	shalt  }
0x6b: {  	_ =	shalt  }
0x6c: {  	_ =	shalt  }
0x6d: {  	_ =	shalt  }
0x6e: {  	_ =	shalt  }
0x6f: {  	_ =	shalt  }
0x70: {  	_ =	shalt  }
0x71: {  	_ =	shalt  }
0x72: {  	_ =	shalt  }
0x73: {  	_ =	shalt  }
0x74: {  	_ =	shalt  }
0x75: {  	_ =	shalt  }
0x76: {  	_ =	shalt  }
0x77: {  	_ =	shalt  }
0x78: {  	_ =	shalt  }
0x79: {  	_ =	shalt  }
0x7a: {  	_ =	shalt  }
0x7b: {  	_ =	shalt  }
0x7c: {  	_ =	shalt  }
0x7d: {  	_ =	shalt  }
0x7e: {  	_ =	shalt  }
0x7f: {  	_ =	shalt  }
0x80: {  	_ =	shalt  }
0x81: {  	_ =	shalt  }
0x82: {  	_ =	shalt  }
0x83: {  	_ =	shalt  }
0x84: {  	_ =	shalt  }
0x85: {  	_ =	shalt  }
0x86: {  	_ =	shalt  }
0x87: {  	_ =	shalt  }
.Lfunc_end0:
.L_simem_size_0:
called_computation.1_lowered:
.L_overlay_start_0:
0x88: {  	s2 =	sld [smem:$0x3FD9]  }
0x89: {  	s3 =	sld [smem:$0x3FFE];
	_ =	sdelay $0x1  }
0x8a: {  	s1 =	srdreg.scid  }
0x8b: {  	s0 =	sand.u32 $0x1, s1  }
0x8c: {  	s17 =	sshll.u32 s0, $0xA;
	s2 =	sadd.s32 s3, s2  }
0x8d: {  	s2 =	sadd.s32 s2, s17  }
0x8e: {  	[smem:$0x3FB9] =	sst s2  }
0x8f: {  	_ = 	snop  }
0x90: {  	s18 =	sld [smem:$0x3FC9];
	(tm) =	ssettm $0x1  }
0x91: {  	s19 =	sld [smem:$0x3FFB];
	_ =	sdelay $0x3  }
0x92: {  	_ =	strace s19  }
0x93: {  	s2 =	sld [smem:$0x3FFC];
	_ =	sdelay $0x3  }
0x94: {  	_ =	strace s2  }
0x95: {  	s2 =	sld [smem:$0x3FFD];
	_ =	sdelay $0x3  }
0x96: {  	_ =	strace s2  }
0x97: {  	_ =	strace $0x8FFFFFFF  }
0x98: {  	s20 =	sld [smem:$0x3FDB];
	_ =	sdelay $0x1  }
0x99: {  	s4 =	simm.s32 $_scs_section_size  }
0x9a: {  	s5 =	simm.s32 $_size__tile_overlayer_lowered;
	s6 =	simm.s32 $_tile_overlayer_lowered  }
0x9b: {  	s7 =	simm.s32 $0x1BFF;
	s21 =	sshll.u32 s6, $0x1;
	s4 =	sadd.s32 s4, s20  }
0x9c: {  	s22 =	simm.s32 $0x0;
	s5 =	sshll.u32 s5, $0x1;
	s6 =	sadd.s32 s21, s4  }
0x9d: {  	[timem:s22], [sflag:s7] =	dma.local [hbm:s6], s5  }
0x9e: {  	_ =	swait.ge [sflag:s7], s5  }
0x9f: {  	s5 =	ssub.s32 $0x0, s5;
	[sflag:s7] =	ssyncset.done $0x0  }
0xa0: {  	[sflag:s7] =	ssyncadd.s32 s5;
	_ =	sdelay $0x1  }
0xa1: {  	s23 =	simm.s32 $0x1B8B  }
0xa2: {  	_ =	swait.ge [sflag:s23], $0x1  }
0xa3: {  	[sflag:s23] =	ssyncset.done $0x0  }
0xa4: {  	[sflag:s23] =	ssyncadd.s32 $0xFFFFFFFF  }
0xa5: {  	s5 =	sld [smem:$0x0]  }
0xa6: {  	s6 =	sand.u32 $0xFFFFFFFE, s1  }
0xa7: {  	p0 =	sne.s32 s1, s6  }
0xa8: {  	s6 =	sshll.u32 @p0 s6, $0xE  }
0xa9: {  	s6 =	sadd.s32 @p0 $0x11B8D, s6;
	s7 =	sshll.u32 @p0 s5, $0x11  }
0xaa: {  	s6 =	sor.u32 @p0 s7, s6  }
0xab: {  	[sflag:s6] =	ssyncadd.remote.s32 @p0 $0x1;
	_ =	sdelay $0x1  }
0xac: {  	s6 =	simm.s32 @p0 $0x1B8D  }
0xad: {  	_ =	swait.eq @p0 [sflag:s6], $0x1  }
0xae: {  	[sflag:s6] =	ssyncadd.s32 @p0 $0xFFFFFFFF  }
0xaf: {  	s7 =	sshll.u32 @!p0 s1, $0xE  }
0xb0: {  	s7 =	sor.u32 @!p0 $0x4000, s7;
	s6 =	simm.s32 @!p0 $0x1B8D  }
0xb1: {  	s5 =	sshll.u32 @!p0 s5, $0x11;
	s7 =	sadd.s32 @!p0 $0x11B8D, s7;
	_ =	swait.eq @!p0 [sflag:s6], $0x1  }
0xb2: {  	s5 =	sor.u32 @!p0 s5, s7;
	[sflag:s6] =	ssyncadd.s32 @!p0 $0xFFFFFFFF  }
0xb3: {  	s25 =	simm.s32 $0x1B8E;
	s24 =	sld [smem:$0x3FFE];
	[sflag:s5] =	ssyncadd.remote.s32 @!p0 $0x1  }
0xb4: {  	s26 =	simm.s32 $execute0_lowered;
	[smem:$0x3FD2] =	sst s25  }
0xb5: {  	s6 =	sshll.u32 s26, $0x1;
	_ =	strace $0x80000049;
	[dreg:$0x1] =	wrdreg $0xFFFFFFFF  }
0xb6: {  	s28 =	simm.s32 $_size_execute0_lowered;
	s4 =	sadd.s32 s4, s6;
	[dreg:$0x0] =	wrdreg $0x0  }
0xb7: {  	s6 =	sshll.u32 s28, $0x1;
	[dreg:$0x2] =	wrdreg s4  }
0xb8: {  	[dreg:$0x3] =	wrdreg s6  }
0xb9: {  	[dreg:$0x4] =	wrdreg $0xC0  }
0xba: {  	_ =	task [dreg:s22], $0x5FFFF  }
0xbb: {  	[dreg:$0x1] =	wrdreg $0xFFFFFFFF  }
0xbc: {  	[dreg:$0x0] =	wrdreg $0x60  }
0xbd: {  	[dreg:$0x2] =	wrdreg s24  }
0xbe: {  	[dreg:$0x3] =	wrdreg s18  }
0xbf: {  	[dreg:$0x4] =	wrdreg $0xB2200  }
0xc0: {  	[dreg:$0x5] =	wrdreg $0xA  }
0xc1: {  	_ =	task.clear_ibuf [dreg:s22], $0x6FFFF;
	_ =	strace $0x90000049  }
0xc2: {  	s29 =	simm.s32 $0xA;
	_ =	strace $0x8000004B  }
0xc3: {  	_ =	swait.ge [sflag:s29], $0x1  }
0xc4: {  	[sflag:s29] =	ssyncadd.s32 $0xFFFFFFFF  }
0xc5: {  	_ =	strace $0x9000004B  }
0xc6: {  	_ =	sfence  }
0xc7: {  	s30 =	sld [smem:$0x0];
	_ =	sdelay $0x2  }
0xc8: {  	s31 =	sshll.u32 s1, $0xD;
	s1 =	sshrl.u32 s1, $0x2  }
0xc9: {  	s4 =	sand.u32 $0x4000, s31;
	s1 =	sadd.s32 s1, s30  }
0xca: {  	s0 =	sor.u32 s4, s0;
	s1 =	sshll.u32 s1, $0x11  }
0xcb: {  	s0 =	sor.u32 s1, s0  }
0xcc: {  	s0 =	sadd.s32 $0x8F2B, s0  }
0xcd: {  	[sflag:s0] =	ssyncadd.remote.s32 $0x1  }
0xce: {  	_ =	sfence.sel $0xFFFF  }
0xcf: {  	[dreg:$0x0] =	wrdreg $0xFFFFFFFF;
	(pc) =	sbr.abs _section_cstart, $3  }
0xd0: {  	[dreg:$0x1] =	wrdreg $0xFFFFFFFF  }
0xd1: {  	_ =	task.clear_ibuf [dreg:s22], $0x2FFFF;
	_ =	strace $0x9FFFFFFF  }
0xd2: {  	(tm) =	ssettm $0x7FFFFFFF  }
0xd3: {  	_ =	shalt  }
tec
execute0_lowered:
.L_overlay_start_1:
0x0: {  	(tag) =	ssettag $0x1  }
0x1: {  	s5 =	rddreg [dreg:$0x0]  }
0x2: {  	s0 =	srdreg.scid;
	s2 =	rddreg [dreg:$0x1]  }
0x3: {  	s8 =	stileid.u32;
	s3 =	rddreg [dreg:$0x2]  }
0x4: {  	s4 =	simm.s32 $0x0;
	s17 =	simm.s32 $0x4E20;
	s19 =	simm.s32 $0x1  }
0x5: {  	s20 =	simm.s32 $0x2;
	s21 =	simm.s32 $0x3;
	s22 =	simm.s32 $0x50  }
0x6: {  	s23 =	simm.s32 $0x7620;
	s24 =	simm.s32 $0x28;
	s25 =	simm.s32 $0x9E20  }
0x7: {  	s28 =	simm.s32 $0x26E8;
	s29 =	simm.s32 $0x4D58;
	s30 =	simm.s32 $0x4DA8  }
0x8: {  	s31 =	simm.s32 $0x4DF8;
	s0 =	sand.u32 $0x1, s0;
	s6 =	smul.u32 $0x14000, s8  }
0x9: {  	s1 =	sshll.u32 s8, $0x1;
	[smem:$0x7FF] =	sst s4;
	s8 =	smul.u32 $0x50000, s8  }
0xa: {  	s1 =	sor.u32 s0, s1;
	s7 =	smul.u32 $0x140000, s0;
	_ =	strace $0x8000004A  }
0xb: {  	s0 =	ssub.s32 $0x2, s0;
	s1 =	smul.u32 $0x2710, s1;
	s8 =	sshrl.u32 s8, $0x2  }
0xc: {  	s26 =	sshrl.u32 s0, $0x1;
	s7 =	sadd.s32 s6, s7;
	s12 =	sadd.s32 s8, s3  }
0xd: {  	s0 =	ssub.s32 s0, s26;
	s26 =	simm.s32 $0x4;
	s1 =	sshrl.u32 s1, $0x3  }
0xe: {  	s7 =	sshrl.u32 s7, $0x3;
	s8 =	sadd.s32 $0x7800, s12;
	s9 =	sadd.s32 $0xA000, s12  }
0xf: {  	s10 =	sadd.s32 $0xC800, s12;
	s11 =	sadd.s32 $0xF000, s12;
	s16 =	smax.u32 s0, $0x1  }
0x10: {  	s1 =	sadd.s32 s1, s5;
	s15 =	sadd.s32 s7, s5;
	s5 =	sadd.s32 s6, s3  }
0x11: {  	s6 =	sadd.s32 $0x2800, s12;
	s7 =	sadd.s32 $0x5000, s12;
	s12 =	sadd.s32 $0x11800, s12  }
0x12: {  	v0 =	vimm.f32 $0.0e+00;
	s13 =	sadd.s32 $0x4800, s1;
	s14 =	sadd.s32 $0xE440, s1;
	s15 =	sadd.s32 $0x18200, s15  }
.LBB2_1:
0x13: {  	s1 =	simm.s32 $0x0;
	s0 =	simm.s32 $0x200  }
.LBB2_2:
0x14: {  	p0 =	sne.s32 s0, $0x9E00;
	[tilespmem:s1+$0x4E90] =	vst v0  }
0x15: {  	[tilespmem:s1+$0x4E20] =	vst v0  }
0x16: {  	[tilespmem:s1+$0x4E30] =	vst v0  }
.Ltmp0:
0x17: {  	[tilespmem:s1+$0x4E40] =	vst v0;
	(pc) =	sbr.rel @p0 .LBB2_2-.Ltmp0, $4  }
0x18: {  	[tilespmem:s1+$0x4E50] =	vst v0  }
0x19: {  	[tilespmem:s1+$0x4E60] =	vst v0  }
0x1a: {  	[tilespmem:s1+$0x4E70] =	vst v0  }
0x1b: {  	[tilespmem:s1+$0x4E80] =	vst v0;
	s1 =	sshra.s32 s0, $0x2;
	s0 =	sadd.s32 $0x200, s0  }
0x1c: {  	[tilespmem:s1+$0x4E90] =	vst v0  }
0x1d: {  	[tilespmem:s1+$0x4E20] =	vst v0  }
0x1e: {  	[tilespmem:s1+$0x4E30] =	vst v0  }
0x1f: {  	[tilespmem:s1+$0x4E40] =	vst v0  }
0x20: {  	[tilespmem:s1+$0x4E50] =	vst v0  }
0x21: {  	[tilespmem:s1+$0x4E60] =	vst v0  }
0x22: {  	[tilespmem:s1+$0x4E70] =	vst v0  }
0x23: {  	[tilespmem:s1+$0x4E80] =	vst v0  }
0x24: {  	[spmem:s5] =	stream.linear.scatter [tilespmem:s17], [sflag:$0x1], $0x2800, $0x38;
	[tilespmem:$0x1F220] =	vst v63  }
0x25: {  	_ = 	snop  }
0x26: {  	[spmem:s6] =	stream.linear.scatter [tilespmem:s17], [sflag:$0x1], $0x2800, $0x38;
	[tilespmem:$0x1F220] =	vst v63  }
0x27: {  	_ = 	snop  }
0x28: {  	[spmem:s7] =	stream.linear.scatter [tilespmem:s17], [sflag:$0x1], $0x2800, $0x38;
	[tilespmem:$0x1F220] =	vst v63  }
0x29: {  	_ = 	snop  }
0x2a: {  	[spmem:s8] =	stream.linear.scatter [tilespmem:s17], [sflag:$0x1], $0x2800, $0x38;
	[tilespmem:$0x1F220] =	vst v63  }
0x2b: {  	_ = 	snop  }
0x2c: {  	[spmem:s9] =	stream.linear.scatter [tilespmem:s17], [sflag:$0x1], $0x2800, $0x38;
	[tilespmem:$0x1F220] =	vst v63  }
0x2d: {  	_ = 	snop  }
0x2e: {  	[spmem:s10] =	stream.linear.scatter [tilespmem:s17], [sflag:$0x1], $0x2800, $0x38;
	[tilespmem:$0x1F220] =	vst v63  }
0x2f: {  	_ = 	snop  }
0x30: {  	[spmem:s11] =	stream.linear.scatter [tilespmem:s17], [sflag:$0x1], $0x2800, $0x38;
	[tilespmem:$0x1F220] =	vst v63  }
0x31: {  	_ = 	snop  }
0x32: {  	[spmem:s12] =	stream.linear.scatter [tilespmem:s17], [sflag:$0x1], $0x2800, $0x38;
	[tilespmem:$0x1F220] =	vst v63  }
0x33: {  	s0 =	simm.s32 $0x0  }
0x34: {  	[tilespmem:s0], [sflag:$0x2] =	stream.linear.gather [hbm4b:s13+s0], $0x2710, $0x38;
	[tilespmem:$0x1F220] =	vst v63  }
0x35: {  	s18 =	simm.s32 $0x2710  }
0x36: {  	[tilespmem:s18], [sflag:$0x3] =	stream.linear.gather [hbm4b:s14+s0], $0x2710, $0x38;
	[tilespmem:$0x1F220] =	vst v63  }
0x37: {  	_ =	swait.ge [sflag:s19], $0x2800  }
0x38: {  	[sflag:s19] =	ssyncset.done $0x0  }
0x39: {  	[sflag:s19] =	ssyncadd.s32 $0xFFFFD800  }
0x3a: {  	_ =	swait.ge [sflag:s19], $0x2800  }
0x3b: {  	[sflag:s19] =	ssyncset.done $0x0  }
0x3c: {  	[sflag:s19] =	ssyncadd.s32 $0xFFFFD800  }
0x3d: {  	_ =	swait.ge [sflag:s19], $0x2800  }
0x3e: {  	[sflag:s19] =	ssyncset.done $0x0  }
0x3f: {  	[sflag:s19] =	ssyncadd.s32 $0xFFFFD800  }
0x40: {  	_ =	swait.ge [sflag:s19], $0x2800  }
0x41: {  	[sflag:s19] =	ssyncset.done $0x0  }
0x42: {  	[sflag:s19] =	ssyncadd.s32 $0xFFFFD800  }
0x43: {  	_ =	swait.ge [sflag:s19], $0x2800  }
0x44: {  	[sflag:s19] =	ssyncset.done $0x0  }
0x45: {  	[sflag:s19] =	ssyncadd.s32 $0xFFFFD800  }
0x46: {  	_ =	swait.ge [sflag:s19], $0x2800  }
0x47: {  	[sflag:s19] =	ssyncset.done $0x0  }
0x48: {  	[sflag:s19] =	ssyncadd.s32 $0xFFFFD800  }
0x49: {  	_ =	swait.ge [sflag:s19], $0x2800  }
0x4a: {  	[sflag:s19] =	ssyncset.done $0x0  }
0x4b: {  	[sflag:s19] =	ssyncadd.s32 $0xFFFFD800  }
0x4c: {  	_ =	swait.ge [sflag:s19], $0x2800  }
0x4d: {  	[sflag:s19] =	ssyncset.done $0x0  }
0x4e: {  	[sflag:s19] =	ssyncadd.s32 $0xFFFFD800  }
0x4f: {  	_ =	swait.ge [sflag:s20], $0x2710  }
0x50: {  	[sflag:s20] =	ssyncset.done $0x0  }
0x51: {  	[sflag:s20] =	ssyncadd.s32 $0xFFFFD8F0  }
0x52: {  	_ =	swait.ge [sflag:s21], $0x2710  }
0x53: {  	[sflag:s21] =	ssyncset.done $0x0  }
0x54: {  	[sflag:s21] =	ssyncadd.s32 $0xFFFFD8F0  }
0x55: {  	[bflag:$0x0] =	sbarrier.arrive $0xFFFF  }
0x56: {  	[tilespmem:s17], [sflag:$0x1] =	stream.indirect.gather [hbm4b:s2+s22], $0x80, s0, s22, $0xb8;
	[tilespmem:$0x1F220] =	vst v63  }
0x57: {  	_ = 	snop  }
0x58: {  	[tilespmem:s23], [sflag:$0x2] =	stream.indirect.gather [hbm4b:s2+s22], $0x80, s22, s22, $0xb8;
	[tilespmem:$0x1F220] =	vst v63  }
0x59: {  	_ =	swait.ge [sflag:s19], $0x2800  }
0x5a: {  	[sflag:s19] =	ssyncset.done $0x0  }
0x5b: {  	s1 =	simm.s32 $0xA0;
	[sflag:s19] =	ssyncadd.s32 $0xFFFFD800  }
0x5c: {  	[tilespmem:s25], [sflag:$0x3] =	stream.indirect.gather [hbm4b:s2+s24], $0x80, s1, s24, $0xb8;
	[tilespmem:$0x1F220] =	vst v63  }
0x5d: {  	s18 =	simm.s32 $0x2710  }
0x5e: {  	[spmem:s3] =	stream.indirect.scatter.add.f32 [tilespmem:s17], [sflag:$0x4], $0x80, s18, s22, $0xb8;
	[tilespmem:$0x1F220] =	vst v63  }
0x5f: {  	_ =	swait.ge [sflag:s26], $0x2800  }
0x60: {  	[sflag:s26] =	ssyncset.done $0x0  }
0x61: {  	[sflag:s26] =	ssyncadd.s32 $0xFFFFD800  }
0x62: {  	_ =	swait.ge [sflag:s20], $0x2800  }
0x63: {  	[sflag:s20] =	ssyncset.done $0x0  }
0x64: {  	s1 =	simm.s32 $0xC8;
	[sflag:s20] =	ssyncadd.s32 $0xFFFFD800  }
0x65: {  	[tilespmem:s17], [sflag:$0x1] =	stream.indirect.gather [hbm4b:s2+s22], $0x80, s1, s22, $0xb8;
	[tilespmem:$0x1F220] =	vst v63  }
0x66: {  	s18 =	simm.s32 $0x2760  }
0x67: {  	[spmem:s3] =	stream.indirect.scatter.add.f32 [tilespmem:s23], [sflag:$0x4], $0x80, s18, s22, $0xb8;
	[tilespmem:$0x1F220] =	vst v63  }
0x68: {  	_ =	swait.ge [sflag:s26], $0x2800  }
0x69: {  	[sflag:s26] =	ssyncset.done $0x0  }
0x6a: {  	[sflag:s26] =	ssyncadd.s32 $0xFFFFD800  }
0x6b: {  	_ =	swait.ge [sflag:s21], $0x1400  }
0x6c: {  	[sflag:s21] =	ssyncset.done $0x0  }
0x6d: {  	s1 =	simm.s32 $0x118;
	[sflag:s21] =	ssyncadd.s32 $0xFFFFEC00  }
0x6e: {  	[tilespmem:s23], [sflag:$0x2] =	stream.indirect.gather [hbm4b:s2+s22], $0x80, s1, s22, $0xb8;
	[tilespmem:$0x1F220] =	vst v63  }
0x6f: {  	s18 =	simm.s32 $0x27B0  }
0x70: {  	[spmem:s3] =	stream.indirect.scatter.add.f32 [tilespmem:s25], [sflag:$0x4], $0x80, s18, s24, $0xb8;
	[tilespmem:$0x1F220] =	vst v63  }
0x71: {  	_ =	swait.ge [sflag:s26], $0x1400  }
0x72: {  	s1 =	simm.s32 $0x320;
	[sflag:s26] =	ssyncset.done $0x0  }
.LBB2_4:
0x73: {  	p0 =	sne.s32 s1, $0x9600  }
0x74: {  	[sflag:s26] =	ssyncadd.s32 $0xFFFFEC00;
	s0 =	smov.u32 s1;
	s1 =	sadd.s32 $0x320, s1  }
0x75: {  	_ = 	snop  }
0x76: {  	_ =	swait.ge [sflag:s19], $0x2800  }
0x77: {  	s0 =	sshra.s32 s0, $0x2;
	[sflag:s19] =	ssyncset.done $0x0  }
0x78: {  	s18 =	sadd.s32 $0xA0, s0;
	[sflag:s19] =	ssyncadd.s32 $0xFFFFD800  }
0x79: {  	[tilespmem:s25], [sflag:$0x3] =	stream.indirect.gather [hbm4b:s2+s24], $0x80, s18, s24, $0xb8;
	[tilespmem:$0x1F220] =	vst v63  }
0x7a: {  	s18 =	sadd.s32 $0x2710, s0  }
0x7b: {  	[spmem:s3] =	stream.indirect.scatter.add.f32 [tilespmem:s17], [sflag:$0x4], $0x80, s18, s22, $0xb8;
	[tilespmem:$0x1F220] =	vst v63  }
0x7c: {  	_ =	swait.ge [sflag:s26], $0x2800  }
0x7d: {  	[sflag:s26] =	ssyncset.done $0x0  }
0x7e: {  	[sflag:s26] =	ssyncadd.s32 $0xFFFFD800  }
0x7f: {  	_ =	swait.ge [sflag:s20], $0x2800  }
0x80: {  	[sflag:s20] =	ssyncset.done $0x0  }
0x81: {  	s18 =	sadd.s32 $0xC8, s0;
	[sflag:s20] =	ssyncadd.s32 $0xFFFFD800  }
0x82: {  	[tilespmem:s17], [sflag:$0x1] =	stream.indirect.gather [hbm4b:s2+s22], $0x80, s18, s22, $0xb8;
	[tilespmem:$0x1F220] =	vst v63  }
0x83: {  	s18 =	sadd.s32 $0x2760, s0  }
0x84: {  	[spmem:s3] =	stream.indirect.scatter.add.f32 [tilespmem:s23], [sflag:$0x4], $0x80, s18, s22, $0xb8;
	[tilespmem:$0x1F220] =	vst v63  }
0x85: {  	_ =	swait.ge [sflag:s26], $0x2800  }
0x86: {  	[sflag:s26] =	ssyncset.done $0x0  }
0x87: {  	[sflag:s26] =	ssyncadd.s32 $0xFFFFD800  }
0x88: {  	_ =	swait.ge [sflag:s21], $0x1400  }
0x89: {  	[sflag:s21] =	ssyncset.done $0x0  }
0x8a: {  	s18 =	sadd.s32 $0x118, s0;
	[sflag:s21] =	ssyncadd.s32 $0xFFFFEC00  }
0x8b: {  	[tilespmem:s23], [sflag:$0x2] =	stream.indirect.gather [hbm4b:s2+s22], $0x80, s18, s22, $0xb8;
	[tilespmem:$0x1F220] =	vst v63  }
.Ltmp1:
0x8c: {  	_ = 	snop;
	(pc) =	sbr.rel @p0 .LBB2_4-.Ltmp1, $4  }
0x8d: {  	s0 =	sadd.s32 $0x27B0, s0  }
0x8e: {  	[spmem:s3] =	stream.indirect.scatter.add.f32 [tilespmem:s25], [sflag:$0x4], $0x80, s0, s24, $0xb8;
	[tilespmem:$0x1F220] =	vst v63  }
0x8f: {  	_ =	swait.ge [sflag:s26], $0x1400  }
0x90: {  	[sflag:s26] =	ssyncset.done $0x0  }
0x91: {  	[sflag:s26] =	ssyncadd.s32 $0xFFFFEC00  }
0x92: {  	_ =	swait.ge [sflag:s19], $0x2800  }
0x93: {  	[sflag:s19] =	ssyncset.done $0x0  }
0x94: {  	[sflag:s19] =	ssyncadd.s32 $0xFFFFD800  }
0x95: {  	[tilespmem:s25], [sflag:$0x3] =	stream.indirect.gather [hbm4b:s2+s24], $0x80, s28, s24, $0xb8;
	[tilespmem:$0x1F220] =	vst v63  }
0x96: {  	_ = 	snop  }
0x97: {  	[spmem:s3] =	stream.indirect.scatter.add.f32 [tilespmem:s17], [sflag:$0x4], $0x80, s29, s22, $0xb8;
	[tilespmem:$0x1F220] =	vst v63  }
0x98: {  	_ =	swait.ge [sflag:s26], $0x2800  }
0x99: {  	[sflag:s26] =	ssyncset.done $0x0  }
0x9a: {  	[sflag:s26] =	ssyncadd.s32 $0xFFFFD800  }
0x9b: {  	_ =	swait.ge [sflag:s20], $0x2800  }
0x9c: {  	[sflag:s20] =	ssyncset.done $0x0  }
0x9d: {  	[sflag:s20] =	ssyncadd.s32 $0xFFFFD800  }
0x9e: {  	[spmem:s3] =	stream.indirect.scatter.add.f32 [tilespmem:s23], [sflag:$0x4], $0x80, s30, s22, $0xb8;
	[tilespmem:$0x1F220] =	vst v63  }
0x9f: {  	_ =	swait.ge [sflag:s26], $0x2800  }
0xa0: {  	[sflag:s26] =	ssyncset.done $0x0  }
0xa1: {  	[sflag:s26] =	ssyncadd.s32 $0xFFFFD800  }
0xa2: {  	_ =	swait.ge [sflag:s21], $0x1400  }
0xa3: {  	[sflag:s21] =	ssyncset.done $0x0  }
0xa4: {  	[sflag:s21] =	ssyncadd.s32 $0xFFFFEC00  }
0xa5: {  	[spmem:s3] =	stream.indirect.scatter.add.f32 [tilespmem:s25], [sflag:$0x4], $0x80, s31, s24, $0xb8;
	[tilespmem:$0x1F220] =	vst v63  }
0xa6: {  	s0 =	stileid.u32;
	_ =	swait.ge [sflag:s26], $0x1400  }
0xa7: {  	s1 =	sshrl.u32 s5, $0x3;
	s4 =	sadd.s32 $0x1, s4;
	[sflag:s26] =	ssyncset.done $0x0  }
0xa8: {  	s0 =	sshll.u32 s0, $0x6;
	p0 =	sne.s32 s4, s16;
	[sflag:s26] =	ssyncadd.s32 $0xFFFFEC00  }
.Ltmp2:
0xa9: {  	s0 =	sor.u32 $0x1C04, s0;
	[bflag:$0x0] =	sbarrier.arrive $0xFFFF;
	(pc) =	sbr.rel @p0 .LBB2_1-.Ltmp2, $4  }
0xaa: {  	[hbm:s15], [sflag:s0] =	dma.local [spmem:s1], $0x2800  }
0xab: {  	_ =	swait.ge [sflag:s26], $0x2800  }
0xac: {  	[sflag:s26] =	ssyncset.done $0x0  }
0xad: {  	[sflag:s26] =	ssyncadd.s32 $0xFFFFD800  }
0xae: {  	_ =	sfence.sel $0x180000  }
0xaf: {  	[bflag:$0x0] =	sbarrier.arrive $0xFFFF  }
0xb0: {  	_ =	strace $0x9000004A  }
0xb1: {  	s0 =	stileid.u32;
	[bflag:$0x2] =	sbarrier.arrive $0xFFFF  }
0xb2: {  	p0 =	sne.s32 s0, $0x0;
	s0 =	rddreg [dreg:$0x3]  }
0xb3: {  	s0 =	sadd.s32 @!p0 $0x100000, s0  }
0xb4: {  	[sflag:s0] =	ssyncadd.tile.s32 @!p0 $0x1;
	_ =	shalt  }
.Lfunc_end2:
_tile_overlayer_lowered:
.L_overlay_start_2:
0xb5: {  	(tag) =	ssettag $0x2  }
0xb6: {  	s0 =	rddreg [dreg:$0x0];
	s2 =	stileid.u32  }
0xb7: {  	s1 =	rddreg [dreg:$0x1];
	p0 =	sne.s32 s2, $0x0  }
0xb8: {  	s3 =	rddreg [dreg:$0x2];
	[bflag:$0x3] =	sbarrier.arrive $0xFFFF;
	s2 =	simm.s32 @!p0 $0x1C04  }
0xb9: {  	[timem:s3], [sflag:s2] =	dma.local @!p0 [hbm:s0], s1  }
0xba: {  	s0 =	simm.s32 @!p0 $0x4  }
0xbb: {  	_ =	swait.ge @!p0 [sflag:s0], s1  }
0xbc: {  	s1 =	ssub.s32 @!p0 $0x0, s1;
	[sflag:s0] =	ssyncset.done @!p0 $0x0  }
0xbd: {  	[sflag:s0] =	ssyncadd.s32 @!p0 s1  }
0xbe: {  	[bflag:$0x3] =	sbarrier.arrive $0xFFFF  }
0xbf: {  	_ =	shalt  }

// kernel: kernel.15.cloned.1.call-start
scs
__scs_entry_jumppad:
0x0: {  	(pc) =	sbr.rel $0x88, $3  }
0x1: {  	(tag) =	ssettag $0x0;
	lr =	simm.s32 $0x1  }
0x2: {  	[smem:$0x3F92] =	sst lr;
	_ =	strace $0xD0000000  }
0x3: {  	_ = 	snop  }
0x4: {  	_ = 	snop  }
0x5: {  	_ = 	snop  }
0x6: {  	_ = 	snop  }
0x7: {  	_ = 	snop  }
__scs_overlays_trampoline_lowered:
0x8: {  	[smem:$0x3FA1] =	sst s0  }
0x9: {  	[smem:$0x3FA2] =	sst s1  }
0xa: {  	[smem:$0x3FA3] =	sst s2  }
0xb: {  	[smem:$0x3FA4] =	sst s3  }
0xc: {  	[smem:$0x3FA5] =	sst s4  }
0xd: {  	[smem:$0x3FA6] =	sst s5  }
0xe: {  	[smem:$0x3FA7] =	sst s6  }
0xf: {  	[smem:$0x3FA8] =	sst s7  }
0x10: {  	[smem:$0x3FA9] =	sst s8  }
0x11: {  	[smem:$0x3FAA] =	sst s9;
	s0 =	simm.s32 @!p0 $0x0  }
0x12: {  	s1 =	sld [smem:$0x3F90];
	s0 =	simm.s32 @p0 $0x1  }
0x13: {  	[smem:$0x3FAB] =	sst s0;
	s0 =	simm.s32 @!p1 $0x0  }
0x14: {  	s2 =	sld [smem:$0x3F8F];
	s0 =	simm.s32 @p1 $0x1  }
0x15: {  	[smem:$0x3FAC] =	sst s0;
	s0 =	simm.s32 @!p2 $0x0  }
0x16: {  	s3 =	sld [smem:$0x3FDB];
	s0 =	simm.s32 @p2 $0x1  }
0x17: {  	s4 =	simm.s32 $0x1BF5;
	[smem:$0x3FAE] =	sst s0  }
0x18: {  	s0 =	sld [smem:$0x3F91];
	_ =	swait.ge [sflag:s4], $0x0  }
0x19: {  	s7 =	sld [smem:$0x3F92]  }
0x1a: {  	s8 =	sadd.s32 $0xFFFFE003, lr  }
0x1b: {  	s9 =	sadd.s32 $0xFFFFFEF7, lr;
	s5 =	simm.s32 $0xFFFFFFFF;
	p2 =	slt.u32 s8, $0xFFFFF086  }
0x1c: {  	p1 =	slt.u32 s9, $0xF7A;
	s5 =	simm.s32 @!p2 $0x0  }
0x1d: {  	s5 =	simm.s32 @p1 $0x1;
	p0 =	seq.s32 s7, s2  }
0x1e: {  	s7 =	smul.u32 @!p0 $0xF7A, s2;
	p2 =	seq.s32 @!p0 s5, $0x0  }
0x1f: {  	s9 =	smul.u32 $0xF7A, s1;
	s8 =	simm.s32 @!p0 $0x1BF5;
	p2 =	por !p2, p0  }
0x20: {  	[sflag:s8] =	ssyncset.s32 @!p0 $0xFFFFF086;
	s6 =	sadd.s32 @!p0 s3, s7;
	s7 =	simm.s32 @!p0 $0x108  }
0x21: {  	s3 =	sadd.s32 s3, s9;
	s6 =	sadd.s32 @!p0 $0x88, s6;
	s7 =	simm.s32 @p2 $0x1082  }
0x22: {  	[simem:s7], [sflag:s8] =	dma.local @!p0 [hbm:s6], $0xF7A  }
0x23: {  	s9 =	sor.u32 $0xD0000000, s2;
	s6 =	simm.s32 $0x108;
	_ =	swait.ge @!p0 [sflag:s8], $0x0  }
0x24: {  	s3 =	sadd.s32 $0x88, s3;
	s6 =	simm.s32 @!p1 $0x1082;
	[sflag:s4] =	ssyncset.s32 $0xFFFFF086  }
0x25: {  	[simem:s6], [sflag:s4] =	dma.local [hbm:s3], $0xF7A  }
0x26: {  	[smem:$0x3F92] =	sst s1;
	(tag) =	ssettag s2;
	_ =	strace s9  }
0x27: {  	s1 =	sld [smem:$0x3FA2]  }
0x28: {  	s2 =	sld [smem:$0x3FA3]  }
0x29: {  	s4 =	sld [smem:$0x3FA5]  }
0x2a: {  	p0 =	seq.s32 s5, $0x0;
	s5 =	sld [smem:$0x3FA6]  }
0x2b: {  	s6 =	sld [smem:$0x3FA7]  }
0x2c: {  	s7 =	sld [smem:$0x3FA8]  }
0x2d: {  	s3 =	simm.s32 $0x108;
	s8 =	sld [smem:$0x3FA9]  }
0x2e: {  	s3 =	simm.s32 @!p0 $0x1082;
	s9 =	sld [smem:$0x3FAA]  }
0x2f: {  	lr =	sadd.s32 s0, s3;
	s0 =	sld [smem:$0x3FA1]  }
0x30: {  	s3 =	sld [smem:$0x3FA4]  }
0x31: {  	[smem:$0x3FAD] =	sst s10  }
0x32: {  	s10 =	sld [smem:$0x3FAB];
	_ =	sdelay $0x3  }
0x33: {  	p0 =	seq.s32 s10, $0x1;
	s10 =	sld [smem:$0x3FAD];
	_ =	sdelay $0x3  }
0x34: {  	[smem:$0x3FAD] =	sst s10  }
0x35: {  	s10 =	sld [smem:$0x3FAC];
	_ =	sdelay $0x3  }
0x36: {  	p1 =	seq.s32 s10, $0x1;
	s10 =	sld [smem:$0x3FAD];
	_ =	sdelay $0x3  }
0x37: {  	[smem:$0x3FAD] =	sst s10  }
0x38: {  	s10 =	sld [smem:$0x3FAE]  }
0x39: {  	_ = 	snop;
	(pc) =	sbr.ind lr, $3  }
0x3a: {  	_ = 	snop  }
0x3b: {  	_ = 	snop  }
0x3c: {  	p2 =	seq.s32 s10, $0x1;
	s10 =	sld [smem:$0x3FAD]  }
0x3d: {  	_ =	shalt  }
0x3e: {  	_ =	shalt  }
0x3f: {  	_ =	shalt  }
0x40: {  	_ =	shalt  }
0x41: {  	_ =	shalt  }
0x42: {  	_ =	shalt  }
0x43: {  	_ =	shalt  }
0x44: {  	_ =	shalt  }
0x45: {  	_ =	shalt  }
0x46: {  	_ =	shalt  }
0x47: {  	_ =	shalt  }
0x48: {  	_ =	shalt  }
0x49: {  	_ =	shalt  }
0x4a: {  	_ =	shalt  }
0x4b: {  	_ =	shalt  }
0x4c: {  	_ =	shalt  }
0x4d: {  	_ =	shalt  }
0x4e: {  	_ =	shalt  }
0x4f: {  	_ =	shalt  }
0x50: {  	_ =	shalt  }
0x51: {  	_ =	shalt  }
0x52: {  	_ =	shalt  }
0x53: {  	_ =	shalt  }
0x54: {  	_ =	shalt  }
0x55: {  	_ =	shalt  }
0x56: {  	_ =	shalt  }
0x57: {  	_ =	shalt  }
0x58: {  	_ =	shalt  }
0x59: {  	_ =	shalt  }
0x5a: {  	_ =	shalt  }
0x5b: {  	_ =	shalt  }
0x5c: {  	_ =	shalt  }
0x5d: {  	_ =	shalt  }
0x5e: {  	_ =	shalt  }
0x5f: {  	_ =	shalt  }
0x60: {  	_ =	shalt  }
0x61: {  	_ =	shalt  }
0x62: {  	_ =	shalt  }
0x63: {  	_ =	shalt  }
0x64: {  	_ =	shalt  }
0x65: {  	_ =	shalt  }
0x66: {  	_ =	shalt  }
0x67: {  	_ =	shalt  }
0x68: {  	_ =	shalt  }
0x69: {  	_ =	shalt  }
0x6a: {  	_ =	shalt  }
0x6b: {  	_ =	shalt  }
0x6c: {  	_ =	shalt  }
0x6d: {  	_ =	shalt  }
0x6e: {  	_ =	shalt  }
0x6f: {  	_ =	shalt  }
0x70: {  	_ =	shalt  }
0x71: {  	_ =	shalt  }
0x72: {  	_ =	shalt  }
0x73: {  	_ =	shalt  }
0x74: {  	_ =	shalt  }
0x75: {  	_ =	shalt  }
0x76: {  	_ =	shalt  }
0x77: {  	_ =	shalt  }
0x78: {  	_ =	shalt  }
0x79: {  	_ =	shalt  }
0x7a: {  	_ =	shalt  }
0x7b: {  	_ =	shalt  }
0x7c: {  	_ =	shalt  }
0x7d: {  	_ =	shalt  }
0x7e: {  	_ =	shalt  }
0x7f: {  	_ =	shalt  }
0x80: {  	_ =	shalt  }
0x81: {  	_ =	shalt  }
0x82: {  	_ =	shalt  }
0x83: {  	_ =	shalt  }
0x84: {  	_ =	shalt  }
0x85: {  	_ =	shalt  }
0x86: {  	_ =	shalt  }
0x87: {  	_ =	shalt  }
.Lfunc_end0:
.L_simem_size_0:
called_computation.2_lowered:
.L_overlay_start_0:
0x88: {  	s2 =	sld [smem:$0x3FD9]  }
0x89: {  	s3 =	sld [smem:$0x3FFE];
	_ =	sdelay $0x1  }
0x8a: {  	s1 =	srdreg.scid  }
0x8b: {  	s0 =	sand.u32 $0x1, s1  }
0x8c: {  	s17 =	sshll.u32 s0, $0xA;
	s2 =	sadd.s32 s3, s2  }
0x8d: {  	s2 =	sadd.s32 s2, s17  }
0x8e: {  	[smem:$0x3FB9] =	sst s2  }
0x8f: {  	_ = 	snop  }
0x90: {  	s2 =	sld [smem:$0x3FD0];
	(tm) =	ssettm $0x1  }
0x91: {  	s18 =	sld [smem:$0x3FFB];
	_ =	sdelay $0x3  }
0x92: {  	_ =	strace s18  }
0x93: {  	s3 =	sld [smem:$0x3FFC];
	_ =	sdelay $0x3  }
0x94: {  	_ =	strace s3  }
0x95: {  	s3 =	sld [smem:$0x3FFD];
	_ =	sdelay $0x3  }
0x96: {  	_ =	strace s3  }
0x97: {  	_ =	strace $0x8FFFFFFF  }
0x98: {  	s19 =	sld [smem:$0x3FDB];
	_ =	sdelay $0x1  }
0x99: {  	s4 =	simm.s32 $_scs_section_size  }
0x9a: {  	s5 =	simm.s32 $_size__tile_overlayer_lowered;
	s6 =	simm.s32 $_tile_overlayer_lowered  }
0x9b: {  	s22 =	simm.s32 $0x1BFF;
	s21 =	sshll.u32 s6, $0x1;
	s3 =	sadd.s32 s4, s19  }
0x9c: {  	s7 =	simm.s32 $0x0;
	s20 =	sshll.u32 s5, $0x1;
	s5 =	sadd.s32 s21, s3  }
0x9d: {  	[timem:s7], [sflag:s22] =	dma.local [hbm:s5], s20  }
0x9e: {  	_ =	swait.ge [sflag:s22], s20  }
0x9f: {  	s4 =	ssub.s32 $0x0, s20;
	[sflag:s22] =	ssyncset.done $0x0  }
0xa0: {  	[sflag:s22] =	ssyncadd.s32 s4;
	_ =	sdelay $0x1  }
0xa1: {  	s23 =	simm.s32 $0x1B8B  }
0xa2: {  	_ =	swait.ge [sflag:s23], $0x1  }
0xa3: {  	[sflag:s23] =	ssyncset.done $0x0  }
0xa4: {  	s25 =	simm.s32 $0x1B8E;
	s24 =	sld [smem:$0x3FFE];
	[sflag:s23] =	ssyncadd.s32 $0xFFFFFFFF  }
0xa5: {  	s26 =	simm.s32 $execute0_lowered;
	[smem:$0x3FD2] =	sst s25  }
0xa6: {  	s5 =	sshll.u32 s26, $0x1;
	_ =	strace $0x8000004C;
	[dreg:$0x1] =	wrdreg $0xFFFFFFFF  }
0xa7: {  	s28 =	simm.s32 $_size_execute0_lowered;
	s3 =	sadd.s32 s3, s5;
	[dreg:$0x0] =	wrdreg $0x0  }
0xa8: {  	s5 =	sshll.u32 s28, $0x1;
	[dreg:$0x2] =	wrdreg s3  }
0xa9: {  	[dreg:$0x3] =	wrdreg s5  }
0xaa: {  	[dreg:$0x4] =	wrdreg $0xC0  }
0xab: {  	_ =	task [dreg:s7], $0x5FFFF  }
0xac: {  	[dreg:$0x1] =	wrdreg $0xFFFFFFFF  }
0xad: {  	[dreg:$0x0] =	wrdreg $0x60  }
0xae: {  	[dreg:$0x2] =	wrdreg s24  }
0xaf: {  	[dreg:$0x3] =	wrdreg s2  }
0xb0: {  	[dreg:$0x4] =	wrdreg $0xB2200  }
0xb1: {  	[dreg:$0x5] =	wrdreg $0x9  }
0xb2: {  	_ =	task.clear_ibuf [dreg:s7], $0x6FFFF;
	_ =	strace $0x9000004C  }
0xb3: {  	s29 =	simm.s32 $0x9;
	_ =	strace $0x8000004E  }
0xb4: {  	_ =	swait.ge [sflag:s29], $0x1  }
0xb5: {  	[sflag:s29] =	ssyncadd.s32 $0xFFFFFFFF  }
0xb6: {  	_ =	strace $0x9000004E  }
0xb7: {  	_ =	sfence  }
0xb8: {  	s30 =	sld [smem:$0x0];
	_ =	sdelay $0x2  }
0xb9: {  	s31 =	sshll.u32 s1, $0xD;
	s1 =	sshrl.u32 s1, $0x2  }
0xba: {  	s3 =	sand.u32 $0x4000, s31;
	s1 =	sadd.s32 s1, s30  }
0xbb: {  	s0 =	sor.u32 s3, s0;
	s1 =	sshll.u32 s1, $0x11  }
0xbc: {  	s0 =	sor.u32 s1, s0  }
0xbd: {  	s0 =	sadd.s32 $0x8F2B, s0  }
0xbe: {  	[sflag:s0] =	ssyncadd.remote.s32 $0x1  }
0xbf: {  	_ =	sfence.sel $0xFFFF  }
0xc0: {  	[dreg:$0x0] =	wrdreg $0xFFFFFFFF;
	(pc) =	sbr.abs _section_cstart, $3  }
0xc1: {  	[dreg:$0x1] =	wrdreg $0xFFFFFFFF  }
0xc2: {  	_ =	task.clear_ibuf [dreg:s7], $0x2FFFF;
	_ =	strace $0x9FFFFFFF  }
0xc3: {  	(tm) =	ssettm $0x7FFFFFFF  }
tec
execute0_lowered:
.L_overlay_start_1:
0x0: {  	(tag) =	ssettag $0x1  }
0x1: {  	s5 =	rddreg [dreg:$0x0]  }
0x2: {  	s0 =	srdreg.scid;
	s2 =	rddreg [dreg:$0x1]  }
0x3: {  	s8 =	stileid.u32;
	s3 =	rddreg [dreg:$0x2]  }
0x4: {  	s4 =	simm.s32 $0x0;
	s17 =	simm.s32 $0x4E20;
	s19 =	simm.s32 $0x1  }
0x5: {  	s20 =	simm.s32 $0x2;
	s21 =	simm.s32 $0x3;
	s22 =	simm.s32 $0x50  }
0x6: {  	s23 =	simm.s32 $0x7620;
	s24 =	simm.s32 $0x28;
	s25 =	simm.s32 $0x9E20  }
0x7: {  	s28 =	simm.s32 $0x26E8;
	s29 =	simm.s32 $0x4D58;
	s30 =	simm.s32 $0x4DA8  }
0x8: {  	s31 =	simm.s32 $0x4DF8;
	s0 =	sand.u32 $0x1, s0;
	s6 =	smul.u32 $0x14000, s8  }
0x9: {  	s1 =	sshll.u32 s8, $0x1;
	[smem:$0x7FF] =	sst s4;
	s8 =	smul.u32 $0x50000, s8  }
0xa: {  	s1 =	sor.u32 s0, s1;
	s7 =	smul.u32 $0x140000, s0;
	_ =	strace $0x8000004D  }
0xb: {  	s0 =	ssub.s32 $0x2, s0;
	s1 =	smul.u32 $0x2710, s1;
	s8 =	sshrl.u32 s8, $0x2  }
0xc: {  	s26 =	sshrl.u32 s0, $0x1;
	s7 =	sadd.s32 s6, s7;
	s12 =	sadd.s32 s8, s3  }
0xd: {  	s0 =	ssub.s32 s0, s26;
	s26 =	simm.s32 $0x4;
	s1 =	sshrl.u32 s1, $0x3  }
0xe: {  	s7 =	sshrl.u32 s7, $0x3;
	s8 =	sadd.s32 $0x7800, s12;
	s9 =	sadd.s32 $0xA000, s12  }
0xf: {  	s10 =	sadd.s32 $0xC800, s12;
	s11 =	sadd.s32 $0xF000, s12;
	s16 =	smax.u32 s0, $0x1  }
0x10: {  	s1 =	sadd.s32 s1, s5;
	s15 =	sadd.s32 s7, s5;
	s5 =	sadd.s32 s6, s3  }
0x11: {  	s6 =	sadd.s32 $0x2800, s12;
	s7 =	sadd.s32 $0x5000, s12;
	s12 =	sadd.s32 $0x11800, s12  }
0x12: {  	v0 =	vimm.f32 $0.0e+00;
	s13 =	sadd.s32 $0x4800, s1;
	s14 =	sadd.s32 $0xE440, s1;
	s15 =	sadd.s32 $0x18200, s15  }
.LBB2_1:
0x13: {  	s1 =	simm.s32 $0x0;
	s0 =	simm.s32 $0x200  }
.LBB2_2:
0x14: {  	p0 =	sne.s32 s0, $0x9E00;
	[tilespmem:s1+$0x4E90] =	vst v0  }
0x15: {  	[tilespmem:s1+$0x4E20] =	vst v0  }
0x16: {  	[tilespmem:s1+$0x4E30] =	vst v0  }
.Ltmp0:
0x17: {  	[tilespmem:s1+$0x4E40] =	vst v0;
	(pc) =	sbr.rel @p0 .LBB2_2-.Ltmp0, $4  }
0x18: {  	[tilespmem:s1+$0x4E50] =	vst v0  }
0x19: {  	[tilespmem:s1+$0x4E60] =	vst v0  }
0x1a: {  	[tilespmem:s1+$0x4E70] =	vst v0  }
0x1b: {  	[tilespmem:s1+$0x4E80] =	vst v0;
	s1 =	sshra.s32 s0, $0x2;
	s0 =	sadd.s32 $0x200, s0  }
0x1c: {  	[tilespmem:s1+$0x4E90] =	vst v0  }
0x1d: {  	[tilespmem:s1+$0x4E20] =	vst v0  }
0x1e: {  	[tilespmem:s1+$0x4E30] =	vst v0  }
0x1f: {  	[tilespmem:s1+$0x4E40] =	vst v0  }
0x20: {  	[tilespmem:s1+$0x4E50] =	vst v0  }
0x21: {  	[tilespmem:s1+$0x4E60] =	vst v0  }
0x22: {  	[tilespmem:s1+$0x4E70] =	vst v0  }
0x23: {  	[tilespmem:s1+$0x4E80] =	vst v0  }
0x24: {  	[spmem:s5] =	stream.linear.scatter [tilespmem:s17], [sflag:$0x1], $0x2800, $0x38;
	[tilespmem:$0x1F220] =	vst v63  }
0x25: {  	_ = 	snop  }
0x26: {  	[spmem:s6] =	stream.linear.scatter [tilespmem:s17], [sflag:$0x1], $0x2800, $0x38;
	[tilespmem:$0x1F220] =	vst v63  }
0x27: {  	_ = 	snop  }
0x28: {  	[spmem:s7] =	stream.linear.scatter [tilespmem:s17], [sflag:$0x1], $0x2800, $0x38;
	[tilespmem:$0x1F220] =	vst v63  }
0x29: {  	_ = 	snop  }
0x2a: {  	[spmem:s8] =	stream.linear.scatter [tilespmem:s17], [sflag:$0x1], $0x2800, $0x38;
	[tilespmem:$0x1F220] =	vst v63  }
0x2b: {  	_ = 	snop  }
0x2c: {  	[spmem:s9] =	stream.linear.scatter [tilespmem:s17], [sflag:$0x1], $0x2800, $0x38;
	[tilespmem:$0x1F220] =	vst v63  }
0x2d: {  	_ = 	snop  }
0x2e: {  	[spmem:s10] =	stream.linear.scatter [tilespmem:s17], [sflag:$0x1], $0x2800, $0x38;
	[tilespmem:$0x1F220] =	vst v63  }
0x2f: {  	_ = 	snop  }
0x30: {  	[spmem:s11] =	stream.linear.scatter [tilespmem:s17], [sflag:$0x1], $0x2800, $0x38;
	[tilespmem:$0x1F220] =	vst v63  }
0x31: {  	_ = 	snop  }
0x32: {  	[spmem:s12] =	stream.linear.scatter [tilespmem:s17], [sflag:$0x1], $0x2800, $0x38;
	[tilespmem:$0x1F220] =	vst v63  }
0x33: {  	s0 =	simm.s32 $0x0  }
0x34: {  	[tilespmem:s0], [sflag:$0x2] =	stream.linear.gather [hbm4b:s13+s0], $0x2710, $0x38;
	[tilespmem:$0x1F220] =	vst v63  }
0x35: {  	s18 =	simm.s32 $0x2710  }
0x36: {  	[tilespmem:s18], [sflag:$0x3] =	stream.linear.gather [hbm4b:s14+s0], $0x2710, $0x38;
	[tilespmem:$0x1F220] =	vst v63  }
0x37: {  	_ =	swait.ge [sflag:s19], $0x2800  }
0x38: {  	[sflag:s19] =	ssyncset.done $0x0  }
0x39: {  	[sflag:s19] =	ssyncadd.s32 $0xFFFFD800  }
0x3a: {  	_ =	swait.ge [sflag:s19], $0x2800  }
0x3b: {  	[sflag:s19] =	ssyncset.done $0x0  }
0x3c: {  	[sflag:s19] =	ssyncadd.s32 $0xFFFFD800  }
0x3d: {  	_ =	swait.ge [sflag:s19], $0x2800  }
0x3e: {  	[sflag:s19] =	ssyncset.done $0x0  }
0x3f: {  	[sflag:s19] =	ssyncadd.s32 $0xFFFFD800  }
0x40: {  	_ =	swait.ge [sflag:s19], $0x2800  }
0x41: {  	[sflag:s19] =	ssyncset.done $0x0  }
0x42: {  	[sflag:s19] =	ssyncadd.s32 $0xFFFFD800  }
0x43: {  	_ =	swait.ge [sflag:s19], $0x2800  }
0x44: {  	[sflag:s19] =	ssyncset.done $0x0  }
0x45: {  	[sflag:s19] =	ssyncadd.s32 $0xFFFFD800  }
0x46: {  	_ =	swait.ge [sflag:s19], $0x2800  }
0x47: {  	[sflag:s19] =	ssyncset.done $0x0  }
0x48: {  	[sflag:s19] =	ssyncadd.s32 $0xFFFFD800  }
0x49: {  	_ =	swait.ge [sflag:s19], $0x2800  }
0x4a: {  	[sflag:s19] =	ssyncset.done $0x0  }
0x4b: {  	[sflag:s19] =	ssyncadd.s32 $0xFFFFD800  }
0x4c: {  	_ =	swait.ge [sflag:s19], $0x2800  }
0x4d: {  	[sflag:s19] =	ssyncset.done $0x0  }
0x4e: {  	[sflag:s19] =	ssyncadd.s32 $0xFFFFD800  }
0x4f: {  	_ =	swait.ge [sflag:s20], $0x2710  }
0x50: {  	[sflag:s20] =	ssyncset.done $0x0  }
0x51: {  	[sflag:s20] =	ssyncadd.s32 $0xFFFFD8F0  }
0x52: {  	_ =	swait.ge [sflag:s21], $0x2710  }
0x53: {  	[sflag:s21] =	ssyncset.done $0x0  }
0x54: {  	[sflag:s21] =	ssyncadd.s32 $0xFFFFD8F0  }
0x55: {  	[bflag:$0x0] =	sbarrier.arrive $0xFFFF  }
0x56: {  	[tilespmem:s17], [sflag:$0x1] =	stream.indirect.gather [hbm4b:s2+s22], $0x80, s0, s22, $0xb8;
	[tilespmem:$0x1F220] =	vst v63  }
0x57: {  	_ = 	snop  }
0x58: {  	[tilespmem:s23], [sflag:$0x2] =	stream.indirect.gather [hbm4b:s2+s22], $0x80, s22, s22, $0xb8;
	[tilespmem:$0x1F220] =	vst v63  }
0x59: {  	_ =	swait.ge [sflag:s19], $0x2800  }
0x5a: {  	[sflag:s19] =	ssyncset.done $0x0  }
0x5b: {  	s1 =	simm.s32 $0xA0;
	[sflag:s19] =	ssyncadd.s32 $0xFFFFD800  }
0x5c: {  	[tilespmem:s25], [sflag:$0x3] =	stream.indirect.gather [hbm4b:s2+s24], $0x80, s1, s24, $0xb8;
	[tilespmem:$0x1F220] =	vst v63  }
0x5d: {  	s18 =	simm.s32 $0x2710  }
0x5e: {  	[spmem:s3] =	stream.indirect.scatter.add.f32 [tilespmem:s17], [sflag:$0x4], $0x80, s18, s22, $0xb8;
	[tilespmem:$0x1F220] =	vst v63  }
0x5f: {  	_ =	swait.ge [sflag:s26], $0x2800  }
0x60: {  	[sflag:s26] =	ssyncset.done $0x0  }
0x61: {  	[sflag:s26] =	ssyncadd.s32 $0xFFFFD800  }
0x62: {  	_ =	swait.ge [sflag:s20], $0x2800  }
0x63: {  	[sflag:s20] =	ssyncset.done $0x0  }
0x64: {  	s1 =	simm.s32 $0xC8;
	[sflag:s20] =	ssyncadd.s32 $0xFFFFD800  }
0x65: {  	[tilespmem:s17], [sflag:$0x1] =	stream.indirect.gather [hbm4b:s2+s22], $0x80, s1, s22, $0xb8;
	[tilespmem:$0x1F220] =	vst v63  }
0x66: {  	s18 =	simm.s32 $0x2760  }
0x67: {  	[spmem:s3] =	stream.indirect.scatter.add.f32 [tilespmem:s23], [sflag:$0x4], $0x80, s18, s22, $0xb8;
	[tilespmem:$0x1F220] =	vst v63  }
0x68: {  	_ =	swait.ge [sflag:s26], $0x2800  }
0x69: {  	[sflag:s26] =	ssyncset.done $0x0  }
0x6a: {  	[sflag:s26] =	ssyncadd.s32 $0xFFFFD800  }
0x6b: {  	_ =	swait.ge [sflag:s21], $0x1400  }
0x6c: {  	[sflag:s21] =	ssyncset.done $0x0  }
0x6d: {  	s1 =	simm.s32 $0x118;
	[sflag:s21] =	ssyncadd.s32 $0xFFFFEC00  }
0x6e: {  	[tilespmem:s23], [sflag:$0x2] =	stream.indirect.gather [hbm4b:s2+s22], $0x80, s1, s22, $0xb8;
	[tilespmem:$0x1F220] =	vst v63  }
0x6f: {  	s18 =	simm.s32 $0x27B0  }
0x70: {  	[spmem:s3] =	stream.indirect.scatter.add.f32 [tilespmem:s25], [sflag:$0x4], $0x80, s18, s24, $0xb8;
	[tilespmem:$0x1F220] =	vst v63  }
0x71: {  	_ =	swait.ge [sflag:s26], $0x1400  }
0x72: {  	s1 =	simm.s32 $0x320;
	[sflag:s26] =	ssyncset.done $0x0  }
.LBB2_4:
0x73: {  	p0 =	sne.s32 s1, $0x9600  }
0x74: {  	[sflag:s26] =	ssyncadd.s32 $0xFFFFEC00;
	s0 =	smov.u32 s1;
	s1 =	sadd.s32 $0x320, s1  }
0x75: {  	_ = 	snop  }
0x76: {  	_ =	swait.ge [sflag:s19], $0x2800  }
0x77: {  	s0 =	sshra.s32 s0, $0x2;
	[sflag:s19] =	ssyncset.done $0x0  }
0x78: {  	s18 =	sadd.s32 $0xA0, s0;
	[sflag:s19] =	ssyncadd.s32 $0xFFFFD800  }
0x79: {  	[tilespmem:s25], [sflag:$0x3] =	stream.indirect.gather [hbm4b:s2+s24], $0x80, s18, s24, $0xb8;
	[tilespmem:$0x1F220] =	vst v63  }
0x7a: {  	s18 =	sadd.s32 $0x2710, s0  }
0x7b: {  	[spmem:s3] =	stream.indirect.scatter.add.f32 [tilespmem:s17], [sflag:$0x4], $0x80, s18, s22, $0xb8;
	[tilespmem:$0x1F220] =	vst v63  }
0x7c: {  	_ =	swait.ge [sflag:s26], $0x2800  }
0x7d: {  	[sflag:s26] =	ssyncset.done $0x0  }
0x7e: {  	[sflag:s26] =	ssyncadd.s32 $0xFFFFD800  }
0x7f: {  	_ =	swait.ge [sflag:s20], $0x2800  }
0x80: {  	[sflag:s20] =	ssyncset.done $0x0  }
0x81: {  	s18 =	sadd.s32 $0xC8, s0;
	[sflag:s20] =	ssyncadd.s32 $0xFFFFD800  }
0x82: {  	[tilespmem:s17], [sflag:$0x1] =	stream.indirect.gather [hbm4b:s2+s22], $0x80, s18, s22, $0xb8;
	[tilespmem:$0x1F220] =	vst v63  }
0x83: {  	s18 =	sadd.s32 $0x2760, s0  }
0x84: {  	[spmem:s3] =	stream.indirect.scatter.add.f32 [tilespmem:s23], [sflag:$0x4], $0x80, s18, s22, $0xb8;
	[tilespmem:$0x1F220] =	vst v63  }
0x85: {  	_ =	swait.ge [sflag:s26], $0x2800  }
0x86: {  	[sflag:s26] =	ssyncset.done $0x0  }
0x87: {  	[sflag:s26] =	ssyncadd.s32 $0xFFFFD800  }
0x88: {  	_ =	swait.ge [sflag:s21], $0x1400  }
0x89: {  	[sflag:s21] =	ssyncset.done $0x0  }
0x8a: {  	s18 =	sadd.s32 $0x118, s0;
	[sflag:s21] =	ssyncadd.s32 $0xFFFFEC00  }
0x8b: {  	[tilespmem:s23], [sflag:$0x2] =	stream.indirect.gather [hbm4b:s2+s22], $0x80, s18, s22, $0xb8;
	[tilespmem:$0x1F220] =	vst v63  }
.Ltmp1:
0x8c: {  	_ = 	snop;
	(pc) =	sbr.rel @p0 .LBB2_4-.Ltmp1, $4  }
0x8d: {  	s0 =	sadd.s32 $0x27B0, s0  }
0x8e: {  	[spmem:s3] =	stream.indirect.scatter.add.f32 [tilespmem:s25], [sflag:$0x4], $0x80, s0, s24, $0xb8;
	[tilespmem:$0x1F220] =	vst v63  }
0x8f: {  	_ =	swait.ge [sflag:s26], $0x1400  }
0x90: {  	[sflag:s26] =	ssyncset.done $0x0  }
0x91: {  	[sflag:s26] =	ssyncadd.s32 $0xFFFFEC00  }
0x92: {  	_ =	swait.ge [sflag:s19], $0x2800  }
0x93: {  	[sflag:s19] =	ssyncset.done $0x0  }
0x94: {  	[sflag:s19] =	ssyncadd.s32 $0xFFFFD800  }
0x95: {  	[tilespmem:s25], [sflag:$0x3] =	stream.indirect.gather [hbm4b:s2+s24], $0x80, s28, s24, $0xb8;
	[tilespmem:$0x1F220] =	vst v63  }
0x96: {  	_ = 	snop  }
0x97: {  	[spmem:s3] =	stream.indirect.scatter.add.f32 [tilespmem:s17], [sflag:$0x4], $0x80, s29, s22, $0xb8;
	[tilespmem:$0x1F220] =	vst v63  }
0x98: {  	_ =	swait.ge [sflag:s26], $0x2800  }
0x99: {  	[sflag:s26] =	ssyncset.done $0x0  }
0x9a: {  	[sflag:s26] =	ssyncadd.s32 $0xFFFFD800  }
0x9b: {  	_ =	swait.ge [sflag:s20], $0x2800  }
0x9c: {  	[sflag:s20] =	ssyncset.done $0x0  }
0x9d: {  	[sflag:s20] =	ssyncadd.s32 $0xFFFFD800  }
0x9e: {  	[spmem:s3] =	stream.indirect.scatter.add.f32 [tilespmem:s23], [sflag:$0x4], $0x80, s30, s22, $0xb8;
	[tilespmem:$0x1F220] =	vst v63  }
0x9f: {  	_ =	swait.ge [sflag:s26], $0x2800  }
0xa0: {  	[sflag:s26] =	ssyncset.done $0x0  }
0xa1: {  	[sflag:s26] =	ssyncadd.s32 $0xFFFFD800  }
0xa2: {  	_ =	swait.ge [sflag:s21], $0x1400  }
0xa3: {  	[sflag:s21] =	ssyncset.done $0x0  }
0xa4: {  	[sflag:s21] =	ssyncadd.s32 $0xFFFFEC00  }
0xa5: {  	[spmem:s3] =	stream.indirect.scatter.add.f32 [tilespmem:s25], [sflag:$0x4], $0x80, s31, s24, $0xb8;
	[tilespmem:$0x1F220] =	vst v63  }
0xa6: {  	s0 =	stileid.u32;
	_ =	swait.ge [sflag:s26], $0x1400  }
0xa7: {  	s1 =	sshrl.u32 s5, $0x3;
	s4 =	sadd.s32 $0x1, s4;
	[sflag:s26] =	ssyncset.done $0x0  }
0xa8: {  	s0 =	sshll.u32 s0, $0x6;
	p0 =	sne.s32 s4, s16;
	[sflag:s26] =	ssyncadd.s32 $0xFFFFEC00  }
.Ltmp2:
0xa9: {  	s0 =	sor.u32 $0x1C04, s0;
	[bflag:$0x0] =	sbarrier.arrive $0xFFFF;
	(pc) =	sbr.rel @p0 .LBB2_1-.Ltmp2, $4  }
0xaa: {  	[hbm:s15], [sflag:s0] =	dma.local [spmem:s1], $0x2800  }
0xab: {  	_ =	swait.ge [sflag:s26], $0x2800  }
0xac: {  	[sflag:s26] =	ssyncset.done $0x0  }
0xad: {  	[sflag:s26] =	ssyncadd.s32 $0xFFFFD800  }
0xae: {  	_ =	sfence.sel $0x180000  }
0xaf: {  	[bflag:$0x0] =	sbarrier.arrive $0xFFFF  }
0xb0: {  	_ =	strace $0x9000004D  }
0xb1: {  	s0 =	stileid.u32;
	[bflag:$0x2] =	sbarrier.arrive $0xFFFF  }
0xb2: {  	p0 =	sne.s32 s0, $0x0;
	s0 =	rddreg [dreg:$0x3]  }
0xb3: {  	s0 =	sadd.s32 @!p0 $0x100000, s0  }
0xb4: {  	[sflag:s0] =	ssyncadd.tile.s32 @!p0 $0x1;
	_ =	shalt  }
.Lfunc_end2:
_tile_overlayer_lowered:
.L_overlay_start_2:
0xb5: {  	(tag) =	ssettag $0x2  }
0xb6: {  	s0 =	rddreg [dreg:$0x0];
	s2 =	stileid.u32  }
0xb7: {  	s1 =	rddreg [dreg:$0x1];
	p0 =	sne.s32 s2, $0x0  }
0xb8: {  	s3 =	rddreg [dreg:$0x2];
	[bflag:$0x3] =	sbarrier.arrive $0xFFFF;
	s2 =	simm.s32 @!p0 $0x1C04  }
0xb9: {  	[timem:s3], [sflag:s2] =	dma.local @!p0 [hbm:s0], s1  }
0xba: {  	s0 =	simm.s32 @!p0 $0x4  }
0xbb: {  	_ =	swait.ge @!p0 [sflag:s0], s1  }
0xbc: {  	s1 =	ssub.s32 @!p0 $0x0, s1;
	[sflag:s0] =	ssyncset.done @!p0 $0x0  }
0xbd: {  	[sflag:s0] =	ssyncadd.s32 @!p0 s1  }
0xbe: {  	[bflag:$0x3] =	sbarrier.arrive $0xFFFF  }
0xbf: {  	_ =	shalt  }

// kernel: kernel.18.cloned.1.call-start
scs
__scs_entry_jumppad:
0x0: {  	(pc) =	sbr.rel $0x88, $3  }
0x1: {  	(tag) =	ssettag $0x0;
	lr =	simm.s32 $0x1  }
0x2: {  	[smem:$0x3F92] =	sst lr;
	_ =	strace $0xD0000000  }
0x3: {  	_ = 	snop  }
0x4: {  	_ = 	snop  }
0x5: {  	_ = 	snop  }
0x6: {  	_ = 	snop  }
0x7: {  	_ = 	snop  }
__scs_overlays_trampoline_lowered:
0x8: {  	[smem:$0x3FA1] =	sst s0  }
0x9: {  	[smem:$0x3FA2] =	sst s1  }
0xa: {  	[smem:$0x3FA3] =	sst s2  }
0xb: {  	[smem:$0x3FA4] =	sst s3  }
0xc: {  	[smem:$0x3FA5] =	sst s4  }
0xd: {  	[smem:$0x3FA6] =	sst s5  }
0xe: {  	[smem:$0x3FA7] =	sst s6  }
0xf: {  	[smem:$0x3FA8] =	sst s7  }
0x10: {  	[smem:$0x3FA9] =	sst s8  }
0x11: {  	[smem:$0x3FAA] =	sst s9;
	s0 =	simm.s32 @!p0 $0x0  }
0x12: {  	s1 =	sld [smem:$0x3F90];
	s0 =	simm.s32 @p0 $0x1  }
0x13: {  	[smem:$0x3FAB] =	sst s0;
	s0 =	simm.s32 @!p1 $0x0  }
0x14: {  	s2 =	sld [smem:$0x3F8F];
	s0 =	simm.s32 @p1 $0x1  }
0x15: {  	[smem:$0x3FAC] =	sst s0;
	s0 =	simm.s32 @!p2 $0x0  }
0x16: {  	s3 =	sld [smem:$0x3FDB];
	s0 =	simm.s32 @p2 $0x1  }
0x17: {  	s4 =	simm.s32 $0x1BF5;
	[smem:$0x3FAE] =	sst s0  }
0x18: {  	s0 =	sld [smem:$0x3F91];
	_ =	swait.ge [sflag:s4], $0x0  }
0x19: {  	s7 =	sld [smem:$0x3F92]  }
0x1a: {  	s8 =	sadd.s32 $0xFFFFE003, lr  }
0x1b: {  	s9 =	sadd.s32 $0xFFFFFEF7, lr;
	s5 =	simm.s32 $0xFFFFFFFF;
	p2 =	slt.u32 s8, $0xFFFFF086  }
0x1c: {  	p1 =	slt.u32 s9, $0xF7A;
	s5 =	simm.s32 @!p2 $0x0  }
0x1d: {  	s5 =	simm.s32 @p1 $0x1;
	p0 =	seq.s32 s7, s2  }
0x1e: {  	s7 =	smul.u32 @!p0 $0xF7A, s2;
	p2 =	seq.s32 @!p0 s5, $0x0  }
0x1f: {  	s9 =	smul.u32 $0xF7A, s1;
	s8 =	simm.s32 @!p0 $0x1BF5;
	p2 =	por !p2, p0  }
0x20: {  	[sflag:s8] =	ssyncset.s32 @!p0 $0xFFFFF086;
	s6 =	sadd.s32 @!p0 s3, s7;
	s7 =	simm.s32 @!p0 $0x108  }
0x21: {  	s3 =	sadd.s32 s3, s9;
	s6 =	sadd.s32 @!p0 $0x88, s6;
	s7 =	simm.s32 @p2 $0x1082  }
0x22: {  	[simem:s7], [sflag:s8] =	dma.local @!p0 [hbm:s6], $0xF7A  }
0x23: {  	s9 =	sor.u32 $0xD0000000, s2;
	s6 =	simm.s32 $0x108;
	_ =	swait.ge @!p0 [sflag:s8], $0x0  }
0x24: {  	s3 =	sadd.s32 $0x88, s3;
	s6 =	simm.s32 @!p1 $0x1082;
	[sflag:s4] =	ssyncset.s32 $0xFFFFF086  }
0x25: {  	[simem:s6], [sflag:s4] =	dma.local [hbm:s3], $0xF7A  }
0x26: {  	[smem:$0x3F92] =	sst s1;
	(tag) =	ssettag s2;
	_ =	strace s9  }
0x27: {  	s1 =	sld [smem:$0x3FA2]  }
0x28: {  	s2 =	sld [smem:$0x3FA3]  }
0x29: {  	s4 =	sld [smem:$0x3FA5]  }
0x2a: {  	p0 =	seq.s32 s5, $0x0;
	s5 =	sld [smem:$0x3FA6]  }
0x2b: {  	s6 =	sld [smem:$0x3FA7]  }
0x2c: {  	s7 =	sld [smem:$0x3FA8]  }
0x2d: {  	s3 =	simm.s32 $0x108;
	s8 =	sld [smem:$0x3FA9]  }
0x2e: {  	s3 =	simm.s32 @!p0 $0x1082;
	s9 =	sld [smem:$0x3FAA]  }
0x2f: {  	lr =	sadd.s32 s0, s3;
	s0 =	sld [smem:$0x3FA1]  }
0x30: {  	s3 =	sld [smem:$0x3FA4]  }
0x31: {  	[smem:$0x3FAD] =	sst s10  }
0x32: {  	s10 =	sld [smem:$0x3FAB];
	_ =	sdelay $0x3  }
0x33: {  	p0 =	seq.s32 s10, $0x1;
	s10 =	sld [smem:$0x3FAD];
	_ =	sdelay $0x3  }
0x34: {  	[smem:$0x3FAD] =	sst s10  }
0x35: {  	s10 =	sld [smem:$0x3FAC];
	_ =	sdelay $0x3  }
0x36: {  	p1 =	seq.s32 s10, $0x1;
	s10 =	sld [smem:$0x3FAD];
	_ =	sdelay $0x3  }
0x37: {  	[smem:$0x3FAD] =	sst s10  }
0x38: {  	s10 =	sld [smem:$0x3FAE]  }
0x39: {  	_ = 	snop;
	(pc) =	sbr.ind lr, $3  }
0x3a: {  	_ = 	snop  }
0x3b: {  	_ = 	snop  }
0x3c: {  	p2 =	seq.s32 s10, $0x1;
	s10 =	sld [smem:$0x3FAD]  }
0x3d: {  	_ =	shalt  }
0x3e: {  	_ =	shalt  }
0x3f: {  	_ =	shalt  }
0x40: {  	_ =	shalt  }
0x41: {  	_ =	shalt  }
0x42: {  	_ =	shalt  }
0x43: {  	_ =	shalt  }
0x44: {  	_ =	shalt  }
0x45: {  	_ =	shalt  }
0x46: {  	_ =	shalt  }
0x47: {  	_ =	shalt  }
0x48: {  	_ =	shalt  }
0x49: {  	_ =	shalt  }
0x4a: {  	_ =	shalt  }
0x4b: {  	_ =	shalt  }
0x4c: {  	_ =	shalt  }
0x4d: {  	_ =	shalt  }
0x4e: {  	_ =	shalt  }
0x4f: {  	_ =	shalt  }
0x50: {  	_ =	shalt  }
0x51: {  	_ =	shalt  }
0x52: {  	_ =	shalt  }
0x53: {  	_ =	shalt  }
0x54: {  	_ =	shalt  }
0x55: {  	_ =	shalt  }
0x56: {  	_ =	shalt  }
0x57: {  	_ =	shalt  }
0x58: {  	_ =	shalt  }
0x59: {  	_ =	shalt  }
0x5a: {  	_ =	shalt  }
0x5b: {  	_ =	shalt  }
0x5c: {  	_ =	shalt  }
0x5d: {  	_ =	shalt  }
0x5e: {  	_ =	shalt  }
0x5f: {  	_ =	shalt  }
0x60: {  	_ =	shalt  }
0x61: {  	_ =	shalt  }
0x62: {  	_ =	shalt  }
0x63: {  	_ =	shalt  }
0x64: {  	_ =	shalt  }
0x65: {  	_ =	shalt  }
0x66: {  	_ =	shalt  }
0x67: {  	_ =	shalt  }
0x68: {  	_ =	shalt  }
0x69: {  	_ =	shalt  }
0x6a: {  	_ =	shalt  }
0x6b: {  	_ =	shalt  }
0x6c: {  	_ =	shalt  }
0x6d: {  	_ =	shalt  }
0x6e: {  	_ =	shalt  }
0x6f: {  	_ =	shalt  }
0x70: {  	_ =	shalt  }
0x71: {  	_ =	shalt  }
0x72: {  	_ =	shalt  }
0x73: {  	_ =	shalt  }
0x74: {  	_ =	shalt  }
0x75: {  	_ =	shalt  }
0x76: {  	_ =	shalt  }
0x77: {  	_ =	shalt  }
0x78: {  	_ =	shalt  }
0x79: {  	_ =	shalt  }
0x7a: {  	_ =	shalt  }
0x7b: {  	_ =	shalt  }
0x7c: {  	_ =	shalt  }
0x7d: {  	_ =	shalt  }
0x7e: {  	_ =	shalt  }
0x7f: {  	_ =	shalt  }
0x80: {  	_ =	shalt  }
0x81: {  	_ =	shalt  }
0x82: {  	_ =	shalt  }
0x83: {  	_ =	shalt  }
0x84: {  	_ =	shalt  }
0x85: {  	_ =	shalt  }
0x86: {  	_ =	shalt  }
0x87: {  	_ =	shalt  }
.Lfunc_end0:
.L_simem_size_0:
called_computation.3_lowered:
.L_overlay_start_0:
0x88: {  	s2 =	sld [smem:$0x3FD9]  }
0x89: {  	s3 =	sld [smem:$0x3FFE];
	_ =	sdelay $0x1  }
0x8a: {  	s1 =	srdreg.scid  }
0x8b: {  	s0 =	sand.u32 $0x1, s1  }
0x8c: {  	s17 =	sshll.u32 s0, $0xA;
	s2 =	sadd.s32 s3, s2  }
0x8d: {  	s2 =	sadd.s32 s2, s17  }
0x8e: {  	[smem:$0x3FB9] =	sst s2  }
0x8f: {  	_ = 	snop  }
0x90: {  	s2 =	sld [smem:$0x3FD0];
	(tm) =	ssettm $0x1  }
0x91: {  	s18 =	sld [smem:$0x3FFB];
	_ =	sdelay $0x3  }
0x92: {  	_ =	strace s18  }
0x93: {  	s3 =	sld [smem:$0x3FFC];
	_ =	sdelay $0x3  }
0x94: {  	_ =	strace s3  }
0x95: {  	s3 =	sld [smem:$0x3FFD];
	_ =	sdelay $0x3  }
0x96: {  	_ =	strace s3  }
0x97: {  	_ =	strace $0x8FFFFFFF  }
0x98: {  	s19 =	sld [smem:$0x3FDB];
	_ =	sdelay $0x1  }
0x99: {  	s4 =	simm.s32 $_scs_section_size  }
0x9a: {  	s5 =	simm.s32 $_size__tile_overlayer_lowered;
	s6 =	simm.s32 $_tile_overlayer_lowered  }
0x9b: {  	s22 =	simm.s32 $0x1BFF;
	s21 =	sshll.u32 s6, $0x1;
	s3 =	sadd.s32 s4, s19  }
0x9c: {  	s7 =	simm.s32 $0x0;
	s20 =	sshll.u32 s5, $0x1;
	s5 =	sadd.s32 s21, s3  }
0x9d: {  	[timem:s7], [sflag:s22] =	dma.local [hbm:s5], s20  }
0x9e: {  	_ =	swait.ge [sflag:s22], s20  }
0x9f: {  	s4 =	ssub.s32 $0x0, s20;
	[sflag:s22] =	ssyncset.done $0x0  }
0xa0: {  	[sflag:s22] =	ssyncadd.s32 s4;
	_ =	sdelay $0x1  }
0xa1: {  	s23 =	simm.s32 $0x1B8B  }
0xa2: {  	_ =	swait.ge [sflag:s23], $0x1  }
0xa3: {  	[sflag:s23] =	ssyncset.done $0x0  }
0xa4: {  	s25 =	simm.s32 $0x1B8E;
	s24 =	sld [smem:$0x3FFE];
	[sflag:s23] =	ssyncadd.s32 $0xFFFFFFFF  }
0xa5: {  	s26 =	simm.s32 $execute0_lowered;
	[smem:$0x3FD2] =	sst s25  }
0xa6: {  	s5 =	sshll.u32 s26, $0x1;
	_ =	strace $0x8000004F;
	[dreg:$0x1] =	wrdreg $0xFFFFFFFF  }
0xa7: {  	s28 =	simm.s32 $_size_execute0_lowered;
	s3 =	sadd.s32 s3, s5;
	[dreg:$0x0] =	wrdreg $0x0  }
0xa8: {  	s5 =	sshll.u32 s28, $0x1;
	[dreg:$0x2] =	wrdreg s3  }
0xa9: {  	[dreg:$0x3] =	wrdreg s5  }
0xaa: {  	[dreg:$0x4] =	wrdreg $0xC0  }
0xab: {  	_ =	task [dreg:s7], $0x5FFFF  }
0xac: {  	[dreg:$0x1] =	wrdreg $0xFFFFFFFF  }
0xad: {  	[dreg:$0x0] =	wrdreg $0x60  }
0xae: {  	[dreg:$0x2] =	wrdreg s24  }
0xaf: {  	[dreg:$0x3] =	wrdreg s2  }
0xb0: {  	[dreg:$0x4] =	wrdreg $0xB2200  }
0xb1: {  	[dreg:$0x5] =	wrdreg $0x9  }
0xb2: {  	_ =	task.clear_ibuf [dreg:s7], $0x6FFFF;
	_ =	strace $0x9000004F  }
0xb3: {  	s29 =	simm.s32 $0x9;
	_ =	strace $0x80000051  }
0xb4: {  	_ =	swait.ge [sflag:s29], $0x1  }
0xb5: {  	[sflag:s29] =	ssyncadd.s32 $0xFFFFFFFF  }
0xb6: {  	_ =	strace $0x90000051  }
0xb7: {  	_ =	sfence  }
0xb8: {  	s30 =	sld [smem:$0x0];
	_ =	sdelay $0x2  }
0xb9: {  	s31 =	sshll.u32 s1, $0xD;
	s1 =	sshrl.u32 s1, $0x2  }
0xba: {  	s3 =	sand.u32 $0x4000, s31;
	s1 =	sadd.s32 s1, s30  }
0xbb: {  	s0 =	sor.u32 s3, s0;
	s1 =	sshll.u32 s1, $0x11  }
0xbc: {  	s0 =	sor.u32 s1, s0  }
0xbd: {  	s0 =	sadd.s32 $0x8F2B, s0  }
0xbe: {  	[sflag:s0] =	ssyncadd.remote.s32 $0x1  }
0xbf: {  	_ =	sfence.sel $0xFFFF  }
0xc0: {  	[dreg:$0x0] =	wrdreg $0xFFFFFFFF;
	(pc) =	sbr.abs _section_cstart, $3  }
0xc1: {  	[dreg:$0x1] =	wrdreg $0xFFFFFFFF  }
0xc2: {  	_ =	task.clear_ibuf [dreg:s7], $0x2FFFF;
	_ =	strace $0x9FFFFFFF  }
0xc3: {  	(tm) =	ssettm $0x7FFFFFFF  }
tec
execute0_lowered:
.L_overlay_start_1:
0x0: {  	(tag) =	ssettag $0x1  }
0x1: {  	s5 =	rddreg [dreg:$0x0]  }
0x2: {  	s0 =	srdreg.scid;
	s2 =	rddreg [dreg:$0x1]  }
0x3: {  	s8 =	stileid.u32;
	s3 =	rddreg [dreg:$0x2]  }
0x4: {  	s4 =	simm.s32 $0x0;
	s17 =	simm.s32 $0x4E20;
	s19 =	simm.s32 $0x1  }
0x5: {  	s20 =	simm.s32 $0x2;
	s21 =	simm.s32 $0x3;
	s22 =	simm.s32 $0x50  }
0x6: {  	s23 =	simm.s32 $0x7620;
	s24 =	simm.s32 $0x28;
	s25 =	simm.s32 $0x9E20  }
0x7: {  	s28 =	simm.s32 $0x26E8;
	s29 =	simm.s32 $0x4D58;
	s30 =	simm.s32 $0x4DA8  }
0x8: {  	s31 =	simm.s32 $0x4DF8;
	s0 =	sand.u32 $0x1, s0;
	s6 =	smul.u32 $0x14000, s8  }
0x9: {  	s1 =	sshll.u32 s8, $0x1;
	[smem:$0x7FF] =	sst s4;
	s8 =	smul.u32 $0x50000, s8  }
0xa: {  	s1 =	sor.u32 s0, s1;
	s7 =	smul.u32 $0x140000, s0;
	_ =	strace $0x80000050  }
0xb: {  	s0 =	ssub.s32 $0x2, s0;
	s1 =	smul.u32 $0x2710, s1;
	s8 =	sshrl.u32 s8, $0x2  }
0xc: {  	s26 =	sshrl.u32 s0, $0x1;
	s7 =	sadd.s32 s6, s7;
	s12 =	sadd.s32 s8, s3  }
0xd: {  	s0 =	ssub.s32 s0, s26;
	s26 =	simm.s32 $0x4;
	s1 =	sshrl.u32 s1, $0x3  }
0xe: {  	s7 =	sshrl.u32 s7, $0x3;
	s8 =	sadd.s32 $0x7800, s12;
	s9 =	sadd.s32 $0xA000, s12  }
0xf: {  	s10 =	sadd.s32 $0xC800, s12;
	s11 =	sadd.s32 $0xF000, s12;
	s16 =	smax.u32 s0, $0x1  }
0x10: {  	s1 =	sadd.s32 s1, s5;
	s15 =	sadd.s32 s7, s5;
	s5 =	sadd.s32 s6, s3  }
0x11: {  	s6 =	sadd.s32 $0x2800, s12;
	s7 =	sadd.s32 $0x5000, s12;
	s12 =	sadd.s32 $0x11800, s12  }
0x12: {  	v0 =	vimm.f32 $0.0e+00;
	s13 =	sadd.s32 $0x4800, s1;
	s14 =	sadd.s32 $0xE440, s1;
	s15 =	sadd.s32 $0x18200, s15  }
.LBB2_1:
0x13: {  	s1 =	simm.s32 $0x0;
	s0 =	simm.s32 $0x200  }
.LBB2_2:
0x14: {  	p0 =	sne.s32 s0, $0x9E00;
	[tilespmem:s1+$0x4E90] =	vst v0  }
0x15: {  	[tilespmem:s1+$0x4E20] =	vst v0  }
0x16: {  	[tilespmem:s1+$0x4E30] =	vst v0  }
.Ltmp0:
0x17: {  	[tilespmem:s1+$0x4E40] =	vst v0;
	(pc) =	sbr.rel @p0 .LBB2_2-.Ltmp0, $4  }
0x18: {  	[tilespmem:s1+$0x4E50] =	vst v0  }
0x19: {  	[tilespmem:s1+$0x4E60] =	vst v0  }
0x1a: {  	[tilespmem:s1+$0x4E70] =	vst v0  }
0x1b: {  	[tilespmem:s1+$0x4E80] =	vst v0;
	s1 =	sshra.s32 s0, $0x2;
	s0 =	sadd.s32 $0x200, s0  }
0x1c: {  	[tilespmem:s1+$0x4E90] =	vst v0  }
0x1d: {  	[tilespmem:s1+$0x4E20] =	vst v0  }
0x1e: {  	[tilespmem:s1+$0x4E30] =	vst v0  }
0x1f: {  	[tilespmem:s1+$0x4E40] =	vst v0  }
0x20: {  	[tilespmem:s1+$0x4E50] =	vst v0  }
0x21: {  	[tilespmem:s1+$0x4E60] =	vst v0  }
0x22: {  	[tilespmem:s1+$0x4E70] =	vst v0  }
0x23: {  	[tilespmem:s1+$0x4E80] =	vst v0  }
0x24: {  	[spmem:s5] =	stream.linear.scatter [tilespmem:s17], [sflag:$0x1], $0x2800, $0x38;
	[tilespmem:$0x1F220] =	vst v63  }
0x25: {  	_ = 	snop  }
0x26: {  	[spmem:s6] =	stream.linear.scatter [tilespmem:s17], [sflag:$0x1], $0x2800, $0x38;
	[tilespmem:$0x1F220] =	vst v63  }
0x27: {  	_ = 	snop  }
0x28: {  	[spmem:s7] =	stream.linear.scatter [tilespmem:s17], [sflag:$0x1], $0x2800, $0x38;
	[tilespmem:$0x1F220] =	vst v63  }
0x29: {  	_ = 	snop  }
0x2a: {  	[spmem:s8] =	stream.linear.scatter [tilespmem:s17], [sflag:$0x1], $0x2800, $0x38;
	[tilespmem:$0x1F220] =	vst v63  }
0x2b: {  	_ = 	snop  }
0x2c: {  	[spmem:s9] =	stream.linear.scatter [tilespmem:s17], [sflag:$0x1], $0x2800, $0x38;
	[tilespmem:$0x1F220] =	vst v63  }
0x2d: {  	_ = 	snop  }
0x2e: {  	[spmem:s10] =	stream.linear.scatter [tilespmem:s17], [sflag:$0x1], $0x2800, $0x38;
	[tilespmem:$0x1F220] =	vst v63  }
0x2f: {  	_ = 	snop  }
0x30: {  	[spmem:s11] =	stream.linear.scatter [tilespmem:s17], [sflag:$0x1], $0x2800, $0x38;
	[tilespmem:$0x1F220] =	vst v63  }
0x31: {  	_ = 	snop  }
0x32: {  	[spmem:s12] =	stream.linear.scatter [tilespmem:s17], [sflag:$0x1], $0x2800, $0x38;
	[tilespmem:$0x1F220] =	vst v63  }
0x33: {  	s0 =	simm.s32 $0x0  }
0x34: {  	[tilespmem:s0], [sflag:$0x2] =	stream.linear.gather [hbm4b:s13+s0], $0x2710, $0x38;
	[tilespmem:$0x1F220] =	vst v63  }
0x35: {  	s18 =	simm.s32 $0x2710  }
0x36: {  	[tilespmem:s18], [sflag:$0x3] =	stream.linear.gather [hbm4b:s14+s0], $0x2710, $0x38;
	[tilespmem:$0x1F220] =	vst v63  }
0x37: {  	_ =	swait.ge [sflag:s19], $0x2800  }
0x38: {  	[sflag:s19] =	ssyncset.done $0x0  }
0x39: {  	[sflag:s19] =	ssyncadd.s32 $0xFFFFD800  }
0x3a: {  	_ =	swait.ge [sflag:s19], $0x2800  }
0x3b: {  	[sflag:s19] =	ssyncset.done $0x0  }
0x3c: {  	[sflag:s19] =	ssyncadd.s32 $0xFFFFD800  }
0x3d: {  	_ =	swait.ge [sflag:s19], $0x2800  }
0x3e: {  	[sflag:s19] =	ssyncset.done $0x0  }
0x3f: {  	[sflag:s19] =	ssyncadd.s32 $0xFFFFD800  }
0x40: {  	_ =	swait.ge [sflag:s19], $0x2800  }
0x41: {  	[sflag:s19] =	ssyncset.done $0x0  }
0x42: {  	[sflag:s19] =	ssyncadd.s32 $0xFFFFD800  }
0x43: {  	_ =	swait.ge [sflag:s19], $0x2800  }
0x44: {  	[sflag:s19] =	ssyncset.done $0x0  }
0x45: {  	[sflag:s19] =	ssyncadd.s32 $0xFFFFD800  }
0x46: {  	_ =	swait.ge [sflag:s19], $0x2800  }
0x47: {  	[sflag:s19] =	ssyncset.done $0x0  }
0x48: {  	[sflag:s19] =	ssyncadd.s32 $0xFFFFD800  }
0x49: {  	_ =	swait.ge [sflag:s19], $0x2800  }
0x4a: {  	[sflag:s19] =	ssyncset.done $0x0  }
0x4b: {  	[sflag:s19] =	ssyncadd.s32 $0xFFFFD800  }
0x4c: {  	_ =	swait.ge [sflag:s19], $0x2800  }
0x4d: {  	[sflag:s19] =	ssyncset.done $0x0  }
0x4e: {  	[sflag:s19] =	ssyncadd.s32 $0xFFFFD800  }
0x4f: {  	_ =	swait.ge [sflag:s20], $0x2710  }
0x50: {  	[sflag:s20] =	ssyncset.done $0x0  }
0x51: {  	[sflag:s20] =	ssyncadd.s32 $0xFFFFD8F0  }
0x52: {  	_ =	swait.ge [sflag:s21], $0x2710  }
0x53: {  	[sflag:s21] =	ssyncset.done $0x0  }
0x54: {  	[sflag:s21] =	ssyncadd.s32 $0xFFFFD8F0  }
0x55: {  	[bflag:$0x0] =	sbarrier.arrive $0xFFFF  }
0x56: {  	[tilespmem:s17], [sflag:$0x1] =	stream.indirect.gather [hbm4b:s2+s22], $0x80, s0, s22, $0xb8;
	[tilespmem:$0x1F220] =	vst v63  }
0x57: {  	_ = 	snop  }
0x58: {  	[tilespmem:s23], [sflag:$0x2] =	stream.indirect.gather [hbm4b:s2+s22], $0x80, s22, s22, $0xb8;
	[tilespmem:$0x1F220] =	vst v63  }
0x59: {  	_ =	swait.ge [sflag:s19], $0x2800  }
0x5a: {  	[sflag:s19] =	ssyncset.done $0x0  }
0x5b: {  	s1 =	simm.s32 $0xA0;
	[sflag:s19] =	ssyncadd.s32 $0xFFFFD800  }
0x5c: {  	[tilespmem:s25], [sflag:$0x3] =	stream.indirect.gather [hbm4b:s2+s24], $0x80, s1, s24, $0xb8;
	[tilespmem:$0x1F220] =	vst v63  }
0x5d: {  	s18 =	simm.s32 $0x2710  }
0x5e: {  	[spmem:s3] =	stream.indirect.scatter.add.f32 [tilespmem:s17], [sflag:$0x4], $0x80, s18, s22, $0xb8;
	[tilespmem:$0x1F220] =	vst v63  }
0x5f: {  	_ =	swait.ge [sflag:s26], $0x2800  }
0x60: {  	[sflag:s26] =	ssyncset.done $0x0  }
0x61: {  	[sflag:s26] =	ssyncadd.s32 $0xFFFFD800  }
0x62: {  	_ =	swait.ge [sflag:s20], $0x2800  }
0x63: {  	[sflag:s20] =	ssyncset.done $0x0  }
0x64: {  	s1 =	simm.s32 $0xC8;
	[sflag:s20] =	ssyncadd.s32 $0xFFFFD800  }
0x65: {  	[tilespmem:s17], [sflag:$0x1] =	stream.indirect.gather [hbm4b:s2+s22], $0x80, s1, s22, $0xb8;
	[tilespmem:$0x1F220] =	vst v63  }
0x66: {  	s18 =	simm.s32 $0x2760  }
0x67: {  	[spmem:s3] =	stream.indirect.scatter.add.f32 [tilespmem:s23], [sflag:$0x4], $0x80, s18, s22, $0xb8;
	[tilespmem:$0x1F220] =	vst v63  }
0x68: {  	_ =	swait.ge [sflag:s26], $0x2800  }
0x69: {  	[sflag:s26] =	ssyncset.done $0x0  }
0x6a: {  	[sflag:s26] =	ssyncadd.s32 $0xFFFFD800  }
0x6b: {  	_ =	swait.ge [sflag:s21], $0x1400  }
0x6c: {  	[sflag:s21] =	ssyncset.done $0x0  }
0x6d: {  	s1 =	simm.s32 $0x118;
	[sflag:s21] =	ssyncadd.s32 $0xFFFFEC00  }
0x6e: {  	[tilespmem:s23], [sflag:$0x2] =	stream.indirect.gather [hbm4b:s2+s22], $0x80, s1, s22, $0xb8;
	[tilespmem:$0x1F220] =	vst v63  }
0x6f: {  	s18 =	simm.s32 $0x27B0  }
0x70: {  	[spmem:s3] =	stream.indirect.scatter.add.f32 [tilespmem:s25], [sflag:$0x4], $0x80, s18, s24, $0xb8;
	[tilespmem:$0x1F220] =	vst v63  }
0x71: {  	_ =	swait.ge [sflag:s26], $0x1400  }
0x72: {  	s1 =	simm.s32 $0x320;
	[sflag:s26] =	ssyncset.done $0x0  }
.LBB2_4:
0x73: {  	p0 =	sne.s32 s1, $0x9600  }
0x74: {  	[sflag:s26] =	ssyncadd.s32 $0xFFFFEC00;
	s0 =	smov.u32 s1;
	s1 =	sadd.s32 $0x320, s1  }
0x75: {  	_ = 	snop  }
0x76: {  	_ =	swait.ge [sflag:s19], $0x2800  }
0x77: {  	s0 =	sshra.s32 s0, $0x2;
	[sflag:s19] =	ssyncset.done $0x0  }
0x78: {  	s18 =	sadd.s32 $0xA0, s0;
	[sflag:s19] =	ssyncadd.s32 $0xFFFFD800  }
0x79: {  	[tilespmem:s25], [sflag:$0x3] =	stream.indirect.gather [hbm4b:s2+s24], $0x80, s18, s24, $0xb8;
	[tilespmem:$0x1F220] =	vst v63  }
0x7a: {  	s18 =	sadd.s32 $0x2710, s0  }
0x7b: {  	[spmem:s3] =	stream.indirect.scatter.add.f32 [tilespmem:s17], [sflag:$0x4], $0x80, s18, s22, $0xb8;
	[tilespmem:$0x1F220] =	vst v63  }
0x7c: {  	_ =	swait.ge [sflag:s26], $0x2800  }
0x7d: {  	[sflag:s26] =	ssyncset.done $0x0  }
0x7e: {  	[sflag:s26] =	ssyncadd.s32 $0xFFFFD800  }
0x7f: {  	_ =	swait.ge [sflag:s20], $0x2800  }
0x80: {  	[sflag:s20] =	ssyncset.done $0x0  }
0x81: {  	s18 =	sadd.s32 $0xC8, s0;
	[sflag:s20] =	ssyncadd.s32 $0xFFFFD800  }
0x82: {  	[tilespmem:s17], [sflag:$0x1] =	stream.indirect.gather [hbm4b:s2+s22], $0x80, s18, s22, $0xb8;
	[tilespmem:$0x1F220] =	vst v63  }
0x83: {  	s18 =	sadd.s32 $0x2760, s0  }
0x84: {  	[spmem:s3] =	stream.indirect.scatter.add.f32 [tilespmem:s23], [sflag:$0x4], $0x80, s18, s22, $0xb8;
	[tilespmem:$0x1F220] =	vst v63  }
0x85: {  	_ =	swait.ge [sflag:s26], $0x2800  }
0x86: {  	[sflag:s26] =	ssyncset.done $0x0  }
0x87: {  	[sflag:s26] =	ssyncadd.s32 $0xFFFFD800  }
0x88: {  	_ =	swait.ge [sflag:s21], $0x1400  }
0x89: {  	[sflag:s21] =	ssyncset.done $0x0  }
0x8a: {  	s18 =	sadd.s32 $0x118, s0;
	[sflag:s21] =	ssyncadd.s32 $0xFFFFEC00  }
0x8b: {  	[tilespmem:s23], [sflag:$0x2] =	stream.indirect.gather [hbm4b:s2+s22], $0x80, s18, s22, $0xb8;
	[tilespmem:$0x1F220] =	vst v63  }
.Ltmp1:
0x8c: {  	_ = 	snop;
	(pc) =	sbr.rel @p0 .LBB2_4-.Ltmp1, $4  }
0x8d: {  	s0 =	sadd.s32 $0x27B0, s0  }
0x8e: {  	[spmem:s3] =	stream.indirect.scatter.add.f32 [tilespmem:s25], [sflag:$0x4], $0x80, s0, s24, $0xb8;
	[tilespmem:$0x1F220] =	vst v63  }
0x8f: {  	_ =	swait.ge [sflag:s26], $0x1400  }
0x90: {  	[sflag:s26] =	ssyncset.done $0x0  }
0x91: {  	[sflag:s26] =	ssyncadd.s32 $0xFFFFEC00  }
0x92: {  	_ =	swait.ge [sflag:s19], $0x2800  }
0x93: {  	[sflag:s19] =	ssyncset.done $0x0  }
0x94: {  	[sflag:s19] =	ssyncadd.s32 $0xFFFFD800  }
0x95: {  	[tilespmem:s25], [sflag:$0x3] =	stream.indirect.gather [hbm4b:s2+s24], $0x80, s28, s24, $0xb8;
	[tilespmem:$0x1F220] =	vst v63  }
0x96: {  	_ = 	snop  }
0x97: {  	[spmem:s3] =	stream.indirect.scatter.add.f32 [tilespmem:s17], [sflag:$0x4], $0x80, s29, s22, $0xb8;
	[tilespmem:$0x1F220] =	vst v63  }
0x98: {  	_ =	swait.ge [sflag:s26], $0x2800  }
0x99: {  	[sflag:s26] =	ssyncset.done $0x0  }
0x9a: {  	[sflag:s26] =	ssyncadd.s32 $0xFFFFD800  }
0x9b: {  	_ =	swait.ge [sflag:s20], $0x2800  }
0x9c: {  	[sflag:s20] =	ssyncset.done $0x0  }
0x9d: {  	[sflag:s20] =	ssyncadd.s32 $0xFFFFD800  }
0x9e: {  	[spmem:s3] =	stream.indirect.scatter.add.f32 [tilespmem:s23], [sflag:$0x4], $0x80, s30, s22, $0xb8;
	[tilespmem:$0x1F220] =	vst v63  }
0x9f: {  	_ =	swait.ge [sflag:s26], $0x2800  }
0xa0: {  	[sflag:s26] =	ssyncset.done $0x0  }
0xa1: {  	[sflag:s26] =	ssyncadd.s32 $0xFFFFD800  }
0xa2: {  	_ =	swait.ge [sflag:s21], $0x1400  }
0xa3: {  	[sflag:s21] =	ssyncset.done $0x0  }
0xa4: {  	[sflag:s21] =	ssyncadd.s32 $0xFFFFEC00  }
0xa5: {  	[spmem:s3] =	stream.indirect.scatter.add.f32 [tilespmem:s25], [sflag:$0x4], $0x80, s31, s24, $0xb8;
	[tilespmem:$0x1F220] =	vst v63  }
0xa6: {  	s0 =	stileid.u32;
	_ =	swait.ge [sflag:s26], $0x1400  }
0xa7: {  	s1 =	sshrl.u32 s5, $0x3;
	s4 =	sadd.s32 $0x1, s4;
	[sflag:s26] =	ssyncset.done $0x0  }
0xa8: {  	s0 =	sshll.u32 s0, $0x6;
	p0 =	sne.s32 s4, s16;
	[sflag:s26] =	ssyncadd.s32 $0xFFFFEC00  }
.Ltmp2:
0xa9: {  	s0 =	sor.u32 $0x1C04, s0;
	[bflag:$0x0] =	sbarrier.arrive $0xFFFF;
	(pc) =	sbr.rel @p0 .LBB2_1-.Ltmp2, $4  }
0xaa: {  	[hbm:s15], [sflag:s0] =	dma.local [spmem:s1], $0x2800  }
0xab: {  	_ =	swait.ge [sflag:s26], $0x2800  }
0xac: {  	[sflag:s26] =	ssyncset.done $0x0  }
0xad: {  	[sflag:s26] =	ssyncadd.s32 $0xFFFFD800  }
0xae: {  	_ =	sfence.sel $0x180000  }
0xaf: {  	[bflag:$0x0] =	sbarrier.arrive $0xFFFF  }
0xb0: {  	_ =	strace $0x90000050  }
0xb1: {  	s0 =	stileid.u32;
	[bflag:$0x2] =	sbarrier.arrive $0xFFFF  }
0xb2: {  	p0 =	sne.s32 s0, $0x0;
	s0 =	rddreg [dreg:$0x3]  }
0xb3: {  	s0 =	sadd.s32 @!p0 $0x100000, s0  }
0xb4: {  	[sflag:s0] =	ssyncadd.tile.s32 @!p0 $0x1;
	_ =	shalt  }
.Lfunc_end2:
_tile_overlayer_lowered:
.L_overlay_start_2:
0xb5: {  	(tag) =	ssettag $0x2  }
0xb6: {  	s0 =	rddreg [dreg:$0x0];
	s2 =	stileid.u32  }
0xb7: {  	s1 =	rddreg [dreg:$0x1];
	p0 =	sne.s32 s2, $0x0  }
0xb8: {  	s3 =	rddreg [dreg:$0x2];
	[bflag:$0x3] =	sbarrier.arrive $0xFFFF;
	s2 =	simm.s32 @!p0 $0x1C04  }
0xb9: {  	[timem:s3], [sflag:s2] =	dma.local @!p0 [hbm:s0], s1  }
0xba: {  	s0 =	simm.s32 @!p0 $0x4  }
0xbb: {  	_ =	swait.ge @!p0 [sflag:s0], s1  }
0xbc: {  	s1 =	ssub.s32 @!p0 $0x0, s1;
	[sflag:s0] =	ssyncset.done @!p0 $0x0  }
0xbd: {  	[sflag:s0] =	ssyncadd.s32 @!p0 s1  }
0xbe: {  	[bflag:$0x3] =	sbarrier.arrive $0xFFFF  }
0xbf: {  	_ =	shalt  }

// kernel: kernel.9.cloned.1.call-start
scs
__scs_entry_jumppad:
0x0: {  	(pc) =	sbr.rel $0x88, $3  }
0x1: {  	(tag) =	ssettag $0x0;
	lr =	simm.s32 $0x1  }
0x2: {  	[smem:$0x3F92] =	sst lr;
	_ =	strace $0xD0000000  }
0x3: {  	_ = 	snop  }
0x4: {  	_ = 	snop  }
0x5: {  	_ = 	snop  }
0x6: {  	_ = 	snop  }
0x7: {  	_ = 	snop  }
__scs_overlays_trampoline_lowered:
0x8: {  	[smem:$0x3FA1] =	sst s0  }
0x9: {  	[smem:$0x3FA2] =	sst s1  }
0xa: {  	[smem:$0x3FA3] =	sst s2  }
0xb: {  	[smem:$0x3FA4] =	sst s3  }
0xc: {  	[smem:$0x3FA5] =	sst s4  }
0xd: {  	[smem:$0x3FA6] =	sst s5  }
0xe: {  	[smem:$0x3FA7] =	sst s6  }
0xf: {  	[smem:$0x3FA8] =	sst s7  }
0x10: {  	[smem:$0x3FA9] =	sst s8  }
0x11: {  	[smem:$0x3FAA] =	sst s9;
	s0 =	simm.s32 @!p0 $0x0  }
0x12: {  	s1 =	sld [smem:$0x3F90];
	s0 =	simm.s32 @p0 $0x1  }
0x13: {  	[smem:$0x3FAB] =	sst s0;
	s0 =	simm.s32 @!p1 $0x0  }
0x14: {  	s2 =	sld [smem:$0x3F8F];
	s0 =	simm.s32 @p1 $0x1  }
0x15: {  	[smem:$0x3FAC] =	sst s0;
	s0 =	simm.s32 @!p2 $0x0  }
0x16: {  	s3 =	sld [smem:$0x3FDB];
	s0 =	simm.s32 @p2 $0x1  }
0x17: {  	s4 =	simm.s32 $0x1BF5;
	[smem:$0x3FAE] =	sst s0  }
0x18: {  	s0 =	sld [smem:$0x3F91];
	_ =	swait.ge [sflag:s4], $0x0  }
0x19: {  	s7 =	sld [smem:$0x3F92]  }
0x1a: {  	s8 =	sadd.s32 $0xFFFFE003, lr  }
0x1b: {  	s9 =	sadd.s32 $0xFFFFFEF7, lr;
	s5 =	simm.s32 $0xFFFFFFFF;
	p2 =	slt.u32 s8, $0xFFFFF086  }
0x1c: {  	p1 =	slt.u32 s9, $0xF7A;
	s5 =	simm.s32 @!p2 $0x0  }
0x1d: {  	s5 =	simm.s32 @p1 $0x1;
	p0 =	seq.s32 s7, s2  }
0x1e: {  	s7 =	smul.u32 @!p0 $0xF7A, s2;
	p2 =	seq.s32 @!p0 s5, $0x0  }
0x1f: {  	s9 =	smul.u32 $0xF7A, s1;
	s8 =	simm.s32 @!p0 $0x1BF5;
	p2 =	por !p2, p0  }
0x20: {  	[sflag:s8] =	ssyncset.s32 @!p0 $0xFFFFF086;
	s6 =	sadd.s32 @!p0 s3, s7;
	s7 =	simm.s32 @!p0 $0x108  }
0x21: {  	s3 =	sadd.s32 s3, s9;
	s6 =	sadd.s32 @!p0 $0x88, s6;
	s7 =	simm.s32 @p2 $0x1082  }
0x22: {  	[simem:s7], [sflag:s8] =	dma.local @!p0 [hbm:s6], $0xF7A  }
0x23: {  	s9 =	sor.u32 $0xD0000000, s2;
	s6 =	simm.s32 $0x108;
	_ =	swait.ge @!p0 [sflag:s8], $0x0  }
0x24: {  	s3 =	sadd.s32 $0x88, s3;
	s6 =	simm.s32 @!p1 $0x1082;
	[sflag:s4] =	ssyncset.s32 $0xFFFFF086  }
0x25: {  	[simem:s6], [sflag:s4] =	dma.local [hbm:s3], $0xF7A  }
0x26: {  	[smem:$0x3F92] =	sst s1;
	(tag) =	ssettag s2;
	_ =	strace s9  }
0x27: {  	s1 =	sld [smem:$0x3FA2]  }
0x28: {  	s2 =	sld [smem:$0x3FA3]  }
0x29: {  	s4 =	sld [smem:$0x3FA5]  }
0x2a: {  	p0 =	seq.s32 s5, $0x0;
	s5 =	sld [smem:$0x3FA6]  }
0x2b: {  	s6 =	sld [smem:$0x3FA7]  }
0x2c: {  	s7 =	sld [smem:$0x3FA8]  }
0x2d: {  	s3 =	simm.s32 $0x108;
	s8 =	sld [smem:$0x3FA9]  }
0x2e: {  	s3 =	simm.s32 @!p0 $0x1082;
	s9 =	sld [smem:$0x3FAA]  }
0x2f: {  	lr =	sadd.s32 s0, s3;
	s0 =	sld [smem:$0x3FA1]  }
0x30: {  	s3 =	sld [smem:$0x3FA4]  }
0x31: {  	[smem:$0x3FAD] =	sst s10  }
0x32: {  	s10 =	sld [smem:$0x3FAB];
	_ =	sdelay $0x3  }
0x33: {  	p0 =	seq.s32 s10, $0x1;
	s10 =	sld [smem:$0x3FAD];
	_ =	sdelay $0x3  }
0x34: {  	[smem:$0x3FAD] =	sst s10  }
0x35: {  	s10 =	sld [smem:$0x3FAC];
	_ =	sdelay $0x3  }
0x36: {  	p1 =	seq.s32 s10, $0x1;
	s10 =	sld [smem:$0x3FAD];
	_ =	sdelay $0x3  }
0x37: {  	[smem:$0x3FAD] =	sst s10  }
0x38: {  	s10 =	sld [smem:$0x3FAE]  }
0x39: {  	_ = 	snop;
	(pc) =	sbr.ind lr, $3  }
0x3a: {  	_ = 	snop  }
0x3b: {  	_ = 	snop  }
0x3c: {  	p2 =	seq.s32 s10, $0x1;
	s10 =	sld [smem:$0x3FAD]  }
0x3d: {  	_ =	shalt  }
0x3e: {  	_ =	shalt  }
0x3f: {  	_ =	shalt  }
0x40: {  	_ =	shalt  }
0x41: {  	_ =	shalt  }
0x42: {  	_ =	shalt  }
0x43: {  	_ =	shalt  }
0x44: {  	_ =	shalt  }
0x45: {  	_ =	shalt  }
0x46: {  	_ =	shalt  }
0x47: {  	_ =	shalt  }
0x48: {  	_ =	shalt  }
0x49: {  	_ =	shalt  }
0x4a: {  	_ =	shalt  }
0x4b: {  	_ =	shalt  }
0x4c: {  	_ =	shalt  }
0x4d: {  	_ =	shalt  }
0x4e: {  	_ =	shalt  }
0x4f: {  	_ =	shalt  }
0x50: {  	_ =	shalt  }
0x51: {  	_ =	shalt  }
0x52: {  	_ =	shalt  }
0x53: {  	_ =	shalt  }
0x54: {  	_ =	shalt  }
0x55: {  	_ =	shalt  }
0x56: {  	_ =	shalt  }
0x57: {  	_ =	shalt  }
0x58: {  	_ =	shalt  }
0x59: {  	_ =	shalt  }
0x5a: {  	_ =	shalt  }
0x5b: {  	_ =	shalt  }
0x5c: {  	_ =	shalt  }
0x5d: {  	_ =	shalt  }
0x5e: {  	_ =	shalt  }
0x5f: {  	_ =	shalt  }
0x60: {  	_ =	shalt  }
0x61: {  	_ =	shalt  }
0x62: {  	_ =	shalt  }
0x63: {  	_ =	shalt  }
0x64: {  	_ =	shalt  }
0x65: {  	_ =	shalt  }
0x66: {  	_ =	shalt  }
0x67: {  	_ =	shalt  }
0x68: {  	_ =	shalt  }
0x69: {  	_ =	shalt  }
0x6a: {  	_ =	shalt  }
0x6b: {  	_ =	shalt  }
0x6c: {  	_ =	shalt  }
0x6d: {  	_ =	shalt  }
0x6e: {  	_ =	shalt  }
0x6f: {  	_ =	shalt  }
0x70: {  	_ =	shalt  }
0x71: {  	_ =	shalt  }
0x72: {  	_ =	shalt  }
0x73: {  	_ =	shalt  }
0x74: {  	_ =	shalt  }
0x75: {  	_ =	shalt  }
0x76: {  	_ =	shalt  }
0x77: {  	_ =	shalt  }
0x78: {  	_ =	shalt  }
0x79: {  	_ =	shalt  }
0x7a: {  	_ =	shalt  }
0x7b: {  	_ =	shalt  }
0x7c: {  	_ =	shalt  }
0x7d: {  	_ =	shalt  }
0x7e: {  	_ =	shalt  }
0x7f: {  	_ =	shalt  }
0x80: {  	_ =	shalt  }
0x81: {  	_ =	shalt  }
0x82: {  	_ =	shalt  }
0x83: {  	_ =	shalt  }
0x84: {  	_ =	shalt  }
0x85: {  	_ =	shalt  }
0x86: {  	_ =	shalt  }
0x87: {  	_ =	shalt  }
.Lfunc_end0:
.L_simem_size_0:
called_computation_lowered:
.L_overlay_start_0:
0x88: {  	s2 =	sld [smem:$0x3FD9]  }
0x89: {  	s3 =	sld [smem:$0x3FFE];
	_ =	sdelay $0x1  }
0x8a: {  	s1 =	srdreg.scid  }
0x8b: {  	s0 =	sand.u32 $0x1, s1  }
0x8c: {  	s17 =	sshll.u32 s0, $0xA;
	s2 =	sadd.s32 s3, s2  }
0x8d: {  	s2 =	sadd.s32 s2, s17  }
0x8e: {  	[smem:$0x3FB9] =	sst s2  }
0x8f: {  	_ = 	snop  }
0x90: {  	s2 =	sld [smem:$0x3FD0];
	(tm) =	ssettm $0x1  }
0x91: {  	s18 =	sld [smem:$0x3FFB];
	_ =	sdelay $0x3  }
0x92: {  	_ =	strace s18  }
0x93: {  	s3 =	sld [smem:$0x3FFC];
	_ =	sdelay $0x3  }
0x94: {  	_ =	strace s3  }
0x95: {  	s3 =	sld [smem:$0x3FFD];
	_ =	sdelay $0x3  }
0x96: {  	_ =	strace s3  }
0x97: {  	_ =	strace $0x8FFFFFFF  }
0x98: {  	s19 =	sld [smem:$0x3FDB];
	_ =	sdelay $0x1  }
0x99: {  	s4 =	simm.s32 $_scs_section_size  }
0x9a: {  	s5 =	simm.s32 $_size__tile_overlayer_lowered;
	s6 =	simm.s32 $_tile_overlayer_lowered  }
0x9b: {  	s22 =	simm.s32 $0x1BFF;
	s21 =	sshll.u32 s6, $0x1;
	s3 =	sadd.s32 s4, s19  }
0x9c: {  	s7 =	simm.s32 $0x0;
	s20 =	sshll.u32 s5, $0x1;
	s5 =	sadd.s32 s21, s3  }
0x9d: {  	[timem:s7], [sflag:s22] =	dma.local [hbm:s5], s20  }
0x9e: {  	_ =	swait.ge [sflag:s22], s20  }
0x9f: {  	s4 =	ssub.s32 $0x0, s20;
	[sflag:s22] =	ssyncset.done $0x0  }
0xa0: {  	[sflag:s22] =	ssyncadd.s32 s4;
	_ =	sdelay $0x1  }
0xa1: {  	s23 =	simm.s32 $0x1B8B  }
0xa2: {  	_ =	swait.ge [sflag:s23], $0x1  }
0xa3: {  	[sflag:s23] =	ssyncset.done $0x0  }
0xa4: {  	s25 =	simm.s32 $0x1B8E;
	s24 =	sld [smem:$0x3FFE];
	[sflag:s23] =	ssyncadd.s32 $0xFFFFFFFF  }
0xa5: {  	s26 =	simm.s32 $execute0_lowered;
	[smem:$0x3FD2] =	sst s25  }
0xa6: {  	s5 =	sshll.u32 s26, $0x1;
	_ =	strace $0x80000046;
	[dreg:$0x1] =	wrdreg $0xFFFFFFFF  }
0xa7: {  	s28 =	simm.s32 $_size_execute0_lowered;
	s3 =	sadd.s32 s3, s5;
	[dreg:$0x0] =	wrdreg $0x0  }
0xa8: {  	s5 =	sshll.u32 s28, $0x1;
	[dreg:$0x2] =	wrdreg s3  }
0xa9: {  	[dreg:$0x3] =	wrdreg s5  }
0xaa: {  	[dreg:$0x4] =	wrdreg $0xC0  }
0xab: {  	_ =	task [dreg:s7], $0x5FFFF  }
0xac: {  	[dreg:$0x1] =	wrdreg $0xFFFFFFFF  }
0xad: {  	[dreg:$0x0] =	wrdreg $0x60  }
0xae: {  	[dreg:$0x2] =	wrdreg s24  }
0xaf: {  	[dreg:$0x3] =	wrdreg s2  }
0xb0: {  	[dreg:$0x4] =	wrdreg $0x2C100  }
0xb1: {  	[dreg:$0x5] =	wrdreg $0x9  }
0xb2: {  	_ =	task.clear_ibuf [dreg:s7], $0x6FFFF;
	_ =	strace $0x90000046  }
0xb3: {  	s29 =	simm.s32 $0x9;
	_ =	strace $0x80000048  }
0xb4: {  	_ =	swait.ge [sflag:s29], $0x1  }
0xb5: {  	[sflag:s29] =	ssyncadd.s32 $0xFFFFFFFF  }
0xb6: {  	_ =	strace $0x90000048  }
0xb7: {  	_ =	sfence  }
0xb8: {  	s30 =	sld [smem:$0x0];
	_ =	sdelay $0x2  }
0xb9: {  	s31 =	sshll.u32 s1, $0xD;
	s1 =	sshrl.u32 s1, $0x2  }
0xba: {  	s3 =	sand.u32 $0x4000, s31;
	s1 =	sadd.s32 s1, s30  }
0xbb: {  	s0 =	sor.u32 s3, s0;
	s1 =	sshll.u32 s1, $0x11  }
0xbc: {  	s0 =	sor.u32 s1, s0  }
0xbd: {  	s0 =	sadd.s32 $0x8F2B, s0  }
0xbe: {  	[sflag:s0] =	ssyncadd.remote.s32 $0x1  }
0xbf: {  	_ =	sfence.sel $0xFFFF  }
0xc0: {  	[dreg:$0x0] =	wrdreg $0xFFFFFFFF;
	(pc) =	sbr.abs _section_cstart, $3  }
0xc1: {  	[dreg:$0x1] =	wrdreg $0xFFFFFFFF  }
0xc2: {  	_ =	task.clear_ibuf [dreg:s7], $0x2FFFF;
	_ =	strace $0x9FFFFFFF  }
0xc3: {  	(tm) =	ssettm $0x7FFFFFFF  }
tec
execute0_lowered:
.L_overlay_start_1:
0x0: {  	(tag) =	ssettag $0x1  }
0x1: {  	s11 =	rddreg [dreg:$0x0]  }
0x2: {  	s13 =	rddreg [dreg:$0x1]  }
0x3: {  	s2 =	rddreg [dreg:$0x2]  }
0x4: {  	s0 =	rddreg [dreg:$0x3]  }
0x5: {  	s4 =	srdreg.scid;
	s3 =	simm.s32 $0x0;
	s1 =	stileid.u32  }
0x6: {  	s18 =	simm.s32 $0x50;
	s8 =	sand.u32 $0x1, s4;
	s5 =	smul.u32 $0xA000, s1  }
0x7: {  	[smem:$0x7FF] =	sst s3;
	s7 =	sshll.u32 s1, $0x1;
	s12 =	smul.u32 $0x2800, s1  }
0x8: {  	s19 =	sshll.u32 s1, $0x6;
	s4 =	ssub.s32 $0x2, s8;
	_ =	strace $0x80000047  }
0x9: {  	s30 =	sor.u32 s8, s7;
	s16 =	smul.u32 $0x28000, s8;
	s19 =	sor.u32 $0x1C02, s19  }
0xa: {  	s6 =	sshrl.u32 s4, $0x1;
	s5 =	sshrl.u32 s5, $0x2;
	s10 =	smul.u32 $0x2710, s30  }
0xb: {  	s14 =	ssub.s32 s4, s6;
	s15 =	sadd.s32 s5, s2;
	s4 =	sadd.s32 s12, s2  }
0xc: {  	s16 =	sadd.s32 s12, s16;
	s5 =	sadd.s32 $0x500, s15;
	s6 =	sadd.s32 $0xA00, s15  }
0xd: {  	s7 =	sadd.s32 $0xF00, s15;
	s8 =	sadd.s32 $0x1400, s15;
	s9 =	sadd.s32 $0x1900, s15  }
0xe: {  	s17 =	sshrl.u32 s10, $0x3;
	s10 =	sadd.s32 $0x1E00, s15;
	s31 =	sshrl.u32 s16, $0x3  }
0xf: {  	s14 =	smax.u32 s14, $0x1;
	s16 =	simm.s32 $0x2;
	s20 =	sshrl.u32 s4, $0x3  }
0x10: {  	s17 =	sadd.s32 s11, s17;
	s11 =	sadd.s32 $0x2300, s15;
	s13 =	sadd.s32 s13, s31  }
0x11: {  	v0 =	vimm.f32 $0.0e+00;
	v1 =	vimm.f32 $1.000000000e+00;
	s15 =	simm.s32 $0x2710;
	s12 =	sadd.s32 $0xE440, s17;
	s17 =	simm.s32 $0x1  }
.LBB2_1:
0x12: {  	s21 =	simm.s32 $0x40;
	s22 =	simm.s32 $0x0  }
.LBB2_2:
0x13: {  	p0 =	sne.s32 s21, $0x13C0;
	[tilespmem:s22+$0x2710] =	vst v0;
	s22 =	smov.u32 s21;
	s21 =	sadd.s32 $0x40, s21  }
.Ltmp0:
0x14: {  	(pc) =	sbr.rel @p0 .LBB2_2-.Ltmp0, $2  }
0x15: {  	_ =	sdelay $0x2  }
0x16: {  	s22 =	sshra.s32 s22, $0x2  }
0x17: {  	[tilespmem:s22+$0x2710] =	vst v0  }
0x18: {  	[spmem:s4] =	stream.linear.scatter [tilespmem:s15], [sflag:$0x1], $0x500, $0x38;
	[tilespmem:$0x5410] =	vst v63  }
0x19: {  	_ = 	snop  }
0x1a: {  	[spmem:s5] =	stream.linear.scatter [tilespmem:s15], [sflag:$0x1], $0x500, $0x38;
	[tilespmem:$0x5410] =	vst v63  }
0x1b: {  	_ = 	snop  }
0x1c: {  	[spmem:s6] =	stream.linear.scatter [tilespmem:s15], [sflag:$0x1], $0x500, $0x38;
	[tilespmem:$0x5410] =	vst v63  }
0x1d: {  	_ = 	snop  }
0x1e: {  	[spmem:s7] =	stream.linear.scatter [tilespmem:s15], [sflag:$0x1], $0x500, $0x38;
	[tilespmem:$0x5410] =	vst v63  }
0x1f: {  	_ = 	snop  }
0x20: {  	[spmem:s8] =	stream.linear.scatter [tilespmem:s15], [sflag:$0x1], $0x500, $0x38;
	[tilespmem:$0x5410] =	vst v63  }
0x21: {  	_ = 	snop  }
0x22: {  	[spmem:s9] =	stream.linear.scatter [tilespmem:s15], [sflag:$0x1], $0x500, $0x38;
	[tilespmem:$0x5410] =	vst v63  }
0x23: {  	_ = 	snop  }
0x24: {  	[spmem:s10] =	stream.linear.scatter [tilespmem:s15], [sflag:$0x1], $0x500, $0x38;
	[tilespmem:$0x5410] =	vst v63  }
0x25: {  	_ = 	snop  }
0x26: {  	[spmem:s11] =	stream.linear.scatter [tilespmem:s15], [sflag:$0x1], $0x500, $0x38;
	[tilespmem:$0x5410] =	vst v63  }
0x27: {  	s21 =	simm.s32 $0x0  }
0x28: {  	[tilespmem:s21], [sflag:$0x2] =	stream.linear.gather [hbm4b:s12+s21], $0x2710, $0x38;
	[tilespmem:$0x5410] =	vst v63  }
0x29: {  	_ =	swait.ge [sflag:s16], $0x2710  }
0x2a: {  	[sflag:s16] =	ssyncset.done $0x0  }
0x2b: {  	[sflag:s16] =	ssyncadd.s32 $0xFFFFD8F0  }
0x2c: {  	_ =	swait.ge [sflag:s17], $0x500  }
0x2d: {  	[sflag:s17] =	ssyncset.done $0x0  }
0x2e: {  	[sflag:s17] =	ssyncadd.s32 $0xFFFFFB00  }
0x2f: {  	_ =	swait.ge [sflag:s17], $0x500  }
0x30: {  	[sflag:s17] =	ssyncset.done $0x0  }
0x31: {  	[sflag:s17] =	ssyncadd.s32 $0xFFFFFB00  }
0x32: {  	_ =	swait.ge [sflag:s17], $0x500  }
0x33: {  	[sflag:s17] =	ssyncset.done $0x0  }
0x34: {  	[sflag:s17] =	ssyncadd.s32 $0xFFFFFB00  }
0x35: {  	_ =	swait.ge [sflag:s17], $0x500  }
0x36: {  	[sflag:s17] =	ssyncset.done $0x0  }
0x37: {  	[sflag:s17] =	ssyncadd.s32 $0xFFFFFB00  }
0x38: {  	_ =	swait.ge [sflag:s17], $0x500  }
0x39: {  	[sflag:s17] =	ssyncset.done $0x0  }
0x3a: {  	[sflag:s17] =	ssyncadd.s32 $0xFFFFFB00  }
0x3b: {  	_ =	swait.ge [sflag:s17], $0x500  }
0x3c: {  	[sflag:s17] =	ssyncset.done $0x0  }
0x3d: {  	[sflag:s17] =	ssyncadd.s32 $0xFFFFFB00  }
0x3e: {  	_ =	swait.ge [sflag:s17], $0x500  }
0x3f: {  	[sflag:s17] =	ssyncset.done $0x0  }
0x40: {  	[sflag:s17] =	ssyncadd.s32 $0xFFFFFB00  }
0x41: {  	_ =	swait.ge [sflag:s17], $0x500  }
0x42: {  	[sflag:s17] =	ssyncset.done $0x0  }
0x43: {  	s22 =	simm.s32 $0x0;
	s21 =	simm.s32 $0x40;
	[sflag:s17] =	ssyncadd.s32 $0xFFFFFB00  }
.LBB2_4:
0x44: {  	p0 =	sne.s32 s21, $0x13C0;
	[tilespmem:s22+$0x2710] =	vst v1;
	s22 =	smov.u32 s21;
	s21 =	sadd.s32 $0x40, s21  }
.Ltmp1:
0x45: {  	(pc) =	sbr.rel @p0 .LBB2_4-.Ltmp1, $2  }
0x46: {  	_ =	sdelay $0x2  }
0x47: {  	s22 =	sshra.s32 s22, $0x2  }
0x48: {  	[tilespmem:s22+$0x2710] =	vst v1  }
0x49: {  	s21 =	simm.s32 $0x0;
	[bflag:$0x0] =	sbarrier.arrive $0xFFFF  }
.LBB2_6:
0x4a: {  	p0 =	sne.s32 s21, $0x9B00  }
.Ltmp2:
0x4b: {  	_ = 	snop;
	(pc) =	sbr.rel @p0 .LBB2_6-.Ltmp2, $3  }
0x4c: {  	_ =	sdelay $0x1  }
0x4d: {  	s22 =	sshra.s32 s21, $0x2;
	s21 =	sadd.s32 $0x140, s21  }
0x4e: {  	[spmem:s2] =	stream.indirect.scatter.add.f32 [tilespmem:s15], [sflag:$0x1], $0x10, s22, s18, $0xb8;
	[tilespmem:$0x5410] =	vst v63  }
0x4f: {  	_ =	swait.ge [sflag:s17], $0x500  }
0x50: {  	s21 =	simm.s32 $0x7C;
	[sflag:s17] =	ssyncset.done $0x0  }
.LBB2_8:
0x51: {  	p0 =	sne.s32 s21, $0x1;
	s21 =	sadd.s32 $0xFFFFFFFF, s21;
	[sflag:s17] =	ssyncadd.s32 $0xFFFFFB00  }
.Ltmp3:
0x52: {  	(pc) =	sbr.rel @p0 .LBB2_8-.Ltmp3, $3  }
0x53: {  	_ =	sdelay $0x1  }
0x54: {  	_ =	swait.ge [sflag:s17], $0x500  }
0x55: {  	[sflag:s17] =	ssyncset.done $0x0  }
0x56: {  	s3 =	sadd.s32 $0x1, s3  }
0x57: {  	[sflag:s17] =	ssyncadd.s32 $0xFFFFFB00;
	p0 =	sne.s32 s3, s14  }
.Ltmp4:
0x58: {  	[bflag:$0x0] =	sbarrier.arrive $0xFFFF;
	(pc) =	sbr.rel @p0 .LBB2_1-.Ltmp4, $4  }
0x59: {  	[hbm:s13], [sflag:s19] =	dma.local [spmem:s20], $0x500  }
0x5a: {  	_ =	swait.ge [sflag:s16], $0x500  }
0x5b: {  	[sflag:s16] =	ssyncset.done $0x0  }
0x5c: {  	[sflag:s16] =	ssyncadd.s32 $0xFFFFFB00  }
0x5d: {  	_ =	sfence.sel $0x180000  }
0x5e: {  	[bflag:$0x0] =	sbarrier.arrive $0xFFFF  }
0x5f: {  	p0 =	sne.s32 s1, $0x0;
	_ =	strace $0x90000047  }
0x60: {  	s0 =	sadd.s32 @!p0 $0x100000, s0;
	[bflag:$0x2] =	sbarrier.arrive $0xFFFF  }
0x61: {  	[sflag:s0] =	ssyncadd.tile.s32 @!p0 $0x1;
	_ =	shalt  }
.Lfunc_end2:
_tile_overlayer_lowered:
.L_overlay_start_2:
0x62: {  	(tag) =	ssettag $0x2  }
0x63: {  	s0 =	rddreg [dreg:$0x0];
	s2 =	stileid.u32  }
0x64: {  	s1 =	rddreg [dreg:$0x1];
	p0 =	sne.s32 s2, $0x0  }
0x65: {  	s3 =	rddreg [dreg:$0x2];
	[bflag:$0x3] =	sbarrier.arrive $0xFFFF;
	s2 =	simm.s32 @!p0 $0x1C02  }
0x66: {  	[timem:s3], [sflag:s2] =	dma.local @!p0 [hbm:s0], s1  }
0x67: {  	s0 =	simm.s32 @!p0 $0x2  }
0x68: {  	_ =	swait.ge @!p0 [sflag:s0], s1  }
0x69: {  	s1 =	ssub.s32 @!p0 $0x0, s1;
	[sflag:s0] =	ssyncset.done @!p0 $0x0  }
0x6a: {  	[sflag:s0] =	ssyncadd.s32 @!p0 s1  }
0x6b: {  	[bflag:$0x3] =	sbarrier.arrive $0xFFFF  }
0x6c: {  	_ =	shalt  }

</sc_bundles>
